<compile_context>
chip_gen: v7x
topology: tpu7x:2x2x1
jax: 0.10.2.dev20260603
libtpu: 0.0.44.dev20260713+nightly
codegen_flags: <defaults>
</compile_context>

<pallas_src>
import jax
import jax.numpy as jnp
from jax import lax
from jax.experimental import pallas as pl
from jax.experimental.pallas import tpu as pltpu
from jax.experimental.pallas import tpu_sc as plsc

N = 10000
NP = 10240
E = 160000
F = 256
FH = 128
NC = 2
NS = 16
RPT = NP // NS
CH = 128
NCHUNK = E // CH

_MESH = plsc.VectorSubcoreMesh(core_axis_name="c", subcore_axis_name="s")


DCPT = 40


def _deg_body(tbl, degp, degacc, onesb, db0, db1, db2, db3,
              sd0, sd1, sd2, sd3, ssd0, ssd1):
    c = lax.axis_index("c")
    t = lax.axis_index("s")
    db = [db0, db1, db2, db3]
    sd = [sd0, sd1, sd2, sd3]
    ssd = [ssd0, ssd1]

    def fill_z(r, carry):
        for j in range(FH // 16):
            onesb[r, pl.ds(j * 16, 16)] = jnp.zeros((16,), jnp.float32)
        return carry

    def fill_1(r, carry):
        for j in range(FH // 16):
            onesb[r, pl.ds(j * 16, 16)] = jnp.ones((16,), jnp.float32)
        return carry

    lax.fori_loop(0, CH, fill_z, 0)

    def zc(k, carry):
        pltpu.sync_copy(onesb, degacc.at[pl.ds(t * RPT + k * CH, CH)])
        return carry

    lax.fori_loop(0, RPT // CH, zc, 0)
    lax.fori_loop(0, CH, fill_1, 0)

    dbase = 2 * TOT_E + (c * (NCHUNK_PAD // 2) + t * DCPT) * CH

    def ld_idx(n, p):
        pltpu.async_copy(tbl.at[pl.ds(dbase + n * CH, CH)], db[p], sd[p])

    def wait_idx(n, p):
        pltpu.make_async_copy(tbl.at[pl.ds(dbase + n * CH, CH)],
                              db[p], sd[p]).wait()

    ld_idx(0, 0)
    ld_idx(1, 1)
    plsc.subcore_barrier()

    def quad(k, carry):
        for q in range(4):
            n = 4 * k + q
            b = q % 2

            @pl.when(n >= 2)
            def _():
                pltpu.make_async_copy(onesb, degacc.at[db[(q + 2) % 4]],
                                      ssd[b]).wait()

            @pl.when(n < DCPT - 2)
            def _():
                ld_idx(n + 2, (q + 2) % 4)

            wait_idx(n, q)
            pltpu.async_copy(onesb, degacc.at[db[q]], ssd[b], add=True)

        return carry

    lax.fori_loop(0, DCPT // 4, quad, 0)
    pltpu.make_async_copy(onesb, degacc.at[db[2]], ssd[0]).wait()
    pltpu.make_async_copy(onesb, degacc.at[db[3]], ssd[1]).wait()

    plsc.subcore_barrier()
    pltpu.sync_copy(degacc.at[pl.ds(t * RPT, RPT)],
                    degp.at[pl.ds(c * NP + t * RPT, RPT)])


_DEG_SCRATCH = [
    pltpu.VMEM_SHARED((NP, FH), jnp.float32),
    pltpu.VMEM((CH, FH), jnp.float32),
] + [pltpu.VMEM((CH,), jnp.int32)] * 4 + [pltpu.SemaphoreType.DMA] * 6
_deg_call = pl.kernel(
    _deg_body,
    out_type=jax.ShapeDtypeStruct((NC * NP, FH), jnp.float32),
    mesh=_MESH,
    scratch_types=_DEG_SCRATCH,
)


NCHUNK_PAD = 1280
CPT = NCHUNK_PAD // NS
TOT_E = NCHUNK_PAD * CH
NPA = 10112
RPA = NPA // NS


def _hop_body(gtab, tbl, out, acc, r0, r1,
              sa0, sa1, sa2, sa3, da0, da1, da2, da3,
              sg0, sg1, ss0, ss1, si0, si1, si2, si3):
    c = lax.axis_index("c")
    t = lax.axis_index("s")
    rows = [r0, r1]
    sa = [sa0, sa1, sa2, sa3]
    da = [da0, da1, da2, da3]
    sg = [sg0, sg1]
    ss = [ss0, ss1]
    si = [si0, si1, si2, si3]

    def zr(r, carry):
        for j in range(FH // 16):
            r0[r, pl.ds(j * 16, 16)] = jnp.zeros((16,), jnp.float32)
        return carry

    lax.fori_loop(0, CH, zr, 0)

    def zc(k, carry):
        pltpu.sync_copy(r0, acc.at[pl.ds(t * RPA + k * CH, CH)])
        return carry

    lax.fori_loop(0, RPA // CH, zc, 0)
    pltpu.sync_copy(r0.at[pl.ds(0, RPA % CH)],
                    acc.at[pl.ds(t * RPA + (RPA // CH) * CH, RPA % CH)])

    sbase = c * TOT_E + t * (CPT * CH)
    dbase = 2 * TOT_E + t * (CPT * CH)

    def ld_idx(n, p):
        pltpu.async_copy(tbl.at[pl.ds(sbase + n * CH, CH)], sa[p], si[p])
        pltpu.async_copy(tbl.at[pl.ds(dbase + n * CH, CH)], da[p], si[p])

    def wait_idx(n, p):
        pltpu.make_async_copy(tbl.at[pl.ds(sbase + n * CH, CH)],
                              sa[p], si[p]).wait()
        pltpu.make_async_copy(tbl.at[pl.ds(dbase + n * CH, CH)],
                              da[p], si[p]).wait()

    plsc.subcore_barrier()

    ld_idx(0, 0)
    ld_idx(1, 1)
    wait_idx(0, 0)
    pltpu.async_copy(gtab.at[sa[0]], rows[0], sg[0])

    def quad(k, carry):
        for q in range(4):
            n = 4 * k + q
            b = q % 2
            p, pn, p2 = q, (q + 1) % 4, (q + 2) % 4
            pltpu.make_async_copy(gtab.at[sa[p]], rows[b], sg[b]).wait()
            pltpu.async_copy(rows[b], acc.at[da[p]], ss[b], add=True)

            @pl.when(n < CPT - 1)
            def _():
                wait_idx(n + 1, pn)

            @pl.when(n >= 1)
            def _():
                pltpu.make_async_copy(rows[1 - b], acc.at[da[(q + 3) % 4]],
                                      ss[1 - b]).wait()

            @pl.when(n < CPT - 1)
            def _():
                pltpu.async_copy(gtab.at[sa[pn]], rows[1 - b], sg[1 - b])

            @pl.when(n < CPT - 2)
            def _():
                ld_idx(n + 2, p2)

        return carry

    lax.fori_loop(0, CPT // 4, quad, 0)
    pltpu.make_async_copy(rows[1], acc.at[da[3]], ss[1]).wait()

    plsc.subcore_barrier()
    pltpu.sync_copy(acc.at[pl.ds(t * RPA, RPA)],
                    out.at[pl.ds(c * NP + t * RPA, RPA)])


_HOP_SCRATCH = [
    pltpu.VMEM_SHARED((NPA, FH), jnp.float32),
    pltpu.VMEM((CH, FH), jnp.float32),
    pltpu.VMEM((CH, FH), jnp.float32),
] + [pltpu.VMEM((CH,), jnp.int32)] * 8 + [pltpu.SemaphoreType.DMA] * 8
_hop_call = pl.kernel(
    _hop_body,
    out_type=jax.ShapeDtypeStruct((NC * NP, FH), jnp.float32),
    mesh=_MESH,
    scratch_types=_HOP_SCRATCH,
)


def _prep_body(x_ref, degp_ref, nrm_ref, nrm2_ref, g0_ref):
    d = jnp.maximum(degp_ref[0][:, :16] + degp_ref[1][:, :16], 1.0)
    nr = lax.rsqrt(d)
    nrm_ref[...] = nr
    nrm2_ref[...] = nr * nr
    s = nr[:, :1]
    g0_ref[0] = x_ref[:, :FH] * s
    g0_ref[1] = x_ref[:, FH:] * s


def _prep_call(x, degp):
    bn = 640
    return pl.pallas_call(
        _prep_body,
        grid=(NP // bn,),
        in_specs=[
            pl.BlockSpec((bn, F), lambda i: (i, 0)),
            pl.BlockSpec((NC, bn, FH), lambda i: (0, i, 0)),
        ],
        out_specs=[
            pl.BlockSpec((bn, 16), lambda i: (i, 0)),
            pl.BlockSpec((bn, 16), lambda i: (i, 0)),
            pl.BlockSpec((NC, bn, FH), lambda i: (0, i, 0)),
        ],
        out_shape=[
            jax.ShapeDtypeStruct((NP, 16), jnp.float32),
            jax.ShapeDtypeStruct((NP, 16), jnp.float32),
            jax.ShapeDtypeStruct((NC, NP, FH), jnp.float32),
        ],
    )(x, degp)


def _scale_body(s_ref, nrm2_ref, g_ref):
    s2 = nrm2_ref[:, :1]
    g_ref[0] = s_ref[0] * s2
    g_ref[1] = s_ref[1] * s2


def _scale_call(s, nrm2):
    bn = 640
    return pl.pallas_call(
        _scale_body,
        grid=(NP // bn,),
        in_specs=[
            pl.BlockSpec((NC, bn, FH), lambda i: (0, i, 0)),
            pl.BlockSpec((bn, 16), lambda i: (i, 0)),
        ],
        out_specs=pl.BlockSpec((NC, bn, FH), lambda i: (0, i, 0)),
        out_shape=jax.ShapeDtypeStruct((NC, NP, FH), jnp.float32),
    )(s, nrm2)


def _head_body(s_ref, nrm_ref, wsg_ref, bsg_ref, wh_ref, bh_ref,
               h_ref, log_ref):
    nr = nrm_ref[:, :1]
    bf = jnp.bfloat16
    p0 = (s_ref[0] * nr).astype(bf)
    p1 = (s_ref[1] * nr).astype(bf)
    h = jnp.dot(p0, wsg_ref[:FH, :].astype(bf),
                preferred_element_type=jnp.float32)
    h = h + jnp.dot(p1, wsg_ref[FH:, :].astype(bf),
                    preferred_element_type=jnp.float32)
    h = h + bsg_ref[...]
    h_ref[...] = h
    log_ref[...] = (
        jnp.dot(h.astype(bf), wh_ref[...].astype(bf),
                preferred_element_type=jnp.float32)
        + bh_ref[...]
    )


def _head_call(s, nrm, W_sg, b_sg, W_head, b_head):
    bn = 1000
    NH = W_sg.shape[1]
    NCL = W_head.shape[1]
    return pl.pallas_call(
        _head_body,
        grid=(N // bn,),
        in_specs=[
            pl.BlockSpec((NC, bn, FH), lambda i: (0, i, 0)),
            pl.BlockSpec((bn, 16), lambda i: (i, 0)),
            pl.BlockSpec((F, NH), lambda i: (0, 0)),
            pl.BlockSpec((1, NH), lambda i: (0, 0)),
            pl.BlockSpec((NH, NCL), lambda i: (0, 0)),
            pl.BlockSpec((1, NCL), lambda i: (0, 0)),
        ],
        out_specs=[
            pl.BlockSpec((bn, NH), lambda i: (i, 0)),
            pl.BlockSpec((bn, NCL), lambda i: (i, 0)),
        ],
        out_shape=[
            jax.ShapeDtypeStruct((N, NH), jnp.float32),
            jax.ShapeDtypeStruct((N, NCL), jnp.float32),
        ],
    )(s, nrm, W_sg, b_sg, W_head, b_head)


def kernel(features, edge_index, W_sg, b_sg, W_head, b_head):
    pad = TOT_E - E
    pad_idx = jnp.arange(pad, dtype=jnp.int32) % (NPA - N) + N
    src_p = jnp.concatenate([edge_index[0], pad_idx])
    dst_p = jnp.concatenate([edge_index[1], pad_idx])
    tbl = jnp.concatenate([src_p, src_p + NP, dst_p])
    degp = _deg_call(tbl).reshape(NC, NP, FH)
    nrm, nrm2, g0 = _prep_call(features, degp)
    s1 = _hop_call(g0.reshape(NC * NP, FH), tbl)
    g1 = _scale_call(s1.reshape(NC, NP, FH), nrm2)
    s2 = _hop_call(g1.reshape(NC * NP, FH), tbl)
    h, logits = _head_call(s2.reshape(NC, NP, FH), nrm,
                           W_sg, b_sg.reshape(1, -1),
                           W_head, b_head.reshape(1, -1))
    return (h, logits)

# --- scband reference (transcript-rebuilt; emitter-appended) ---
"""Pipeline reference for scband-sgc-70540542869746 (READ-ONLY COPY).

The authoritative reference and input builder live on the scoring server;
editing this copy changes nothing except your own understanding.
"""

import jax, jax.numpy as jnp
import numpy as np

N = 10000
E = 160000
IN_FEATS = 256
N_HIDDEN = 512
N_CLASSES = 128
K_HOPS = 2


def setup_inputs(seed: int = 0) -> dict:
    key = jax.random.key(seed)
    k1, k2, k3, k4 = jax.random.split(key, 4)
    features = jax.random.normal(k1, (N, IN_FEATS), dtype=jnp.float32)
    edge_index = jax.random.randint(k2, (2, E), 0, N, dtype=jnp.int32)
    W_sg = jax.random.normal(k3, (IN_FEATS, N_HIDDEN), dtype=jnp.float32) * (1.0 / np.sqrt(IN_FEATS))
    b_sg = jnp.zeros((N_HIDDEN,), dtype=jnp.float32)
    W_head = jax.random.normal(k4, (N_HIDDEN, N_CLASSES), dtype=jnp.float32) * (1.0 / np.sqrt(N_HIDDEN))
    b_head = jnp.zeros((N_CLASSES,), dtype=jnp.float32)
    return {"features": features, "edge_index": edge_index, "W_sg": W_sg, "b_sg": b_sg, "W_head": W_head, "b_head": b_head}


def reference(features, edge_index, W_sg, b_sg, W_head, b_head):
    # SGConv (DGL-style): k-step symmetric-normalized propagation, then linear,
    # followed by the classification head. Returns (h, logits) like the torch module.
    src = edge_index[0]
    dst = edge_index[1]
    deg = jax.ops.segment_sum(jnp.ones((E,), dtype=jnp.float32), dst, num_segments=N)
    deg = jnp.where(deg > 0, deg, 1.0)
    norm = deg ** (-0.5)
    h = features
    for _ in range(K_HOPS):
        h = h * norm[:, None]
        h = jax.ops.segment_sum(h[src], dst, num_segments=N)
        h = h * norm[:, None]
    h = h @ W_sg + b_sg
    logits = h @ W_head + b_head
    return (h, logits)

if __name__ == "__main__":
    import jax
    _d = setup_inputs()
    print(jax.jit(kernel)(*tuple(_d.values())))

</pallas_src>

<mosaic_0001>
#map = affine_map<(d0, d1) -> (0)>
#map1 = affine_map<(d0, d1) -> (0, 0)>
module attributes {stable_mosaic.version = 14 : i64} {
  func.func @_deg_body(%arg0: i32, %arg1: i32, %arg2: memref<491520xi32, #tpu.memory_space<hbm>>, %arg3: memref<20480x128xf32, #tpu.memory_space<hbm>>, %arg4: memref<10240x128xf32, #tpu.memory_space<vmem_shared>>, %arg5: memref<128x128xf32, #tpu.memory_space<vmem>>, %arg6: memref<128xi32, #tpu.memory_space<vmem>>, %arg7: memref<128xi32, #tpu.memory_space<vmem>>, %arg8: memref<128xi32, #tpu.memory_space<vmem>>, %arg9: memref<128xi32, #tpu.memory_space<vmem>>, %arg10: memref<!tpu.dma_semaphore, #tpu.memory_space<semaphore_mem>>, %arg11: memref<!tpu.dma_semaphore, #tpu.memory_space<semaphore_mem>>, %arg12: memref<!tpu.dma_semaphore, #tpu.memory_space<semaphore_mem>>, %arg13: memref<!tpu.dma_semaphore, #tpu.memory_space<semaphore_mem>>, %arg14: memref<!tpu.dma_semaphore, #tpu.memory_space<semaphore_mem>>, %arg15: memref<!tpu.dma_semaphore, #tpu.memory_space<semaphore_mem>>) attributes {dimension_semantics = [#tpu.dimension_semantics<core_parallel>, #tpu.dimension_semantics<subcore_parallel>], iteration_bounds = array<i64: 2, 16>, scalar_prefetch = 0 : i64, scratch_operands = 12 : i64, tpu.core_type = #tpu.core_type<sc_vector_subcore>, window_params = [{transform_indices = #map}, {transform_indices = #map1}]} {
    %scan3A = arith.constant 0 : i32
    %scan3A_0 = arith.constant 0 : i32
    %scan3A_1 = arith.constant 128 : i32
    %scan3A_2 = arith.addi %scan3A_0, %scan3A_1 : i32
    %scan3A_3 = arith.constant 1 : i32
    scf.for %scan3A_50 = %scan3A_0 to %scan3A_2 step %scan3A_3  : i32 {
      %broadcast_in_dim3A = arith.constant 0.000000e+00 : f32
      %broadcast_in_dim3A_51 = vector.broadcast %broadcast_in_dim3A : f32 to vector<16xf32>
      %swap3A = arith.index_cast %scan3A_50 : i32 to index
      %swap3A_52 = arith.constant 0 : index
      %swap3A_53 = tpu.vector_load %arg5[%swap3A, %swap3A_52] {strides = array<i32>} : memref<128x128xf32, #tpu.memory_space<vmem>>, vector<1x16xf32>,
      %swap3A_54 = vector.shape_cast %swap3A_53 : vector<1x16xf32> to vector<16xf32>
      %swap3A_55 = vector.shape_cast %broadcast_in_dim3A_51 : vector<16xf32> to vector<1x16xf32>
      tpu.vector_store %arg5[%swap3A, %swap3A_52], %swap3A_55 {strides = array<i32>} : memref<128x128xf32, #tpu.memory_space<vmem>>, vector<1x16xf32>,
      %broadcast_in_dim3A_56 = arith.constant 0.000000e+00 : f32
      %broadcast_in_dim3A_57 = vector.broadcast %broadcast_in_dim3A_56 : f32 to vector<16xf32>
      %swap3A_58 = arith.index_cast %scan3A_50 : i32 to index
      %swap3A_59 = arith.constant 16 : index
      %swap3A_60 = tpu.vector_load %arg5[%swap3A_58, %swap3A_59] {strides = array<i32>} : memref<128x128xf32, #tpu.memory_space<vmem>>, vector<1x16xf32>,
      %swap3A_61 = vector.shape_cast %swap3A_60 : vector<1x16xf32> to vector<16xf32>
      %swap3A_62 = vector.shape_cast %broadcast_in_dim3A_57 : vector<16xf32> to vector<1x16xf32>
      tpu.vector_store %arg5[%swap3A_58, %swap3A_59], %swap3A_62 {strides = array<i32>} : memref<128x128xf32, #tpu.memory_space<vmem>>, vector<1x16xf32>,
      %broadcast_in_dim3A_63 = arith.constant 0.000000e+00 : f32
      %broadcast_in_dim3A_64 = vector.broadcast %broadcast_in_dim3A_63 : f32 to vector<16xf32>
      %swap3A_65 = arith.index_cast %scan3A_50 : i32 to index
      %swap3A_66 = arith.constant 32 : index
      %swap3A_67 = tpu.vector_load %arg5[%swap3A_65, %swap3A_66] {strides = array<i32>} : memref<128x128xf32, #tpu.memory_space<vmem>>, vector<1x16xf32>,
      %swap3A_68 = vector.shape_cast %swap3A_67 : vector<1x16xf32> to vector<16xf32>
      %swap3A_69 = vector.shape_cast %broadcast_in_dim3A_64 : vector<16xf32> to vector<1x16xf32>
      tpu.vector_store %arg5[%swap3A_65, %swap3A_66], %swap3A_69 {strides = array<i32>} : memref<128x128xf32, #tpu.memory_space<vmem>>, vector<1x16xf32>,
      %broadcast_in_dim3A_70 = arith.constant 0.000000e+00 : f32
      %broadcast_in_dim3A_71 = vector.broadcast %broadcast_in_dim3A_70 : f32 to vector<16xf32>
      %swap3A_72 = arith.index_cast %scan3A_50 : i32 to index
      %swap3A_73 = arith.constant 48 : index
      %swap3A_74 = tpu.vector_load %arg5[%swap3A_72, %swap3A_73] {strides = array<i32>} : memref<128x128xf32, #tpu.memory_space<vmem>>, vector<1x16xf32>,
      %swap3A_75 = vector.shape_cast %swap3A_74 : vector<1x16xf32> to vector<16xf32>
      %swap3A_76 = vector.shape_cast %broadcast_in_dim3A_71 : vector<16xf32> to vector<1x16xf32>
      tpu.vector_store %arg5[%swap3A_72, %swap3A_73], %swap3A_76 {strides = array<i32>} : memref<128x128xf32, #tpu.memory_space<vmem>>, vector<1x16xf32>,
      %broadcast_in_dim3A_77 = arith.constant 0.000000e+00 : f32
      %broadcast_in_dim3A_78 = vector.broadcast %broadcast_in_dim3A_77 : f32 to vector<16xf32>
      %swap3A_79 = arith.index_cast %scan3A_50 : i32 to index
      %swap3A_80 = arith.constant 64 : index
      %swap3A_81 = tpu.vector_load %arg5[%swap3A_79, %swap3A_80] {strides = array<i32>} : memref<128x128xf32, #tpu.memory_space<vmem>>, vector<1x16xf32>,
      %swap3A_82 = vector.shape_cast %swap3A_81 : vector<1x16xf32> to vector<16xf32>
      %swap3A_83 = vector.shape_cast %broadcast_in_dim3A_78 : vector<16xf32> to vector<1x16xf32>
      tpu.vector_store %arg5[%swap3A_79, %swap3A_80], %swap3A_83 {strides = array<i32>} : memref<128x128xf32, #tpu.memory_space<vmem>>, vector<1x16xf32>,
      %broadcast_in_dim3A_84 = arith.constant 0.000000e+00 : f32
      %broadcast_in_dim3A_85 = vector.broadcast %broadcast_in_dim3A_84 : f32 to vector<16xf32>
      %swap3A_86 = arith.index_cast %scan3A_50 : i32 to index
      %swap3A_87 = arith.constant 80 : index
      %swap3A_88 = tpu.vector_load %arg5[%swap3A_86, %swap3A_87] {strides = array<i32>} : memref<128x128xf32, #tpu.memory_space<vmem>>, vector<1x16xf32>,
      %swap3A_89 = vector.shape_cast %swap3A_88 : vector<1x16xf32> to vector<16xf32>
      %swap3A_90 = vector.shape_cast %broadcast_in_dim3A_85 : vector<16xf32> to vector<1x16xf32>
      tpu.vector_store %arg5[%swap3A_86, %swap3A_87], %swap3A_90 {strides = array<i32>} : memref<128x128xf32, #tpu.memory_space<vmem>>, vector<1x16xf32>,
      %broadcast_in_dim3A_91 = arith.constant 0.000000e+00 : f32
      %broadcast_in_dim3A_92 = vector.broadcast %broadcast_in_dim3A_91 : f32 to vector<16xf32>
      %swap3A_93 = arith.index_cast %scan3A_50 : i32 to index
      %swap3A_94 = arith.constant 96 : index
      %swap3A_95 = tpu.vector_load %arg5[%swap3A_93, %swap3A_94] {strides = array<i32>} : memref<128x128xf32, #tpu.memory_space<vmem>>, vector<1x16xf32>,
      %swap3A_96 = vector.shape_cast %swap3A_95 : vector<1x16xf32> to vector<16xf32>
      %swap3A_97 = vector.shape_cast %broadcast_in_dim3A_92 : vector<16xf32> to vector<1x16xf32>
      tpu.vector_store %arg5[%swap3A_93, %swap3A_94], %swap3A_97 {strides = array<i32>} : memref<128x128xf32, #tpu.memory_space<vmem>>, vector<1x16xf32>,
      %broadcast_in_dim3A_98 = arith.constant 0.000000e+00 : f32
      %broadcast_in_dim3A_99 = vector.broadcast %broadcast_in_dim3A_98 : f32 to vector<16xf32>
      %swap3A_100 = arith.index_cast %scan3A_50 : i32 to index
      %swap3A_101 = arith.constant 112 : index
      %swap3A_102 = tpu.vector_load %arg5[%swap3A_100, %swap3A_101] {strides = array<i32>} : memref<128x128xf32, #tpu.memory_space<vmem>>, vector<1x16xf32>,
      %swap3A_103 = vector.shape_cast %swap3A_102 : vector<1x16xf32> to vector<16xf32>
      %swap3A_104 = vector.shape_cast %broadcast_in_dim3A_99 : vector<16xf32> to vector<1x16xf32>
      tpu.vector_store %arg5[%swap3A_100, %swap3A_101], %swap3A_104 {strides = array<i32>} : memref<128x128xf32, #tpu.memory_space<vmem>>, vector<1x16xf32>,
    }
    %scan3A_4 = arith.constant 128 : i32
    %scan3A_5 = arith.constant 0 : i32
    %scan3A_6 = arith.constant 0 : i32
    %scan3A_7 = arith.constant 5 : i32
    %scan3A_8 = arith.addi %scan3A_6, %scan3A_7 : i32
    %scan3A_9 = arith.constant 1 : i32
    scf.for %scan3A_50 = %scan3A_6 to %scan3A_8 step %scan3A_9  : i32 {
      %mul3A_51 = arith.constant 640 : i32
      %mul3A_52 = arith.muli %arg1, %mul3A_51 : i32
      %mul3A_53 = arith.constant 128 : i32
      %mul3A_54 = arith.muli %scan3A_50, %mul3A_53 : i32
      %add3A_55 = arith.addi %mul3A_52, %mul3A_54 : i32
      "tpu.region"() ({
        %run_scoped3A = tpu.sem_alloc : memref<!tpu.dma_semaphore, #tpu.memory_space<semaphore_mem>>
        %dma_start3A_56 = arith.constant 0 : i32
        %dma_start3A_57 = tpu.memref_slice %arg4[%add3A_55, %dma_start3A_56] : memref<10240x128xf32, #tpu.memory_space<vmem_shared>> -> memref<128x128xf32, #tpu.memory_space<vmem_shared>>
        %dma_start3A_58 = arith.constant 0 : i32
        %dma_start3A_59 = tpu.memref_slice %arg4[%add3A_55, %dma_start3A_58] : memref<10240x128xf32, #tpu.memory_space<vmem_shared>> -> memref<128x128xf32, #tpu.memory_space<vmem_shared>>
        tpu.enqueue_dma source(%arg5 : memref<128x128xf32, #tpu.memory_space<vmem>>) target(%dma_start3A_59 : memref<128x128xf32, #tpu.memory_space<vmem_shared>>) target_semaphore(%run_scoped3A : memref<!tpu.dma_semaphore, #tpu.memory_space<semaphore_mem>>)
        %dma_wait3A_60 = arith.constant 0 : i32
        %dma_wait3A_61 = tpu.memref_slice %arg4[%add3A_55, %dma_wait3A_60] : memref<10240x128xf32, #tpu.memory_space<vmem_shared>> -> memref<128x128xf32, #tpu.memory_space<vmem_shared>>
        %dma_wait3A_62 = arith.constant 0 : i32
        %dma_wait3A_63 = tpu.memref_slice %arg4[%add3A_55, %dma_wait3A_62] : memref<10240x128xf32, #tpu.memory_space<vmem_shared>> -> memref<128x128xf32, #tpu.memory_space<vmem_shared>>
        tpu.wait_dma2 semaphore(%run_scoped3A : memref<!tpu.dma_semaphore, #tpu.memory_space<semaphore_mem>>) src(%arg5 : memref<128x128xf32, #tpu.memory_space<vmem>>) dst(%dma_wait3A_63 : memref<128x128xf32, #tpu.memory_space<vmem_shared>>)
        tpu.yield
      }) : () -> ()
    }
    %scan3A_10 = arith.constant 5 : i32
    %scan3A_11 = arith.constant 0 : i32
    %scan3A_12 = arith.constant 0 : i32
    %scan3A_13 = arith.constant 128 : i32
    %scan3A_14 = arith.addi %scan3A_12, %scan3A_13 : i32
    %scan3A_15 = arith.constant 1 : i32
    scf.for %scan3A_50 = %scan3A_12 to %scan3A_14 step %scan3A_15  : i32 {
      %broadcast_in_dim3A = arith.constant 1.000000e+00 : f32
      %broadcast_in_dim3A_51 = vector.broadcast %broadcast_in_dim3A : f32 to vector<16xf32>
      %swap3A = arith.index_cast %scan3A_50 : i32 to index
      %swap3A_52 = arith.constant 0 : index
      %swap3A_53 = tpu.vector_load %arg5[%swap3A, %swap3A_52] {strides = array<i32>} : memref<128x128xf32, #tpu.memory_space<vmem>>, vector<1x16xf32>,
      %swap3A_54 = vector.shape_cast %swap3A_53 : vector<1x16xf32> to vector<16xf32>
      %swap3A_55 = vector.shape_cast %broadcast_in_dim3A_51 : vector<16xf32> to vector<1x16xf32>
      tpu.vector_store %arg5[%swap3A, %swap3A_52], %swap3A_55 {strides = array<i32>} : memref<128x128xf32, #tpu.memory_space<vmem>>, vector<1x16xf32>,
      %broadcast_in_dim3A_56 = arith.constant 1.000000e+00 : f32
      %broadcast_in_dim3A_57 = vector.broadcast %broadcast_in_dim3A_56 : f32 to vector<16xf32>
      %swap3A_58 = arith.index_cast %scan3A_50 : i32 to index
      %swap3A_59 = arith.constant 16 : index
      %swap3A_60 = tpu.vector_load %arg5[%swap3A_58, %swap3A_59] {strides = array<i32>} : memref<128x128xf32, #tpu.memory_space<vmem>>, vector<1x16xf32>,
      %swap3A_61 = vector.shape_cast %swap3A_60 : vector<1x16xf32> to vector<16xf32>
      %swap3A_62 = vector.shape_cast %broadcast_in_dim3A_57 : vector<16xf32> to vector<1x16xf32>
      tpu.vector_store %arg5[%swap3A_58, %swap3A_59], %swap3A_62 {strides = array<i32>} : memref<128x128xf32, #tpu.memory_space<vmem>>, vector<1x16xf32>,
      %broadcast_in_dim3A_63 = arith.constant 1.000000e+00 : f32
      %broadcast_in_dim3A_64 = vector.broadcast %broadcast_in_dim3A_63 : f32 to vector<16xf32>
      %swap3A_65 = arith.index_cast %scan3A_50 : i32 to index
      %swap3A_66 = arith.constant 32 : index
      %swap3A_67 = tpu.vector_load %arg5[%swap3A_65, %swap3A_66] {strides = array<i32>} : memref<128x128xf32, #tpu.memory_space<vmem>>, vector<1x16xf32>,
      %swap3A_68 = vector.shape_cast %swap3A_67 : vector<1x16xf32> to vector<16xf32>
      %swap3A_69 = vector.shape_cast %broadcast_in_dim3A_64 : vector<16xf32> to vector<1x16xf32>
      tpu.vector_store %arg5[%swap3A_65, %swap3A_66], %swap3A_69 {strides = array<i32>} : memref<128x128xf32, #tpu.memory_space<vmem>>, vector<1x16xf32>,
      %broadcast_in_dim3A_70 = arith.constant 1.000000e+00 : f32
      %broadcast_in_dim3A_71 = vector.broadcast %broadcast_in_dim3A_70 : f32 to vector<16xf32>
      %swap3A_72 = arith.index_cast %scan3A_50 : i32 to index
      %swap3A_73 = arith.constant 48 : index
      %swap3A_74 = tpu.vector_load %arg5[%swap3A_72, %swap3A_73] {strides = array<i32>} : memref<128x128xf32, #tpu.memory_space<vmem>>, vector<1x16xf32>,
      %swap3A_75 = vector.shape_cast %swap3A_74 : vector<1x16xf32> to vector<16xf32>
      %swap3A_76 = vector.shape_cast %broadcast_in_dim3A_71 : vector<16xf32> to vector<1x16xf32>
      tpu.vector_store %arg5[%swap3A_72, %swap3A_73], %swap3A_76 {strides = array<i32>} : memref<128x128xf32, #tpu.memory_space<vmem>>, vector<1x16xf32>,
      %broadcast_in_dim3A_77 = arith.constant 1.000000e+00 : f32
      %broadcast_in_dim3A_78 = vector.broadcast %broadcast_in_dim3A_77 : f32 to vector<16xf32>
      %swap3A_79 = arith.index_cast %scan3A_50 : i32 to index
      %swap3A_80 = arith.constant 64 : index
      %swap3A_81 = tpu.vector_load %arg5[%swap3A_79, %swap3A_80] {strides = array<i32>} : memref<128x128xf32, #tpu.memory_space<vmem>>, vector<1x16xf32>,
      %swap3A_82 = vector.shape_cast %swap3A_81 : vector<1x16xf32> to vector<16xf32>
      %swap3A_83 = vector.shape_cast %broadcast_in_dim3A_78 : vector<16xf32> to vector<1x16xf32>
      tpu.vector_store %arg5[%swap3A_79, %swap3A_80], %swap3A_83 {strides = array<i32>} : memref<128x128xf32, #tpu.memory_space<vmem>>, vector<1x16xf32>,
      %broadcast_in_dim3A_84 = arith.constant 1.000000e+00 : f32
      %broadcast_in_dim3A_85 = vector.broadcast %broadcast_in_dim3A_84 : f32 to vector<16xf32>
      %swap3A_86 = arith.index_cast %scan3A_50 : i32 to index
      %swap3A_87 = arith.constant 80 : index
      %swap3A_88 = tpu.vector_load %arg5[%swap3A_86, %swap3A_87] {strides = array<i32>} : memref<128x128xf32, #tpu.memory_space<vmem>>, vector<1x16xf32>,
      %swap3A_89 = vector.shape_cast %swap3A_88 : vector<1x16xf32> to vector<16xf32>
      %swap3A_90 = vector.shape_cast %broadcast_in_dim3A_85 : vector<16xf32> to vector<1x16xf32>
      tpu.vector_store %arg5[%swap3A_86, %swap3A_87], %swap3A_90 {strides = array<i32>} : memref<128x128xf32, #tpu.memory_space<vmem>>, vector<1x16xf32>,
      %broadcast_in_dim3A_91 = arith.constant 1.000000e+00 : f32
      %broadcast_in_dim3A_92 = vector.broadcast %broadcast_in_dim3A_91 : f32 to vector<16xf32>
      %swap3A_93 = arith.index_cast %scan3A_50 : i32 to index
      %swap3A_94 = arith.constant 96 : index
      %swap3A_95 = tpu.vector_load %arg5[%swap3A_93, %swap3A_94] {strides = array<i32>} : memref<128x128xf32, #tpu.memory_space<vmem>>, vector<1x16xf32>,
      %swap3A_96 = vector.shape_cast %swap3A_95 : vector<1x16xf32> to vector<16xf32>
      %swap3A_97 = vector.shape_cast %broadcast_in_dim3A_92 : vector<16xf32> to vector<1x16xf32>
      tpu.vector_store %arg5[%swap3A_93, %swap3A_94], %swap3A_97 {strides = array<i32>} : memref<128x128xf32, #tpu.memory_space<vmem>>, vector<1x16xf32>,
      %broadcast_in_dim3A_98 = arith.constant 1.000000e+00 : f32
      %broadcast_in_dim3A_99 = vector.broadcast %broadcast_in_dim3A_98 : f32 to vector<16xf32>
      %swap3A_100 = arith.index_cast %scan3A_50 : i32 to index
      %swap3A_101 = arith.constant 112 : index
      %swap3A_102 = tpu.vector_load %arg5[%swap3A_100, %swap3A_101] {strides = array<i32>} : memref<128x128xf32, #tpu.memory_space<vmem>>, vector<1x16xf32>,
      %swap3A_103 = vector.shape_cast %swap3A_102 : vector<1x16xf32> to vector<16xf32>
      %swap3A_104 = vector.shape_cast %broadcast_in_dim3A_99 : vector<16xf32> to vector<1x16xf32>
      tpu.vector_store %arg5[%swap3A_100, %swap3A_101], %swap3A_104 {strides = array<i32>} : memref<128x128xf32, #tpu.memory_space<vmem>>, vector<1x16xf32>,
    }
    %scan3A_16 = arith.constant 128 : i32
    %mul3A = arith.constant 640 : i32
    %mul3A_17 = arith.muli %arg0, %mul3A : i32
    %mul3A_18 = arith.constant 40 : i32
    %mul3A_19 = arith.muli %arg1, %mul3A_18 : i32
    %add3A = arith.addi %mul3A_17, %mul3A_19 : i32
    %mul3A_20 = arith.constant 128 : i32
    %mul3A_21 = arith.muli %add3A, %mul3A_20 : i32
    %add3A_22 = arith.constant 327680 : i32
    %add3A_23 = arith.addi %add3A_22, %mul3A_21 : i32
    %add3A_24 = arith.constant 0 : i32
    %add3A_25 = arith.addi %add3A_23, %add3A_24 : i32
    %dma_start3A = tpu.memref_slice %arg2[%add3A_25] : memref<491520xi32, #tpu.memory_space<hbm>> -> memref<128xi32, #tpu.memory_space<hbm>>
    %dma_start3A_26 = tpu.memref_slice %arg2[%add3A_25] : memref<491520xi32, #tpu.memory_space<hbm>> -> memref<128xi32, #tpu.memory_space<hbm>>
    tpu.enqueue_dma source(%dma_start3A_26 : memref<128xi32, #tpu.memory_space<hbm>>) target(%arg6 : memref<128xi32, #tpu.memory_space<vmem>>) target_semaphore(%arg10 : memref<!tpu.dma_semaphore, #tpu.memory_space<semaphore_mem>>)
    %add3A_27 = arith.constant 128 : i32
    %add3A_28 = arith.addi %add3A_23, %add3A_27 : i32
    %dma_start3A_29 = tpu.memref_slice %arg2[%add3A_28] : memref<491520xi32, #tpu.memory_space<hbm>> -> memref<128xi32, #tpu.memory_space<hbm>>
    %dma_start3A_30 = tpu.memref_slice %arg2[%add3A_28] : memref<491520xi32, #tpu.memory_space<hbm>> -> memref<128xi32, #tpu.memory_space<hbm>>
    tpu.enqueue_dma source(%dma_start3A_30 : memref<128xi32, #tpu.memory_space<hbm>>) target(%arg7 : memref<128xi32, #tpu.memory_space<vmem>>) target_semaphore(%arg11 : memref<!tpu.dma_semaphore, #tpu.memory_space<semaphore_mem>>)
    %barrier3A = arith.constant 0 : index
    tpu.barrier barrier_id(%barrier3A)
    %scan3A_31 = arith.constant 0 : i32
    %scan3A_32 = arith.constant 0 : i32
    %scan3A_33 = arith.constant 10 : i32
    %scan3A_34 = arith.addi %scan3A_32, %scan3A_33 : i32
    %scan3A_35 = arith.constant 1 : i32
    scf.for %scan3A_50 = %scan3A_32 to %scan3A_34 step %scan3A_35  : i32 {
      %mul3A_51 = arith.constant 4 : i32
      %mul3A_52 = arith.muli %mul3A_51, %scan3A_50 : i32
      %add3A_53 = arith.constant 0 : i32
      %add3A_54 = arith.addi %mul3A_52, %add3A_53 : i32
      %ge3A = arith.constant 2 : i32
      %ge3A_55 = arith.cmpi sge, %add3A_54, %ge3A : i32
      %convert_element_type3A = arith.extui %ge3A_55 : i1 to i32
      %cond3A = arith.constant 0 : i32
      %cond3A_56 = arith.cmpi ne, %convert_element_type3A, %cond3A : i32
      scf.if %cond3A_56 {
        %dma_wait3A_135 = arith.constant 0 : i32
        %dma_wait3A_136 = arith.constant 0 : i32
        %dma_wait3A_137 = tpu.memref_slice %arg4[%dma_wait3A_135, %dma_wait3A_136] : memref<10240x128xf32, #tpu.memory_space<vmem_shared>> -> memref<10240x128xf32, #tpu.memory_space<vmem_shared>>
        tpu.wait_indirect_dma semaphore(%arg14 : memref<!tpu.dma_semaphore, #tpu.memory_space<semaphore_mem>>) src(%arg5 : memref<128x128xf32, #tpu.memory_space<vmem>>) dst(%dma_wait3A_137 : memref<10240x128xf32, #tpu.memory_space<vmem_shared>>)
      } else {
      }
      %lt3A = arith.constant 38 : i32
      %lt3A_57 = arith.cmpi slt, %add3A_54, %lt3A : i32
      %convert_element_type3A_58 = arith.extui %lt3A_57 : i1 to i32
      %cond3A_59 = arith.constant 0 : i32
      %cond3A_60 = arith.cmpi ne, %convert_element_type3A_58, %cond3A_59 : i32
      scf.if %cond3A_60 {
        %add3A_135 = arith.constant 2 : i32
        %add3A_136 = arith.addi %add3A_54, %add3A_135 : i32
        %mul3A_137 = arith.constant 128 : i32
        %mul3A_138 = arith.muli %add3A_136, %mul3A_137 : i32
        %add3A_139 = arith.addi %add3A_23, %mul3A_138 : i32
        %dma_start3A_140 = tpu.memref_slice %arg2[%add3A_139] : memref<491520xi32, #tpu.memory_space<hbm>> -> memref<128xi32, #tpu.memory_space<hbm>>
        %dma_start3A_141 = tpu.memref_slice %arg2[%add3A_139] : memref<491520xi32, #tpu.memory_space<hbm>> -> memref<128xi32, #tpu.memory_space<hbm>>
        tpu.enqueue_dma source(%dma_start3A_141 : memref<128xi32, #tpu.memory_space<hbm>>) target(%arg8 : memref<128xi32, #tpu.memory_space<vmem>>) target_semaphore(%arg12 : memref<!tpu.dma_semaphore, #tpu.memory_space<semaphore_mem>>)
      } else {
      }
      %mul3A_61 = arith.constant 128 : i32
      %mul3A_62 = arith.muli %add3A_54, %mul3A_61 : i32
      %add3A_63 = arith.addi %add3A_23, %mul3A_62 : i32
      %dma_wait3A_64 = tpu.memref_slice %arg2[%add3A_63] : memref<491520xi32, #tpu.memory_space<hbm>> -> memref<128xi32, #tpu.memory_space<hbm>>
      %dma_wait3A_65 = tpu.memref_slice %arg2[%add3A_63] : memref<491520xi32, #tpu.memory_space<hbm>> -> memref<128xi32, #tpu.memory_space<hbm>>
      tpu.wait_dma2 semaphore(%arg10 : memref<!tpu.dma_semaphore, #tpu.memory_space<semaphore_mem>>) src(%dma_wait3A_65 : memref<128xi32, #tpu.memory_space<hbm>>) dst(%arg6 : memref<128xi32, #tpu.memory_space<vmem>>)
      %dma_start3A_66 = arith.constant 0 : i32
      %dma_start3A_67 = arith.constant 0 : i32
      %dma_start3A_68 = tpu.memref_slice %arg4[%dma_start3A_66, %dma_start3A_67] : memref<10240x128xf32, #tpu.memory_space<vmem_shared>> -> memref<10240x128xf32, #tpu.memory_space<vmem_shared>>
      tpu.enqueue_indirect_dma source(%arg5 : memref<128x128xf32, #tpu.memory_space<vmem>>) target(%dma_start3A_68 : memref<10240x128xf32, #tpu.memory_space<vmem_shared>>) offsets(%arg6 : memref<128xi32, #tpu.memory_space<vmem>>) semaphore(%arg14 : memref<!tpu.dma_semaphore, #tpu.memory_space<semaphore_mem>>) {add = true}
      %mul3A_69 = arith.constant 4 : i32
      %mul3A_70 = arith.muli %mul3A_69, %scan3A_50 : i32
      %add3A_71 = arith.constant 1 : i32
      %add3A_72 = arith.addi %mul3A_70, %add3A_71 : i32
      %ge3A_73 = arith.constant 2 : i32
      %ge3A_74 = arith.cmpi sge, %add3A_72, %ge3A_73 : i32
      %convert_element_type3A_75 = arith.extui %ge3A_74 : i1 to i32
      %cond3A_76 = arith.constant 0 : i32
      %cond3A_77 = arith.cmpi ne, %convert_element_type3A_75, %cond3A_76 : i32
      scf.if %cond3A_77 {
        %dma_wait3A_135 = arith.constant 0 : i32
        %dma_wait3A_136 = arith.constant 0 : i32
        %dma_wait3A_137 = tpu.memref_slice %arg4[%dma_wait3A_135, %dma_wait3A_136] : memref<10240x128xf32, #tpu.memory_space<vmem_shared>> -> memref<10240x128xf32, #tpu.memory_space<vmem_shared>>
        tpu.wait_indirect_dma semaphore(%arg15 : memref<!tpu.dma_semaphore, #tpu.memory_space<semaphore_mem>>) src(%arg5 : memref<128x128xf32, #tpu.memory_space<vmem>>) dst(%dma_wait3A_137 : memref<10240x128xf32, #tpu.memory_space<vmem_shared>>)
      } else {
      }
      %lt3A_78 = arith.constant 38 : i32
      %lt3A_79 = arith.cmpi slt, %add3A_72, %lt3A_78 : i32
      %convert_element_type3A_80 = arith.extui %lt3A_79 : i1 to i32
      %cond3A_81 = arith.constant 0 : i32
      %cond3A_82 = arith.cmpi ne, %convert_element_type3A_80, %cond3A_81 : i32
      scf.if %cond3A_82 {
        %add3A_135 = arith.constant 2 : i32
        %add3A_136 = arith.addi %add3A_72, %add3A_135 : i32
        %mul3A_137 = arith.constant 128 : i32
        %mul3A_138 = arith.muli %add3A_136, %mul3A_137 : i32
        %add3A_139 = arith.addi %add3A_23, %mul3A_138 : i32
        %dma_start3A_140 = tpu.memref_slice %arg2[%add3A_139] : memref<491520xi32, #tpu.memory_space<hbm>> -> memref<128xi32, #tpu.memory_space<hbm>>
        %dma_start3A_141 = tpu.memref_slice %arg2[%add3A_139] : memref<491520xi32, #tpu.memory_space<hbm>> -> memref<128xi32, #tpu.memory_space<hbm>>
        tpu.enqueue_dma source(%dma_start3A_141 : memref<128xi32, #tpu.memory_space<hbm>>) target(%arg9 : memref<128xi32, #tpu.memory_space<vmem>>) target_semaphore(%arg13 : memref<!tpu.dma_semaphore, #tpu.memory_space<semaphore_mem>>)
      } else {
      }
      %mul3A_83 = arith.constant 128 : i32
      %mul3A_84 = arith.muli %add3A_72, %mul3A_83 : i32
      %add3A_85 = arith.addi %add3A_23, %mul3A_84 : i32
      %dma_wait3A_86 = tpu.memref_slice %arg2[%add3A_85] : memref<491520xi32, #tpu.memory_space<hbm>> -> memref<128xi32, #tpu.memory_space<hbm>>
      %dma_wait3A_87 = tpu.memref_slice %arg2[%add3A_85] : memref<491520xi32, #tpu.memory_space<hbm>> -> memref<128xi32, #tpu.memory_space<hbm>>
      tpu.wait_dma2 semaphore(%arg11 : memref<!tpu.dma_semaphore, #tpu.memory_space<semaphore_mem>>) src(%dma_wait3A_87 : memref<128xi32, #tpu.memory_space<hbm>>) dst(%arg7 : memref<128xi32, #tpu.memory_space<vmem>>)
      %dma_start3A_88 = arith.constant 0 : i32
      %dma_start3A_89 = arith.constant 0 : i32
      %dma_start3A_90 = tpu.memref_slice %arg4[%dma_start3A_88, %dma_start3A_89] : memref<10240x128xf32, #tpu.memory_space<vmem_shared>> -> memref<10240x128xf32, #tpu.memory_space<vmem_shared>>
      tpu.enqueue_indirect_dma source(%arg5 : memref<128x128xf32, #tpu.memory_space<vmem>>) target(%dma_start3A_90 : memref<10240x128xf32, #tpu.memory_space<vmem_shared>>) offsets(%arg7 : memref<128xi32, #tpu.memory_space<vmem>>) semaphore(%arg15 : memref<!tpu.dma_semaphore, #tpu.memory_space<semaphore_mem>>) {add = true}
      %mul3A_91 = arith.constant 4 : i32
      %mul3A_92 = arith.muli %mul3A_91, %scan3A_50 : i32
      %add3A_93 = arith.constant 2 : i32
      %add3A_94 = arith.addi %mul3A_92, %add3A_93 : i32
      %ge3A_95 = arith.constant 2 : i32
      %ge3A_96 = arith.cmpi sge, %add3A_94, %ge3A_95 : i32
      %convert_element_type3A_97 = arith.extui %ge3A_96 : i1 to i32
      %cond3A_98 = arith.constant 0 : i32
      %cond3A_99 = arith.cmpi ne, %convert_element_type3A_97, %cond3A_98 : i32
      scf.if %cond3A_99 {
        %dma_wait3A_135 = arith.constant 0 : i32
        %dma_wait3A_136 = arith.constant 0 : i32
        %dma_wait3A_137 = tpu.memref_slice %arg4[%dma_wait3A_135, %dma_wait3A_136] : memref<10240x128xf32, #tpu.memory_space<vmem_shared>> -> memref<10240x128xf32, #tpu.memory_space<vmem_shared>>
        tpu.wait_indirect_dma semaphore(%arg14 : memref<!tpu.dma_semaphore, #tpu.memory_space<semaphore_mem>>) src(%arg5 : memref<128x128xf32, #tpu.memory_space<vmem>>) dst(%dma_wait3A_137 : memref<10240x128xf32, #tpu.memory_space<vmem_shared>>)
      } else {
      }
      %lt3A_100 = arith.constant 38 : i32
      %lt3A_101 = arith.cmpi slt, %add3A_94, %lt3A_100 : i32
      %convert_element_type3A_102 = arith.extui %lt3A_101 : i1 to i32
      %cond3A_103 = arith.constant 0 : i32
      %cond3A_104 = arith.cmpi ne, %convert_element_type3A_102, %cond3A_103 : i32
      scf.if %cond3A_104 {
        %add3A_135 = arith.constant 2 : i32
        %add3A_136 = arith.addi %add3A_94, %add3A_135 : i32
        %mul3A_137 = arith.constant 128 : i32
        %mul3A_138 = arith.muli %add3A_136, %mul3A_137 : i32
        %add3A_139 = arith.addi %add3A_23, %mul3A_138 : i32
        %dma_start3A_140 = tpu.memref_slice %arg2[%add3A_139] : memref<491520xi32, #tpu.memory_space<hbm>> -> memref<128xi32, #tpu.memory_space<hbm>>
        %dma_start3A_141 = tpu.memref_slice %arg2[%add3A_139] : memref<491520xi32, #tpu.memory_space<hbm>> -> memref<128xi32, #tpu.memory_space<hbm>>
        tpu.enqueue_dma source(%dma_start3A_141 : memref<128xi32, #tpu.memory_space<hbm>>) target(%arg6 : memref<128xi32, #tpu.memory_space<vmem>>) target_semaphore(%arg10 : memref<!tpu.dma_semaphore, #tpu.memory_space<semaphore_mem>>)
      } else {
      }
      %mul3A_105 = arith.constant 128 : i32
      %mul3A_106 = arith.muli %add3A_94, %mul3A_105 : i32
      %add3A_107 = arith.addi %add3A_23, %mul3A_106 : i32
      %dma_wait3A_108 = tpu.memref_slice %arg2[%add3A_107] : memref<491520xi32, #tpu.memory_space<hbm>> -> memref<128xi32, #tpu.memory_space<hbm>>
      %dma_wait3A_109 = tpu.memref_slice %arg2[%add3A_107] : memref<491520xi32, #tpu.memory_space<hbm>> -> memref<128xi32, #tpu.memory_space<hbm>>
      tpu.wait_dma2 semaphore(%arg12 : memref<!tpu.dma_semaphore, #tpu.memory_space<semaphore_mem>>) src(%dma_wait3A_109 : memref<128xi32, #tpu.memory_space<hbm>>) dst(%arg8 : memref<128xi32, #tpu.memory_space<vmem>>)
      %dma_start3A_110 = arith.constant 0 : i32
      %dma_start3A_111 = arith.constant 0 : i32
      %dma_start3A_112 = tpu.memref_slice %arg4[%dma_start3A_110, %dma_start3A_111] : memref<10240x128xf32, #tpu.memory_space<vmem_shared>> -> memref<10240x128xf32, #tpu.memory_space<vmem_shared>>
      tpu.enqueue_indirect_dma source(%arg5 : memref<128x128xf32, #tpu.memory_space<vmem>>) target(%dma_start3A_112 : memref<10240x128xf32, #tpu.memory_space<vmem_shared>>) offsets(%arg8 : memref<128xi32, #tpu.memory_space<vmem>>) semaphore(%arg14 : memref<!tpu.dma_semaphore, #tpu.memory_space<semaphore_mem>>) {add = true}
      %mul3A_113 = arith.constant 4 : i32
      %mul3A_114 = arith.muli %mul3A_113, %scan3A_50 : i32
      %add3A_115 = arith.constant 3 : i32
      %add3A_116 = arith.addi %mul3A_114, %add3A_115 : i32
      %ge3A_117 = arith.constant 2 : i32
      %ge3A_118 = arith.cmpi sge, %add3A_116, %ge3A_117 : i32
      %convert_element_type3A_119 = arith.extui %ge3A_118 : i1 to i32
      %cond3A_120 = arith.constant 0 : i32
      %cond3A_121 = arith.cmpi ne, %convert_element_type3A_119, %cond3A_120 : i32
      scf.if %cond3A_121 {
        %dma_wait3A_135 = arith.constant 0 : i32
        %dma_wait3A_136 = arith.constant 0 : i32
        %dma_wait3A_137 = tpu.memref_slice %arg4[%dma_wait3A_135, %dma_wait3A_136] : memref<10240x128xf32, #tpu.memory_space<vmem_shared>> -> memref<10240x128xf32, #tpu.memory_space<vmem_shared>>
        tpu.wait_indirect_dma semaphore(%arg15 : memref<!tpu.dma_semaphore, #tpu.memory_space<semaphore_mem>>) src(%arg5 : memref<128x128xf32, #tpu.memory_space<vmem>>) dst(%dma_wait3A_137 : memref<10240x128xf32, #tpu.memory_space<vmem_shared>>)
      } else {
      }
      %lt3A_122 = arith.constant 38 : i32
      %lt3A_123 = arith.cmpi slt, %add3A_116, %lt3A_122 : i32
      %convert_element_type3A_124 = arith.extui %lt3A_123 : i1 to i32
      %cond3A_125 = arith.constant 0 : i32
      %cond3A_126 = arith.cmpi ne, %convert_element_type3A_124, %cond3A_125 : i32
      scf.if %cond3A_126 {
        %add3A_135 = arith.constant 2 : i32
        %add3A_136 = arith.addi %add3A_116, %add3A_135 : i32
        %mul3A_137 = arith.constant 128 : i32
        %mul3A_138 = arith.muli %add3A_136, %mul3A_137 : i32
        %add3A_139 = arith.addi %add3A_23, %mul3A_138 : i32
        %dma_start3A_140 = tpu.memref_slice %arg2[%add3A_139] : memref<491520xi32, #tpu.memory_space<hbm>> -> memref<128xi32, #tpu.memory_space<hbm>>
        %dma_start3A_141 = tpu.memref_slice %arg2[%add3A_139] : memref<491520xi32, #tpu.memory_space<hbm>> -> memref<128xi32, #tpu.memory_space<hbm>>
        tpu.enqueue_dma source(%dma_start3A_141 : memref<128xi32, #tpu.memory_space<hbm>>) target(%arg7 : memref<128xi32, #tpu.memory_space<vmem>>) target_semaphore(%arg11 : memref<!tpu.dma_semaphore, #tpu.memory_space<semaphore_mem>>)
      } else {
      }
      %mul3A_127 = arith.constant 128 : i32
      %mul3A_128 = arith.muli %add3A_116, %mul3A_127 : i32
      %add3A_129 = arith.addi %add3A_23, %mul3A_128 : i32
      %dma_wait3A_130 = tpu.memref_slice %arg2[%add3A_129] : memref<491520xi32, #tpu.memory_space<hbm>> -> memref<128xi32, #tpu.memory_space<hbm>>
      %dma_wait3A_131 = tpu.memref_slice %arg2[%add3A_129] : memref<491520xi32, #tpu.memory_space<hbm>> -> memref<128xi32, #tpu.memory_space<hbm>>
      tpu.wait_dma2 semaphore(%arg13 : memref<!tpu.dma_semaphore, #tpu.memory_space<semaphore_mem>>) src(%dma_wait3A_131 : memref<128xi32, #tpu.memory_space<hbm>>) dst(%arg9 : memref<128xi32, #tpu.memory_space<vmem>>)
      %dma_start3A_132 = arith.constant 0 : i32
      %dma_start3A_133 = arith.constant 0 : i32
      %dma_start3A_134 = tpu.memref_slice %arg4[%dma_start3A_132, %dma_start3A_133] : memref<10240x128xf32, #tpu.memory_space<vmem_shared>> -> memref<10240x128xf32, #tpu.memory_space<vmem_shared>>
      tpu.enqueue_indirect_dma source(%arg5 : memref<128x128xf32, #tpu.memory_space<vmem>>) target(%dma_start3A_134 : memref<10240x128xf32, #tpu.memory_space<vmem_shared>>) offsets(%arg9 : memref<128xi32, #tpu.memory_space<vmem>>) semaphore(%arg15 : memref<!tpu.dma_semaphore, #tpu.memory_space<semaphore_mem>>) {add = true}
    }
    %scan3A_36 = arith.constant 10 : i32
    %dma_wait3A = arith.constant 0 : i32
    %dma_wait3A_37 = arith.constant 0 : i32
    %dma_wait3A_38 = tpu.memref_slice %arg4[%dma_wait3A, %dma_wait3A_37] : memref<10240x128xf32, #tpu.memory_space<vmem_shared>> -> memref<10240x128xf32, #tpu.memory_space<vmem_shared>>
    tpu.wait_indirect_dma semaphore(%arg14 : memref<!tpu.dma_semaphore, #tpu.memory_space<semaphore_mem>>) src(%arg5 : memref<128x128xf32, #tpu.memory_space<vmem>>) dst(%dma_wait3A_38 : memref<10240x128xf32, #tpu.memory_space<vmem_shared>>)
    %dma_wait3A_39 = arith.constant 0 : i32
    %dma_wait3A_40 = arith.constant 0 : i32
    %dma_wait3A_41 = tpu.memref_slice %arg4[%dma_wait3A_39, %dma_wait3A_40] : memref<10240x128xf32, #tpu.memory_space<vmem_shared>> -> memref<10240x128xf32, #tpu.memory_space<vmem_shared>>
    tpu.wait_indirect_dma semaphore(%arg15 : memref<!tpu.dma_semaphore, #tpu.memory_space<semaphore_mem>>) src(%arg5 : memref<128x128xf32, #tpu.memory_space<vmem>>) dst(%dma_wait3A_41 : memref<10240x128xf32, #tpu.memory_space<vmem_shared>>)
    %barrier3A_42 = arith.constant 0 : index
    tpu.barrier barrier_id(%barrier3A_42)
    %mul3A_43 = arith.constant 640 : i32
    %mul3A_44 = arith.muli %arg1, %mul3A_43 : i32
    %mul3A_45 = arith.constant 10240 : i32
    %mul3A_46 = arith.muli %arg0, %mul3A_45 : i32
    %mul3A_47 = arith.constant 640 : i32
    %mul3A_48 = arith.muli %arg1, %mul3A_47 : i32
    %add3A_49 = arith.addi %mul3A_46, %mul3A_48 : i32
    "tpu.region"() ({
      %run_scoped3A = tpu.sem_alloc : memref<!tpu.dma_semaphore, #tpu.memory_space<semaphore_mem>>
      %dma_start3A_50 = arith.constant 0 : i32
      %dma_start3A_51 = tpu.memref_slice %arg3[%add3A_49, %dma_start3A_50] : memref<20480x128xf32, #tpu.memory_space<hbm>> -> memref<640x128xf32, #tpu.memory_space<hbm>>
      %dma_start3A_52 = arith.constant 0 : i32
      %dma_start3A_53 = tpu.memref_slice %arg4[%mul3A_44, %dma_start3A_52] : memref<10240x128xf32, #tpu.memory_space<vmem_shared>> -> memref<640x128xf32, #tpu.memory_space<vmem_shared>>
      tpu.enqueue_dma source(%dma_start3A_53 : memref<640x128xf32, #tpu.memory_space<vmem_shared>>) target(%dma_start3A_51 : memref<640x128xf32, #tpu.memory_space<hbm>>) target_semaphore(%run_scoped3A : memref<!tpu.dma_semaphore, #tpu.memory_space<semaphore_mem>>)
      %dma_wait3A_54 = arith.constant 0 : i32
      %dma_wait3A_55 = tpu.memref_slice %arg3[%add3A_49, %dma_wait3A_54] : memref<20480x128xf32, #tpu.memory_space<hbm>> -> memref<640x128xf32, #tpu.memory_space<hbm>>
      %dma_wait3A_56 = arith.constant 0 : i32
      %dma_wait3A_57 = tpu.memref_slice %arg4[%mul3A_44, %dma_wait3A_56] : memref<10240x128xf32, #tpu.memory_space<vmem_shared>> -> memref<640x128xf32, #tpu.memory_space<vmem_shared>>
      tpu.wait_dma2 semaphore(%run_scoped3A : memref<!tpu.dma_semaphore, #tpu.memory_space<semaphore_mem>>) src(%dma_wait3A_57 : memref<640x128xf32, #tpu.memory_space<vmem_shared>>) dst(%dma_wait3A_55 : memref<640x128xf32, #tpu.memory_space<hbm>>)
      tpu.yield
    }) : () -> ()
    return
  }
}

#map = affine_map<(d0, d1) -> (0, 0)>
#map1 = affine_map<(d0, d1) -> (0)>
module attributes {stable_mosaic.version = 14 : i64} {
  func.func @_hop_body(%arg0: i32, %arg1: i32, %arg2: memref<20480x128xf32, #tpu.memory_space<hbm>>, %arg3: memref<491520xi32, #tpu.memory_space<hbm>>, %arg4: memref<20480x128xf32, #tpu.memory_space<hbm>>, %arg5: memref<10112x128xf32, #tpu.memory_space<vmem_shared>>, %arg6: memref<128x128xf32, #tpu.memory_space<vmem>>, %arg7: memref<128x128xf32, #tpu.memory_space<vmem>>, %arg8: memref<128xi32, #tpu.memory_space<vmem>>, %arg9: memref<128xi32, #tpu.memory_space<vmem>>, %arg10: memref<128xi32, #tpu.memory_space<vmem>>, %arg11: memref<128xi32, #tpu.memory_space<vmem>>, %arg12: memref<128xi32, #tpu.memory_space<vmem>>, %arg13: memref<128xi32, #tpu.memory_space<vmem>>, %arg14: memref<128xi32, #tpu.memory_space<vmem>>, %arg15: memref<128xi32, #tpu.memory_space<vmem>>, %arg16: memref<!tpu.dma_semaphore, #tpu.memory_space<semaphore_mem>>, %arg17: memref<!tpu.dma_semaphore, #tpu.memory_space<semaphore_mem>>, %arg18: memref<!tpu.dma_semaphore, #tpu.memory_space<semaphore_mem>>, %arg19: memref<!tpu.dma_semaphore, #tpu.memory_space<semaphore_mem>>, %arg20: memref<!tpu.dma_semaphore, #tpu.memory_space<semaphore_mem>>, %arg21: memref<!tpu.dma_semaphore, #tpu.memory_space<semaphore_mem>>, %arg22: memref<!tpu.dma_semaphore, #tpu.memory_space<semaphore_mem>>, %arg23: memref<!tpu.dma_semaphore, #tpu.memory_space<semaphore_mem>>) attributes {dimension_semantics = [#tpu.dimension_semantics<core_parallel>, #tpu.dimension_semantics<subcore_parallel>], iteration_bounds = array<i64: 2, 16>, scalar_prefetch = 0 : i64, scratch_operands = 19 : i64, tpu.core_type = #tpu.core_type<sc_vector_subcore>, window_params = [{transform_indices = #map}, {transform_indices = #map1}, {transform_indices = #map}]} {
    %scan3A = arith.constant 0 : i32
    %scan3A_0 = arith.constant 0 : i32
    %scan3A_1 = arith.constant 128 : i32
    %scan3A_2 = arith.addi %scan3A_0, %scan3A_1 : i32
    %scan3A_3 = arith.constant 1 : i32
    scf.for %scan3A_64 = %scan3A_0 to %scan3A_2 step %scan3A_3  : i32 {
      %broadcast_in_dim3A = arith.constant 0.000000e+00 : f32
      %broadcast_in_dim3A_65 = vector.broadcast %broadcast_in_dim3A : f32 to vector<16xf32>
      %swap3A = arith.index_cast %scan3A_64 : i32 to index
      %swap3A_66 = arith.constant 0 : index
      %swap3A_67 = tpu.vector_load %arg6[%swap3A, %swap3A_66] {strides = array<i32>} : memref<128x128xf32, #tpu.memory_space<vmem>>, vector<1x16xf32>,
      %swap3A_68 = vector.shape_cast %swap3A_67 : vector<1x16xf32> to vector<16xf32>
      %swap3A_69 = vector.shape_cast %broadcast_in_dim3A_65 : vector<16xf32> to vector<1x16xf32>
      tpu.vector_store %arg6[%swap3A, %swap3A_66], %swap3A_69 {strides = array<i32>} : memref<128x128xf32, #tpu.memory_space<vmem>>, vector<1x16xf32>,
      %broadcast_in_dim3A_70 = arith.constant 0.000000e+00 : f32
      %broadcast_in_dim3A_71 = vector.broadcast %broadcast_in_dim3A_70 : f32 to vector<16xf32>
      %swap3A_72 = arith.index_cast %scan3A_64 : i32 to index
      %swap3A_73 = arith.constant 16 : index
      %swap3A_74 = tpu.vector_load %arg6[%swap3A_72, %swap3A_73] {strides = array<i32>} : memref<128x128xf32, #tpu.memory_space<vmem>>, vector<1x16xf32>,
      %swap3A_75 = vector.shape_cast %swap3A_74 : vector<1x16xf32> to vector<16xf32>
      %swap3A_76 = vector.shape_cast %broadcast_in_dim3A_71 : vector<16xf32> to vector<1x16xf32>
      tpu.vector_store %arg6[%swap3A_72, %swap3A_73], %swap3A_76 {strides = array<i32>} : memref<128x128xf32, #tpu.memory_space<vmem>>, vector<1x16xf32>,
      %broadcast_in_dim3A_77 = arith.constant 0.000000e+00 : f32
      %broadcast_in_dim3A_78 = vector.broadcast %broadcast_in_dim3A_77 : f32 to vector<16xf32>
      %swap3A_79 = arith.index_cast %scan3A_64 : i32 to index
      %swap3A_80 = arith.constant 32 : index
      %swap3A_81 = tpu.vector_load %arg6[%swap3A_79, %swap3A_80] {strides = array<i32>} : memref<128x128xf32, #tpu.memory_space<vmem>>, vector<1x16xf32>,
      %swap3A_82 = vector.shape_cast %swap3A_81 : vector<1x16xf32> to vector<16xf32>
      %swap3A_83 = vector.shape_cast %broadcast_in_dim3A_78 : vector<16xf32> to vector<1x16xf32>
      tpu.vector_store %arg6[%swap3A_79, %swap3A_80], %swap3A_83 {strides = array<i32>} : memref<128x128xf32, #tpu.memory_space<vmem>>, vector<1x16xf32>,
      %broadcast_in_dim3A_84 = arith.constant 0.000000e+00 : f32
      %broadcast_in_dim3A_85 = vector.broadcast %broadcast_in_dim3A_84 : f32 to vector<16xf32>
      %swap3A_86 = arith.index_cast %scan3A_64 : i32 to index
      %swap3A_87 = arith.constant 48 : index
      %swap3A_88 = tpu.vector_load %arg6[%swap3A_86, %swap3A_87] {strides = array<i32>} : memref<128x128xf32, #tpu.memory_space<vmem>>, vector<1x16xf32>,
      %swap3A_89 = vector.shape_cast %swap3A_88 : vector<1x16xf32> to vector<16xf32>
      %swap3A_90 = vector.shape_cast %broadcast_in_dim3A_85 : vector<16xf32> to vector<1x16xf32>
      tpu.vector_store %arg6[%swap3A_86, %swap3A_87], %swap3A_90 {strides = array<i32>} : memref<128x128xf32, #tpu.memory_space<vmem>>, vector<1x16xf32>,
      %broadcast_in_dim3A_91 = arith.constant 0.000000e+00 : f32
      %broadcast_in_dim3A_92 = vector.broadcast %broadcast_in_dim3A_91 : f32 to vector<16xf32>
      %swap3A_93 = arith.index_cast %scan3A_64 : i32 to index
      %swap3A_94 = arith.constant 64 : index
      %swap3A_95 = tpu.vector_load %arg6[%swap3A_93, %swap3A_94] {strides = array<i32>} : memref<128x128xf32, #tpu.memory_space<vmem>>, vector<1x16xf32>,
      %swap3A_96 = vector.shape_cast %swap3A_95 : vector<1x16xf32> to vector<16xf32>
      %swap3A_97 = vector.shape_cast %broadcast_in_dim3A_92 : vector<16xf32> to vector<1x16xf32>
      tpu.vector_store %arg6[%swap3A_93, %swap3A_94], %swap3A_97 {strides = array<i32>} : memref<128x128xf32, #tpu.memory_space<vmem>>, vector<1x16xf32>,
      %broadcast_in_dim3A_98 = arith.constant 0.000000e+00 : f32
      %broadcast_in_dim3A_99 = vector.broadcast %broadcast_in_dim3A_98 : f32 to vector<16xf32>
      %swap3A_100 = arith.index_cast %scan3A_64 : i32 to index
      %swap3A_101 = arith.constant 80 : index
      %swap3A_102 = tpu.vector_load %arg6[%swap3A_100, %swap3A_101] {strides = array<i32>} : memref<128x128xf32, #tpu.memory_space<vmem>>, vector<1x16xf32>,
      %swap3A_103 = vector.shape_cast %swap3A_102 : vector<1x16xf32> to vector<16xf32>
      %swap3A_104 = vector.shape_cast %broadcast_in_dim3A_99 : vector<16xf32> to vector<1x16xf32>
      tpu.vector_store %arg6[%swap3A_100, %swap3A_101], %swap3A_104 {strides = array<i32>} : memref<128x128xf32, #tpu.memory_space<vmem>>, vector<1x16xf32>,
      %broadcast_in_dim3A_105 = arith.constant 0.000000e+00 : f32
      %broadcast_in_dim3A_106 = vector.broadcast %broadcast_in_dim3A_105 : f32 to vector<16xf32>
      %swap3A_107 = arith.index_cast %scan3A_64 : i32 to index
      %swap3A_108 = arith.constant 96 : index
      %swap3A_109 = tpu.vector_load %arg6[%swap3A_107, %swap3A_108] {strides = array<i32>} : memref<128x128xf32, #tpu.memory_space<vmem>>, vector<1x16xf32>,
      %swap3A_110 = vector.shape_cast %swap3A_109 : vector<1x16xf32> to vector<16xf32>
      %swap3A_111 = vector.shape_cast %broadcast_in_dim3A_106 : vector<16xf32> to vector<1x16xf32>
      tpu.vector_store %arg6[%swap3A_107, %swap3A_108], %swap3A_111 {strides = array<i32>} : memref<128x128xf32, #tpu.memory_space<vmem>>, vector<1x16xf32>,
      %broadcast_in_dim3A_112 = arith.constant 0.000000e+00 : f32
      %broadcast_in_dim3A_113 = vector.broadcast %broadcast_in_dim3A_112 : f32 to vector<16xf32>
      %swap3A_114 = arith.index_cast %scan3A_64 : i32 to index
      %swap3A_115 = arith.constant 112 : index
      %swap3A_116 = tpu.vector_load %arg6[%swap3A_114, %swap3A_115] {strides = array<i32>} : memref<128x128xf32, #tpu.memory_space<vmem>>, vector<1x16xf32>,
      %swap3A_117 = vector.shape_cast %swap3A_116 : vector<1x16xf32> to vector<16xf32>
      %swap3A_118 = vector.shape_cast %broadcast_in_dim3A_113 : vector<16xf32> to vector<1x16xf32>
      tpu.vector_store %arg6[%swap3A_114, %swap3A_115], %swap3A_118 {strides = array<i32>} : memref<128x128xf32, #tpu.memory_space<vmem>>, vector<1x16xf32>,
    }
    %scan3A_4 = arith.constant 128 : i32
    %scan3A_5 = arith.constant 0 : i32
    %scan3A_6 = arith.constant 0 : i32
    %scan3A_7 = arith.constant 4 : i32
    %scan3A_8 = arith.addi %scan3A_6, %scan3A_7 : i32
    %scan3A_9 = arith.constant 1 : i32
    scf.for %scan3A_64 = %scan3A_6 to %scan3A_8 step %scan3A_9  : i32 {
      %mul3A_65 = arith.constant 632 : i32
      %mul3A_66 = arith.muli %arg1, %mul3A_65 : i32
      %mul3A_67 = arith.constant 128 : i32
      %mul3A_68 = arith.muli %scan3A_64, %mul3A_67 : i32
      %add3A_69 = arith.addi %mul3A_66, %mul3A_68 : i32
      "tpu.region"() ({
        %run_scoped3A = tpu.sem_alloc : memref<!tpu.dma_semaphore, #tpu.memory_space<semaphore_mem>>
        %dma_start3A_70 = arith.constant 0 : i32
        %dma_start3A_71 = tpu.memref_slice %arg5[%add3A_69, %dma_start3A_70] : memref<10112x128xf32, #tpu.memory_space<vmem_shared>> -> memref<128x128xf32, #tpu.memory_space<vmem_shared>>
        %dma_start3A_72 = arith.constant 0 : i32
        %dma_start3A_73 = tpu.memref_slice %arg5[%add3A_69, %dma_start3A_72] : memref<10112x128xf32, #tpu.memory_space<vmem_shared>> -> memref<128x128xf32, #tpu.memory_space<vmem_shared>>
        tpu.enqueue_dma source(%arg6 : memref<128x128xf32, #tpu.memory_space<vmem>>) target(%dma_start3A_73 : memref<128x128xf32, #tpu.memory_space<vmem_shared>>) target_semaphore(%run_scoped3A : memref<!tpu.dma_semaphore, #tpu.memory_space<semaphore_mem>>)
        %dma_wait3A_74 = arith.constant 0 : i32
        %dma_wait3A_75 = tpu.memref_slice %arg5[%add3A_69, %dma_wait3A_74] : memref<10112x128xf32, #tpu.memory_space<vmem_shared>> -> memref<128x128xf32, #tpu.memory_space<vmem_shared>>
        %dma_wait3A_76 = arith.constant 0 : i32
        %dma_wait3A_77 = tpu.memref_slice %arg5[%add3A_69, %dma_wait3A_76] : memref<10112x128xf32, #tpu.memory_space<vmem_shared>> -> memref<128x128xf32, #tpu.memory_space<vmem_shared>>
        tpu.wait_dma2 semaphore(%run_scoped3A : memref<!tpu.dma_semaphore, #tpu.memory_space<semaphore_mem>>) src(%arg6 : memref<128x128xf32, #tpu.memory_space<vmem>>) dst(%dma_wait3A_77 : memref<128x128xf32, #tpu.memory_space<vmem_shared>>)
        tpu.yield
      }) : () -> ()
    }
    %scan3A_10 = arith.constant 4 : i32
    %mul3A = arith.constant 632 : i32
    %mul3A_11 = arith.muli %arg1, %mul3A : i32
    %add3A = arith.constant 512 : i32
    %add3A_12 = arith.addi %mul3A_11, %add3A : i32
    "tpu.region"() ({
      %run_scoped3A = tpu.sem_alloc : memref<!tpu.dma_semaphore, #tpu.memory_space<semaphore_mem>>
      %dma_start3A_64 = arith.constant 0 : i32
      %dma_start3A_65 = arith.constant 0 : i32
      %dma_start3A_66 = tpu.memref_slice %arg6[%dma_start3A_64, %dma_start3A_65] : memref<128x128xf32, #tpu.memory_space<vmem>> -> memref<120x128xf32, #tpu.memory_space<vmem>>
      %dma_start3A_67 = arith.constant 0 : i32
      %dma_start3A_68 = tpu.memref_slice %arg5[%add3A_12, %dma_start3A_67] : memref<10112x128xf32, #tpu.memory_space<vmem_shared>> -> memref<120x128xf32, #tpu.memory_space<vmem_shared>>
      %dma_start3A_69 = arith.constant 0 : i32
      %dma_start3A_70 = tpu.memref_slice %arg5[%add3A_12, %dma_start3A_69] : memref<10112x128xf32, #tpu.memory_space<vmem_shared>> -> memref<120x128xf32, #tpu.memory_space<vmem_shared>>
      %dma_start3A_71 = arith.constant 0 : i32
      %dma_start3A_72 = arith.constant 0 : i32
      %dma_start3A_73 = tpu.memref_slice %arg6[%dma_start3A_71, %dma_start3A_72] : memref<128x128xf32, #tpu.memory_space<vmem>> -> memref<120x128xf32, #tpu.memory_space<vmem>>
      tpu.enqueue_dma source(%dma_start3A_73 : memref<120x128xf32, #tpu.memory_space<vmem>>) target(%dma_start3A_70 : memref<120x128xf32, #tpu.memory_space<vmem_shared>>) target_semaphore(%run_scoped3A : memref<!tpu.dma_semaphore, #tpu.memory_space<semaphore_mem>>)
      %dma_wait3A_74 = arith.constant 0 : i32
      %dma_wait3A_75 = arith.constant 0 : i32
      %dma_wait3A_76 = tpu.memref_slice %arg6[%dma_wait3A_74, %dma_wait3A_75] : memref<128x128xf32, #tpu.memory_space<vmem>> -> memref<120x128xf32, #tpu.memory_space<vmem>>
      %dma_wait3A_77 = arith.constant 0 : i32
      %dma_wait3A_78 = tpu.memref_slice %arg5[%add3A_12, %dma_wait3A_77] : memref<10112x128xf32, #tpu.memory_space<vmem_shared>> -> memref<120x128xf32, #tpu.memory_space<vmem_shared>>
      %dma_wait3A_79 = arith.constant 0 : i32
      %dma_wait3A_80 = tpu.memref_slice %arg5[%add3A_12, %dma_wait3A_79] : memref<10112x128xf32, #tpu.memory_space<vmem_shared>> -> memref<120x128xf32, #tpu.memory_space<vmem_shared>>
      %dma_wait3A_81 = arith.constant 0 : i32
      %dma_wait3A_82 = arith.constant 0 : i32
      %dma_wait3A_83 = tpu.memref_slice %arg6[%dma_wait3A_81, %dma_wait3A_82] : memref<128x128xf32, #tpu.memory_space<vmem>> -> memref<120x128xf32, #tpu.memory_space<vmem>>
      tpu.wait_dma2 semaphore(%run_scoped3A : memref<!tpu.dma_semaphore, #tpu.memory_space<semaphore_mem>>) src(%dma_wait3A_83 : memref<120x128xf32, #tpu.memory_space<vmem>>) dst(%dma_wait3A_80 : memref<120x128xf32, #tpu.memory_space<vmem_shared>>)
      tpu.yield
    }) : () -> ()
    %mul3A_13 = arith.constant 163840 : i32
    %mul3A_14 = arith.muli %arg0, %mul3A_13 : i32
    %mul3A_15 = arith.constant 10240 : i32
    %mul3A_16 = arith.muli %arg1, %mul3A_15 : i32
    %add3A_17 = arith.addi %mul3A_14, %mul3A_16 : i32
    %mul3A_18 = arith.constant 10240 : i32
    %mul3A_19 = arith.muli %arg1, %mul3A_18 : i32
    %add3A_20 = arith.constant 327680 : i32
    %add3A_21 = arith.addi %add3A_20, %mul3A_19 : i32
    %barrier3A = arith.constant 0 : index
    tpu.barrier barrier_id(%barrier3A)
    %add3A_22 = arith.constant 0 : i32
    %add3A_23 = arith.addi %add3A_17, %add3A_22 : i32
    %dma_start3A = tpu.memref_slice %arg3[%add3A_23] : memref<491520xi32, #tpu.memory_space<hbm>> -> memref<128xi32, #tpu.memory_space<hbm>>
    %dma_start3A_24 = tpu.memref_slice %arg3[%add3A_23] : memref<491520xi32, #tpu.memory_space<hbm>> -> memref<128xi32, #tpu.memory_space<hbm>>
    tpu.enqueue_dma source(%dma_start3A_24 : memref<128xi32, #tpu.memory_space<hbm>>) target(%arg8 : memref<128xi32, #tpu.memory_space<vmem>>) target_semaphore(%arg20 : memref<!tpu.dma_semaphore, #tpu.memory_space<semaphore_mem>>)
    %add3A_25 = arith.constant 0 : i32
    %add3A_26 = arith.addi %add3A_21, %add3A_25 : i32
    %dma_start3A_27 = tpu.memref_slice %arg3[%add3A_26] : memref<491520xi32, #tpu.memory_space<hbm>> -> memref<128xi32, #tpu.memory_space<hbm>>
    %dma_start3A_28 = tpu.memref_slice %arg3[%add3A_26] : memref<491520xi32, #tpu.memory_space<hbm>> -> memref<128xi32, #tpu.memory_space<hbm>>
    tpu.enqueue_dma source(%dma_start3A_28 : memref<128xi32, #tpu.memory_space<hbm>>) target(%arg12 : memref<128xi32, #tpu.memory_space<vmem>>) target_semaphore(%arg20 : memref<!tpu.dma_semaphore, #tpu.memory_space<semaphore_mem>>)
    %add3A_29 = arith.constant 128 : i32
    %add3A_30 = arith.addi %add3A_17, %add3A_29 : i32
    %dma_start3A_31 = tpu.memref_slice %arg3[%add3A_30] : memref<491520xi32, #tpu.memory_space<hbm>> -> memref<128xi32, #tpu.memory_space<hbm>>
    %dma_start3A_32 = tpu.memref_slice %arg3[%add3A_30] : memref<491520xi32, #tpu.memory_space<hbm>> -> memref<128xi32, #tpu.memory_space<hbm>>
    tpu.enqueue_dma source(%dma_start3A_32 : memref<128xi32, #tpu.memory_space<hbm>>) target(%arg9 : memref<128xi32, #tpu.memory_space<vmem>>) target_semaphore(%arg21 : memref<!tpu.dma_semaphore, #tpu.memory_space<semaphore_mem>>)
    %add3A_33 = arith.constant 128 : i32
    %add3A_34 = arith.addi %add3A_21, %add3A_33 : i32
    %dma_start3A_35 = tpu.memref_slice %arg3[%add3A_34] : memref<491520xi32, #tpu.memory_space<hbm>> -> memref<128xi32, #tpu.memory_space<hbm>>
    %dma_start3A_36 = tpu.memref_slice %arg3[%add3A_34] : memref<491520xi32, #tpu.memory_space<hbm>> -> memref<128xi32, #tpu.memory_space<hbm>>
    tpu.enqueue_dma source(%dma_start3A_36 : memref<128xi32, #tpu.memory_space<hbm>>) target(%arg13 : memref<128xi32, #tpu.memory_space<vmem>>) target_semaphore(%arg21 : memref<!tpu.dma_semaphore, #tpu.memory_space<semaphore_mem>>)
    %add3A_37 = arith.constant 0 : i32
    %add3A_38 = arith.addi %add3A_17, %add3A_37 : i32
    %dma_wait3A = tpu.memref_slice %arg3[%add3A_38] : memref<491520xi32, #tpu.memory_space<hbm>> -> memref<128xi32, #tpu.memory_space<hbm>>
    %dma_wait3A_39 = tpu.memref_slice %arg3[%add3A_38] : memref<491520xi32, #tpu.memory_space<hbm>> -> memref<128xi32, #tpu.memory_space<hbm>>
    tpu.wait_dma2 semaphore(%arg20 : memref<!tpu.dma_semaphore, #tpu.memory_space<semaphore_mem>>) src(%dma_wait3A_39 : memref<128xi32, #tpu.memory_space<hbm>>) dst(%arg8 : memref<128xi32, #tpu.memory_space<vmem>>)
    %add3A_40 = arith.constant 0 : i32
    %add3A_41 = arith.addi %add3A_21, %add3A_40 : i32
    %dma_wait3A_42 = tpu.memref_slice %arg3[%add3A_41] : memref<491520xi32, #tpu.memory_space<hbm>> -> memref<128xi32, #tpu.memory_space<hbm>>
    %dma_wait3A_43 = tpu.memref_slice %arg3[%add3A_41] : memref<491520xi32, #tpu.memory_space<hbm>> -> memref<128xi32, #tpu.memory_space<hbm>>
    tpu.wait_dma2 semaphore(%arg20 : memref<!tpu.dma_semaphore, #tpu.memory_space<semaphore_mem>>) src(%dma_wait3A_43 : memref<128xi32, #tpu.memory_space<hbm>>) dst(%arg12 : memref<128xi32, #tpu.memory_space<vmem>>)
    %dma_start3A_44 = arith.constant 0 : i32
    %dma_start3A_45 = arith.constant 0 : i32
    %dma_start3A_46 = tpu.memref_slice %arg2[%dma_start3A_44, %dma_start3A_45] : memref<20480x128xf32, #tpu.memory_space<hbm>> -> memref<20480x128xf32, #tpu.memory_space<hbm>>
    tpu.enqueue_indirect_dma source(%dma_start3A_46 : memref<20480x128xf32, #tpu.memory_space<hbm>>) target(%arg6 : memref<128x128xf32, #tpu.memory_space<vmem>>) offsets(%arg8 : memref<128xi32, #tpu.memory_space<vmem>>) semaphore(%arg16 : memref<!tpu.dma_semaphore, #tpu.memory_space<semaphore_mem>>)
    %scan3A_47 = arith.constant 0 : i32
    %scan3A_48 = arith.constant 0 : i32
    %scan3A_49 = arith.constant 20 : i32
    %scan3A_50 = arith.addi %scan3A_48, %scan3A_49 : i32
    %scan3A_51 = arith.constant 1 : i32
    scf.for %scan3A_64 = %scan3A_48 to %scan3A_50 step %scan3A_51  : i32 {
      %mul3A_65 = arith.constant 4 : i32
      %mul3A_66 = arith.muli %mul3A_65, %scan3A_64 : i32
      %add3A_67 = arith.constant 0 : i32
      %add3A_68 = arith.addi %mul3A_66, %add3A_67 : i32
      %dma_wait3A_69 = arith.constant 0 : i32
      %dma_wait3A_70 = arith.constant 0 : i32
      %dma_wait3A_71 = tpu.memref_slice %arg2[%dma_wait3A_69, %dma_wait3A_70] : memref<20480x128xf32, #tpu.memory_space<hbm>> -> memref<20480x128xf32, #tpu.memory_space<hbm>>
      tpu.wait_indirect_dma semaphore(%arg16 : memref<!tpu.dma_semaphore, #tpu.memory_space<semaphore_mem>>) src(%dma_wait3A_71 : memref<20480x128xf32, #tpu.memory_space<hbm>>) dst(%arg6 : memref<128x128xf32, #tpu.memory_space<vmem>>)
      %dma_start3A_72 = arith.constant 0 : i32
      %dma_start3A_73 = arith.constant 0 : i32
      %dma_start3A_74 = tpu.memref_slice %arg5[%dma_start3A_72, %dma_start3A_73] : memref<10112x128xf32, #tpu.memory_space<vmem_shared>> -> memref<10112x128xf32, #tpu.memory_space<vmem_shared>>
      tpu.enqueue_indirect_dma source(%arg6 : memref<128x128xf32, #tpu.memory_space<vmem>>) target(%dma_start3A_74 : memref<10112x128xf32, #tpu.memory_space<vmem_shared>>) offsets(%arg12 : memref<128xi32, #tpu.memory_space<vmem>>) semaphore(%arg18 : memref<!tpu.dma_semaphore, #tpu.memory_space<semaphore_mem>>) {add = true}
      %lt3A = arith.constant 79 : i32
      %lt3A_75 = arith.cmpi slt, %add3A_68, %lt3A : i32
      %convert_element_type3A = arith.extui %lt3A_75 : i1 to i32
      %cond3A = arith.constant 0 : i32
      %cond3A_76 = arith.cmpi ne, %convert_element_type3A, %cond3A : i32
      scf.if %cond3A_76 {
        %add3A_181 = arith.constant 1 : i32
        %add3A_182 = arith.addi %add3A_68, %add3A_181 : i32
        %mul3A_183 = arith.constant 128 : i32
        %mul3A_184 = arith.muli %add3A_182, %mul3A_183 : i32
        %add3A_185 = arith.addi %add3A_17, %mul3A_184 : i32
        %dma_wait3A_186 = tpu.memref_slice %arg3[%add3A_185] : memref<491520xi32, #tpu.memory_space<hbm>> -> memref<128xi32, #tpu.memory_space<hbm>>
        %dma_wait3A_187 = tpu.memref_slice %arg3[%add3A_185] : memref<491520xi32, #tpu.memory_space<hbm>> -> memref<128xi32, #tpu.memory_space<hbm>>
        tpu.wait_dma2 semaphore(%arg21 : memref<!tpu.dma_semaphore, #tpu.memory_space<semaphore_mem>>) src(%dma_wait3A_187 : memref<128xi32, #tpu.memory_space<hbm>>) dst(%arg9 : memref<128xi32, #tpu.memory_space<vmem>>)
        %mul3A_188 = arith.constant 128 : i32
        %mul3A_189 = arith.muli %add3A_182, %mul3A_188 : i32
        %add3A_190 = arith.addi %add3A_21, %mul3A_189 : i32
        %dma_wait3A_191 = tpu.memref_slice %arg3[%add3A_190] : memref<491520xi32, #tpu.memory_space<hbm>> -> memref<128xi32, #tpu.memory_space<hbm>>
        %dma_wait3A_192 = tpu.memref_slice %arg3[%add3A_190] : memref<491520xi32, #tpu.memory_space<hbm>> -> memref<128xi32, #tpu.memory_space<hbm>>
        tpu.wait_dma2 semaphore(%arg21 : memref<!tpu.dma_semaphore, #tpu.memory_space<semaphore_mem>>) src(%dma_wait3A_192 : memref<128xi32, #tpu.memory_space<hbm>>) dst(%arg13 : memref<128xi32, #tpu.memory_space<vmem>>)
      } else {
      }
      %ge3A = arith.constant 1 : i32
      %ge3A_77 = arith.cmpi sge, %add3A_68, %ge3A : i32
      %convert_element_type3A_78 = arith.extui %ge3A_77 : i1 to i32
      %cond3A_79 = arith.constant 0 : i32
      %cond3A_80 = arith.cmpi ne, %convert_element_type3A_78, %cond3A_79 : i32
      scf.if %cond3A_80 {
        %dma_wait3A_181 = arith.constant 0 : i32
        %dma_wait3A_182 = arith.constant 0 : i32
        %dma_wait3A_183 = tpu.memref_slice %arg5[%dma_wait3A_181, %dma_wait3A_182] : memref<10112x128xf32, #tpu.memory_space<vmem_shared>> -> memref<10112x128xf32, #tpu.memory_space<vmem_shared>>
        tpu.wait_indirect_dma semaphore(%arg19 : memref<!tpu.dma_semaphore, #tpu.memory_space<semaphore_mem>>) src(%arg7 : memref<128x128xf32, #tpu.memory_space<vmem>>) dst(%dma_wait3A_183 : memref<10112x128xf32, #tpu.memory_space<vmem_shared>>)
      } else {
      }
      %lt3A_81 = arith.constant 79 : i32
      %lt3A_82 = arith.cmpi slt, %add3A_68, %lt3A_81 : i32
      %convert_element_type3A_83 = arith.extui %lt3A_82 : i1 to i32
      %cond3A_84 = arith.constant 0 : i32
      %cond3A_85 = arith.cmpi ne, %convert_element_type3A_83, %cond3A_84 : i32
      scf.if %cond3A_85 {
        %dma_start3A_181 = arith.constant 0 : i32
        %dma_start3A_182 = arith.constant 0 : i32
        %dma_start3A_183 = tpu.memref_slice %arg2[%dma_start3A_181, %dma_start3A_182] : memref<20480x128xf32, #tpu.memory_space<hbm>> -> memref<20480x128xf32, #tpu.memory_space<hbm>>
        tpu.enqueue_indirect_dma source(%dma_start3A_183 : memref<20480x128xf32, #tpu.memory_space<hbm>>) target(%arg7 : memref<128x128xf32, #tpu.memory_space<vmem>>) offsets(%arg9 : memref<128xi32, #tpu.memory_space<vmem>>) semaphore(%arg17 : memref<!tpu.dma_semaphore, #tpu.memory_space<semaphore_mem>>)
      } else {
      }
      %lt3A_86 = arith.constant 78 : i32
      %lt3A_87 = arith.cmpi slt, %add3A_68, %lt3A_86 : i32
      %convert_element_type3A_88 = arith.extui %lt3A_87 : i1 to i32
      %cond3A_89 = arith.constant 0 : i32
      %cond3A_90 = arith.cmpi ne, %convert_element_type3A_88, %cond3A_89 : i32
      scf.if %cond3A_90 {
        %add3A_181 = arith.constant 2 : i32
        %add3A_182 = arith.addi %add3A_68, %add3A_181 : i32
        %mul3A_183 = arith.constant 128 : i32
        %mul3A_184 = arith.muli %add3A_182, %mul3A_183 : i32
        %add3A_185 = arith.addi %add3A_17, %mul3A_184 : i32
        %dma_start3A_186 = tpu.memref_slice %arg3[%add3A_185] : memref<491520xi32, #tpu.memory_space<hbm>> -> memref<128xi32, #tpu.memory_space<hbm>>
        %dma_start3A_187 = tpu.memref_slice %arg3[%add3A_185] : memref<491520xi32, #tpu.memory_space<hbm>> -> memref<128xi32, #tpu.memory_space<hbm>>
        tpu.enqueue_dma source(%dma_start3A_187 : memref<128xi32, #tpu.memory_space<hbm>>) target(%arg10 : memref<128xi32, #tpu.memory_space<vmem>>) target_semaphore(%arg22 : memref<!tpu.dma_semaphore, #tpu.memory_space<semaphore_mem>>)
        %mul3A_188 = arith.constant 128 : i32
        %mul3A_189 = arith.muli %add3A_182, %mul3A_188 : i32
        %add3A_190 = arith.addi %add3A_21, %mul3A_189 : i32
        %dma_start3A_191 = tpu.memref_slice %arg3[%add3A_190] : memref<491520xi32, #tpu.memory_space<hbm>> -> memref<128xi32, #tpu.memory_space<hbm>>
        %dma_start3A_192 = tpu.memref_slice %arg3[%add3A_190] : memref<491520xi32, #tpu.memory_space<hbm>> -> memref<128xi32, #tpu.memory_space<hbm>>
        tpu.enqueue_dma source(%dma_start3A_192 : memref<128xi32, #tpu.memory_space<hbm>>) target(%arg14 : memref<128xi32, #tpu.memory_space<vmem>>) target_semaphore(%arg22 : memref<!tpu.dma_semaphore, #tpu.memory_space<semaphore_mem>>)
      } else {
      }
      %mul3A_91 = arith.constant 4 : i32
      %mul3A_92 = arith.muli %mul3A_91, %scan3A_64 : i32
      %add3A_93 = arith.constant 1 : i32
      %add3A_94 = arith.addi %mul3A_92, %add3A_93 : i32
      %dma_wait3A_95 = arith.constant 0 : i32
      %dma_wait3A_96 = arith.constant 0 : i32
      %dma_wait3A_97 = tpu.memref_slice %arg2[%dma_wait3A_95, %dma_wait3A_96] : memref<20480x128xf32, #tpu.memory_space<hbm>> -> memref<20480x128xf32, #tpu.memory_space<hbm>>
      tpu.wait_indirect_dma semaphore(%arg17 : memref<!tpu.dma_semaphore, #tpu.memory_space<semaphore_mem>>) src(%dma_wait3A_97 : memref<20480x128xf32, #tpu.memory_space<hbm>>) dst(%arg7 : memref<128x128xf32, #tpu.memory_space<vmem>>)
      %dma_start3A_98 = arith.constant 0 : i32
      %dma_start3A_99 = arith.constant 0 : i32
      %dma_start3A_100 = tpu.memref_slice %arg5[%dma_start3A_98, %dma_start3A_99] : memref<10112x128xf32, #tpu.memory_space<vmem_shared>> -> memref<10112x128xf32, #tpu.memory_space<vmem_shared>>
      tpu.enqueue_indirect_dma source(%arg7 : memref<128x128xf32, #tpu.memory_space<vmem>>) target(%dma_start3A_100 : memref<10112x128xf32, #tpu.memory_space<vmem_shared>>) offsets(%arg13 : memref<128xi32, #tpu.memory_space<vmem>>) semaphore(%arg19 : memref<!tpu.dma_semaphore, #tpu.memory_space<semaphore_mem>>) {add = true}
      %lt3A_101 = arith.constant 79 : i32
      %lt3A_102 = arith.cmpi slt, %add3A_94, %lt3A_101 : i32
      %convert_element_type3A_103 = arith.extui %lt3A_102 : i1 to i32
      %cond3A_104 = arith.constant 0 : i32
      %cond3A_105 = arith.cmpi ne, %convert_element_type3A_103, %cond3A_104 : i32
      scf.if %cond3A_105 {
        %add3A_181 = arith.constant 1 : i32
        %add3A_182 = arith.addi %add3A_94, %add3A_181 : i32
        %mul3A_183 = arith.constant 128 : i32
        %mul3A_184 = arith.muli %add3A_182, %mul3A_183 : i32
        %add3A_185 = arith.addi %add3A_17, %mul3A_184 : i32
        %dma_wait3A_186 = tpu.memref_slice %arg3[%add3A_185] : memref<491520xi32, #tpu.memory_space<hbm>> -> memref<128xi32, #tpu.memory_space<hbm>>
        %dma_wait3A_187 = tpu.memref_slice %arg3[%add3A_185] : memref<491520xi32, #tpu.memory_space<hbm>> -> memref<128xi32, #tpu.memory_space<hbm>>
        tpu.wait_dma2 semaphore(%arg22 : memref<!tpu.dma_semaphore, #tpu.memory_space<semaphore_mem>>) src(%dma_wait3A_187 : memref<128xi32, #tpu.memory_space<hbm>>) dst(%arg10 : memref<128xi32, #tpu.memory_space<vmem>>)
        %mul3A_188 = arith.constant 128 : i32
        %mul3A_189 = arith.muli %add3A_182, %mul3A_188 : i32
        %add3A_190 = arith.addi %add3A_21, %mul3A_189 : i32
        %dma_wait3A_191 = tpu.memref_slice %arg3[%add3A_190] : memref<491520xi32, #tpu.memory_space<hbm>> -> memref<128xi32, #tpu.memory_space<hbm>>
        %dma_wait3A_192 = tpu.memref_slice %arg3[%add3A_190] : memref<491520xi32, #tpu.memory_space<hbm>> -> memref<128xi32, #tpu.memory_space<hbm>>
        tpu.wait_dma2 semaphore(%arg22 : memref<!tpu.dma_semaphore, #tpu.memory_space<semaphore_mem>>) src(%dma_wait3A_192 : memref<128xi32, #tpu.memory_space<hbm>>) dst(%arg14 : memref<128xi32, #tpu.memory_space<vmem>>)
      } else {
      }
      %ge3A_106 = arith.constant 1 : i32
      %ge3A_107 = arith.cmpi sge, %add3A_94, %ge3A_106 : i32
      %convert_element_type3A_108 = arith.extui %ge3A_107 : i1 to i32
      %cond3A_109 = arith.constant 0 : i32
      %cond3A_110 = arith.cmpi ne, %convert_element_type3A_108, %cond3A_109 : i32
      scf.if %cond3A_110 {
        %dma_wait3A_181 = arith.constant 0 : i32
        %dma_wait3A_182 = arith.constant 0 : i32
        %dma_wait3A_183 = tpu.memref_slice %arg5[%dma_wait3A_181, %dma_wait3A_182] : memref<10112x128xf32, #tpu.memory_space<vmem_shared>> -> memref<10112x128xf32, #tpu.memory_space<vmem_shared>>
        tpu.wait_indirect_dma semaphore(%arg18 : memref<!tpu.dma_semaphore, #tpu.memory_space<semaphore_mem>>) src(%arg6 : memref<128x128xf32, #tpu.memory_space<vmem>>) dst(%dma_wait3A_183 : memref<10112x128xf32, #tpu.memory_space<vmem_shared>>)
      } else {
      }
      %lt3A_111 = arith.constant 79 : i32
      %lt3A_112 = arith.cmpi slt, %add3A_94, %lt3A_111 : i32
      %convert_element_type3A_113 = arith.extui %lt3A_112 : i1 to i32
      %cond3A_114 = arith.constant 0 : i32
      %cond3A_115 = arith.cmpi ne, %convert_element_type3A_113, %cond3A_114 : i32
      scf.if %cond3A_115 {
        %dma_start3A_181 = arith.constant 0 : i32
        %dma_start3A_182 = arith.constant 0 : i32
        %dma_start3A_183 = tpu.memref_slice %arg2[%dma_start3A_181, %dma_start3A_182] : memref<20480x128xf32, #tpu.memory_space<hbm>> -> memref<20480x128xf32, #tpu.memory_space<hbm>>
        tpu.enqueue_indirect_dma source(%dma_start3A_183 : memref<20480x128xf32, #tpu.memory_space<hbm>>) target(%arg6 : memref<128x128xf32, #tpu.memory_space<vmem>>) offsets(%arg10 : memref<128xi32, #tpu.memory_space<vmem>>) semaphore(%arg16 : memref<!tpu.dma_semaphore, #tpu.memory_space<semaphore_mem>>)
      } else {
      }
      %lt3A_116 = arith.constant 78 : i32
      %lt3A_117 = arith.cmpi slt, %add3A_94, %lt3A_116 : i32
      %convert_element_type3A_118 = arith.extui %lt3A_117 : i1 to i32
      %cond3A_119 = arith.constant 0 : i32
      %cond3A_120 = arith.cmpi ne, %convert_element_type3A_118, %cond3A_119 : i32
      scf.if %cond3A_120 {
        %add3A_181 = arith.constant 2 : i32
        %add3A_182 = arith.addi %add3A_94, %add3A_181 : i32
        %mul3A_183 = arith.constant 128 : i32
        %mul3A_184 = arith.muli %add3A_182, %mul3A_183 : i32
        %add3A_185 = arith.addi %add3A_17, %mul3A_184 : i32
        %dma_start3A_186 = tpu.memref_slice %arg3[%add3A_185] : memref<491520xi32, #tpu.memory_space<hbm>> -> memref<128xi32, #tpu.memory_space<hbm>>
        %dma_start3A_187 = tpu.memref_slice %arg3[%add3A_185] : memref<491520xi32, #tpu.memory_space<hbm>> -> memref<128xi32, #tpu.memory_space<hbm>>
        tpu.enqueue_dma source(%dma_start3A_187 : memref<128xi32, #tpu.memory_space<hbm>>) target(%arg11 : memref<128xi32, #tpu.memory_space<vmem>>) target_semaphore(%arg23 : memref<!tpu.dma_semaphore, #tpu.memory_space<semaphore_mem>>)
        %mul3A_188 = arith.constant 128 : i32
        %mul3A_189 = arith.muli %add3A_182, %mul3A_188 : i32
        %add3A_190 = arith.addi %add3A_21, %mul3A_189 : i32
        %dma_start3A_191 = tpu.memref_slice %arg3[%add3A_190] : memref<491520xi32, #tpu.memory_space<hbm>> -> memref<128xi32, #tpu.memory_space<hbm>>
        %dma_start3A_192 = tpu.memref_slice %arg3[%add3A_190] : memref<491520xi32, #tpu.memory_space<hbm>> -> memref<128xi32, #tpu.memory_space<hbm>>
        tpu.enqueue_dma source(%dma_start3A_192 : memref<128xi32, #tpu.memory_space<hbm>>) target(%arg15 : memref<128xi32, #tpu.memory_space<vmem>>) target_semaphore(%arg23 : memref<!tpu.dma_semaphore, #tpu.memory_space<semaphore_mem>>)
      } else {
      }
      %mul3A_121 = arith.constant 4 : i32
      %mul3A_122 = arith.muli %mul3A_121, %scan3A_64 : i32
      %add3A_123 = arith.constant 2 : i32
      %add3A_124 = arith.addi %mul3A_122, %add3A_123 : i32
      %dma_wait3A_125 = arith.constant 0 : i32
      %dma_wait3A_126 = arith.constant 0 : i32
      %dma_wait3A_127 = tpu.memref_slice %arg2[%dma_wait3A_125, %dma_wait3A_126] : memref<20480x128xf32, #tpu.memory_space<hbm>> -> memref<20480x128xf32, #tpu.memory_space<hbm>>
      tpu.wait_indirect_dma semaphore(%arg16 : memref<!tpu.dma_semaphore, #tpu.memory_space<semaphore_mem>>) src(%dma_wait3A_127 : memref<20480x128xf32, #tpu.memory_space<hbm>>) dst(%arg6 : memref<128x128xf32, #tpu.memory_space<vmem>>)
      %dma_start3A_128 = arith.constant 0 : i32
      %dma_start3A_129 = arith.constant 0 : i32
      %dma_start3A_130 = tpu.memref_slice %arg5[%dma_start3A_128, %dma_start3A_129] : memref<10112x128xf32, #tpu.memory_space<vmem_shared>> -> memref<10112x128xf32, #tpu.memory_space<vmem_shared>>
      tpu.enqueue_indirect_dma source(%arg6 : memref<128x128xf32, #tpu.memory_space<vmem>>) target(%dma_start3A_130 : memref<10112x128xf32, #tpu.memory_space<vmem_shared>>) offsets(%arg14 : memref<128xi32, #tpu.memory_space<vmem>>) semaphore(%arg18 : memref<!tpu.dma_semaphore, #tpu.memory_space<semaphore_mem>>) {add = true}
      %lt3A_131 = arith.constant 79 : i32
      %lt3A_132 = arith.cmpi slt, %add3A_124, %lt3A_131 : i32
      %convert_element_type3A_133 = arith.extui %lt3A_132 : i1 to i32
      %cond3A_134 = arith.constant 0 : i32
      %cond3A_135 = arith.cmpi ne, %convert_element_type3A_133, %cond3A_134 : i32
      scf.if %cond3A_135 {
        %add3A_181 = arith.constant 1 : i32
        %add3A_182 = arith.addi %add3A_124, %add3A_181 : i32
        %mul3A_183 = arith.constant 128 : i32
        %mul3A_184 = arith.muli %add3A_182, %mul3A_183 : i32
        %add3A_185 = arith.addi %add3A_17, %mul3A_184 : i32
        %dma_wait3A_186 = tpu.memref_slice %arg3[%add3A_185] : memref<491520xi32, #tpu.memory_space<hbm>> -> memref<128xi32, #tpu.memory_space<hbm>>
        %dma_wait3A_187 = tpu.memref_slice %arg3[%add3A_185] : memref<491520xi32, #tpu.memory_space<hbm>> -> memref<128xi32, #tpu.memory_space<hbm>>
        tpu.wait_dma2 semaphore(%arg23 : memref<!tpu.dma_semaphore, #tpu.memory_space<semaphore_mem>>) src(%dma_wait3A_187 : memref<128xi32, #tpu.memory_space<hbm>>) dst(%arg11 : memref<128xi32, #tpu.memory_space<vmem>>)
        %mul3A_188 = arith.constant 128 : i32
        %mul3A_189 = arith.muli %add3A_182, %mul3A_188 : i32
        %add3A_190 = arith.addi %add3A_21, %mul3A_189 : i32
        %dma_wait3A_191 = tpu.memref_slice %arg3[%add3A_190] : memref<491520xi32, #tpu.memory_space<hbm>> -> memref<128xi32, #tpu.memory_space<hbm>>
        %dma_wait3A_192 = tpu.memref_slice %arg3[%add3A_190] : memref<491520xi32, #tpu.memory_space<hbm>> -> memref<128xi32, #tpu.memory_space<hbm>>
        tpu.wait_dma2 semaphore(%arg23 : memref<!tpu.dma_semaphore, #tpu.memory_space<semaphore_mem>>) src(%dma_wait3A_192 : memref<128xi32, #tpu.memory_space<hbm>>) dst(%arg15 : memref<128xi32, #tpu.memory_space<vmem>>)
      } else {
      }
      %ge3A_136 = arith.constant 1 : i32
      %ge3A_137 = arith.cmpi sge, %add3A_124, %ge3A_136 : i32
      %convert_element_type3A_138 = arith.extui %ge3A_137 : i1 to i32
      %cond3A_139 = arith.constant 0 : i32
      %cond3A_140 = arith.cmpi ne, %convert_element_type3A_138, %cond3A_139 : i32
      scf.if %cond3A_140 {
        %dma_wait3A_181 = arith.constant 0 : i32
        %dma_wait3A_182 = arith.constant 0 : i32
        %dma_wait3A_183 = tpu.memref_slice %arg5[%dma_wait3A_181, %dma_wait3A_182] : memref<10112x128xf32, #tpu.memory_space<vmem_shared>> -> memref<10112x128xf32, #tpu.memory_space<vmem_shared>>
        tpu.wait_indirect_dma semaphore(%arg19 : memref<!tpu.dma_semaphore, #tpu.memory_space<semaphore_mem>>) src(%arg7 : memref<128x128xf32, #tpu.memory_space<vmem>>) dst(%dma_wait3A_183 : memref<10112x128xf32, #tpu.memory_space<vmem_shared>>)
      } else {
      }
      %lt3A_141 = arith.constant 79 : i32
      %lt3A_142 = arith.cmpi slt, %add3A_124, %lt3A_141 : i32
      %convert_element_type3A_143 = arith.extui %lt3A_142 : i1 to i32
      %cond3A_144 = arith.constant 0 : i32
      %cond3A_145 = arith.cmpi ne, %convert_element_type3A_143, %cond3A_144 : i32
      scf.if %cond3A_145 {
        %dma_start3A_181 = arith.constant 0 : i32
        %dma_start3A_182 = arith.constant 0 : i32
        %dma_start3A_183 = tpu.memref_slice %arg2[%dma_start3A_181, %dma_start3A_182] : memref<20480x128xf32, #tpu.memory_space<hbm>> -> memref<20480x128xf32, #tpu.memory_space<hbm>>
        tpu.enqueue_indirect_dma source(%dma_start3A_183 : memref<20480x128xf32, #tpu.memory_space<hbm>>) target(%arg7 : memref<128x128xf32, #tpu.memory_space<vmem>>) offsets(%arg11 : memref<128xi32, #tpu.memory_space<vmem>>) semaphore(%arg17 : memref<!tpu.dma_semaphore, #tpu.memory_space<semaphore_mem>>)
      } else {
      }
      %lt3A_146 = arith.constant 78 : i32
      %lt3A_147 = arith.cmpi slt, %add3A_124, %lt3A_146 : i32
      %convert_element_type3A_148 = arith.extui %lt3A_147 : i1 to i32
      %cond3A_149 = arith.constant 0 : i32
      %cond3A_150 = arith.cmpi ne, %convert_element_type3A_148, %cond3A_149 : i32
      scf.if %cond3A_150 {
        %add3A_181 = arith.constant 2 : i32
        %add3A_182 = arith.addi %add3A_124, %add3A_181 : i32
        %mul3A_183 = arith.constant 128 : i32
        %mul3A_184 = arith.muli %add3A_182, %mul3A_183 : i32
        %add3A_185 = arith.addi %add3A_17, %mul3A_184 : i32
        %dma_start3A_186 = tpu.memref_slice %arg3[%add3A_185] : memref<491520xi32, #tpu.memory_space<hbm>> -> memref<128xi32, #tpu.memory_space<hbm>>
        %dma_start3A_187 = tpu.memref_slice %arg3[%add3A_185] : memref<491520xi32, #tpu.memory_space<hbm>> -> memref<128xi32, #tpu.memory_space<hbm>>
        tpu.enqueue_dma source(%dma_start3A_187 : memref<128xi32, #tpu.memory_space<hbm>>) target(%arg8 : memref<128xi32, #tpu.memory_space<vmem>>) target_semaphore(%arg20 : memref<!tpu.dma_semaphore, #tpu.memory_space<semaphore_mem>>)
        %mul3A_188 = arith.constant 128 : i32
        %mul3A_189 = arith.muli %add3A_182, %mul3A_188 : i32
        %add3A_190 = arith.addi %add3A_21, %mul3A_189 : i32
        %dma_start3A_191 = tpu.memref_slice %arg3[%add3A_190] : memref<491520xi32, #tpu.memory_space<hbm>> -> memref<128xi32, #tpu.memory_space<hbm>>
        %dma_start3A_192 = tpu.memref_slice %arg3[%add3A_190] : memref<491520xi32, #tpu.memory_space<hbm>> -> memref<128xi32, #tpu.memory_space<hbm>>
        tpu.enqueue_dma source(%dma_start3A_192 : memref<128xi32, #tpu.memory_space<hbm>>) target(%arg12 : memref<128xi32, #tpu.memory_space<vmem>>) target_semaphore(%arg20 : memref<!tpu.dma_semaphore, #tpu.memory_space<semaphore_mem>>)
      } else {
      }
      %mul3A_151 = arith.constant 4 : i32
      %mul3A_152 = arith.muli %mul3A_151, %scan3A_64 : i32
      %add3A_153 = arith.constant 3 : i32
      %add3A_154 = arith.addi %mul3A_152, %add3A_153 : i32
      %dma_wait3A_155 = arith.constant 0 : i32
      %dma_wait3A_156 = arith.constant 0 : i32
      %dma_wait3A_157 = tpu.memref_slice %arg2[%dma_wait3A_155, %dma_wait3A_156] : memref<20480x128xf32, #tpu.memory_space<hbm>> -> memref<20480x128xf32, #tpu.memory_space<hbm>>
      tpu.wait_indirect_dma semaphore(%arg17 : memref<!tpu.dma_semaphore, #tpu.memory_space<semaphore_mem>>) src(%dma_wait3A_157 : memref<20480x128xf32, #tpu.memory_space<hbm>>) dst(%arg7 : memref<128x128xf32, #tpu.memory_space<vmem>>)
      %dma_start3A_158 = arith.constant 0 : i32
      %dma_start3A_159 = arith.constant 0 : i32
      %dma_start3A_160 = tpu.memref_slice %arg5[%dma_start3A_158, %dma_start3A_159] : memref<10112x128xf32, #tpu.memory_space<vmem_shared>> -> memref<10112x128xf32, #tpu.memory_space<vmem_shared>>
      tpu.enqueue_indirect_dma source(%arg7 : memref<128x128xf32, #tpu.memory_space<vmem>>) target(%dma_start3A_160 : memref<10112x128xf32, #tpu.memory_space<vmem_shared>>) offsets(%arg15 : memref<128xi32, #tpu.memory_space<vmem>>) semaphore(%arg19 : memref<!tpu.dma_semaphore, #tpu.memory_space<semaphore_mem>>) {add = true}
      %lt3A_161 = arith.constant 79 : i32
      %lt3A_162 = arith.cmpi slt, %add3A_154, %lt3A_161 : i32
      %convert_element_type3A_163 = arith.extui %lt3A_162 : i1 to i32
      %cond3A_164 = arith.constant 0 : i32
      %cond3A_165 = arith.cmpi ne, %convert_element_type3A_163, %cond3A_164 : i32
      scf.if %cond3A_165 {
        %add3A_181 = arith.constant 1 : i32
        %add3A_182 = arith.addi %add3A_154, %add3A_181 : i32
        %mul3A_183 = arith.constant 128 : i32
        %mul3A_184 = arith.muli %add3A_182, %mul3A_183 : i32
        %add3A_185 = arith.addi %add3A_17, %mul3A_184 : i32
        %dma_wait3A_186 = tpu.memref_slice %arg3[%add3A_185] : memref<491520xi32, #tpu.memory_space<hbm>> -> memref<128xi32, #tpu.memory_space<hbm>>
        %dma_wait3A_187 = tpu.memref_slice %arg3[%add3A_185] : memref<491520xi32, #tpu.memory_space<hbm>> -> memref<128xi32, #tpu.memory_space<hbm>>
        tpu.wait_dma2 semaphore(%arg20 : memref<!tpu.dma_semaphore, #tpu.memory_space<semaphore_mem>>) src(%dma_wait3A_187 : memref<128xi32, #tpu.memory_space<hbm>>) dst(%arg8 : memref<128xi32, #tpu.memory_space<vmem>>)
        %mul3A_188 = arith.constant 128 : i32
        %mul3A_189 = arith.muli %add3A_182, %mul3A_188 : i32
        %add3A_190 = arith.addi %add3A_21, %mul3A_189 : i32
        %dma_wait3A_191 = tpu.memref_slice %arg3[%add3A_190] : memref<491520xi32, #tpu.memory_space<hbm>> -> memref<128xi32, #tpu.memory_space<hbm>>
        %dma_wait3A_192 = tpu.memref_slice %arg3[%add3A_190] : memref<491520xi32, #tpu.memory_space<hbm>> -> memref<128xi32, #tpu.memory_space<hbm>>
        tpu.wait_dma2 semaphore(%arg20 : memref<!tpu.dma_semaphore, #tpu.memory_space<semaphore_mem>>) src(%dma_wait3A_192 : memref<128xi32, #tpu.memory_space<hbm>>) dst(%arg12 : memref<128xi32, #tpu.memory_space<vmem>>)
      } else {
      }
      %ge3A_166 = arith.constant 1 : i32
      %ge3A_167 = arith.cmpi sge, %add3A_154, %ge3A_166 : i32
      %convert_element_type3A_168 = arith.extui %ge3A_167 : i1 to i32
      %cond3A_169 = arith.constant 0 : i32
      %cond3A_170 = arith.cmpi ne, %convert_element_type3A_168, %cond3A_169 : i32
      scf.if %cond3A_170 {
        %dma_wait3A_181 = arith.constant 0 : i32
        %dma_wait3A_182 = arith.constant 0 : i32
        %dma_wait3A_183 = tpu.memref_slice %arg5[%dma_wait3A_181, %dma_wait3A_182] : memref<10112x128xf32, #tpu.memory_space<vmem_shared>> -> memref<10112x128xf32, #tpu.memory_space<vmem_shared>>
        tpu.wait_indirect_dma semaphore(%arg18 : memref<!tpu.dma_semaphore, #tpu.memory_space<semaphore_mem>>) src(%arg6 : memref<128x128xf32, #tpu.memory_space<vmem>>) dst(%dma_wait3A_183 : memref<10112x128xf32, #tpu.memory_space<vmem_shared>>)
      } else {
      }
      %lt3A_171 = arith.constant 79 : i32
      %lt3A_172 = arith.cmpi slt, %add3A_154, %lt3A_171 : i32
      %convert_element_type3A_173 = arith.extui %lt3A_172 : i1 to i32
      %cond3A_174 = arith.constant 0 : i32
      %cond3A_175 = arith.cmpi ne, %convert_element_type3A_173, %cond3A_174 : i32
      scf.if %cond3A_175 {
        %dma_start3A_181 = arith.constant 0 : i32
        %dma_start3A_182 = arith.constant 0 : i32
        %dma_start3A_183 = tpu.memref_slice %arg2[%dma_start3A_181, %dma_start3A_182] : memref<20480x128xf32, #tpu.memory_space<hbm>> -> memref<20480x128xf32, #tpu.memory_space<hbm>>
        tpu.enqueue_indirect_dma source(%dma_start3A_183 : memref<20480x128xf32, #tpu.memory_space<hbm>>) target(%arg6 : memref<128x128xf32, #tpu.memory_space<vmem>>) offsets(%arg8 : memref<128xi32, #tpu.memory_space<vmem>>) semaphore(%arg16 : memref<!tpu.dma_semaphore, #tpu.memory_space<semaphore_mem>>)
      } else {
      }
      %lt3A_176 = arith.constant 78 : i32
      %lt3A_177 = arith.cmpi slt, %add3A_154, %lt3A_176 : i32
      %convert_element_type3A_178 = arith.extui %lt3A_177 : i1 to i32
      %cond3A_179 = arith.constant 0 : i32
      %cond3A_180 = arith.cmpi ne, %convert_element_type3A_178, %cond3A_179 : i32
      scf.if %cond3A_180 {
        %add3A_181 = arith.constant 2 : i32
        %add3A_182 = arith.addi %add3A_154, %add3A_181 : i32
        %mul3A_183 = arith.constant 128 : i32
        %mul3A_184 = arith.muli %add3A_182, %mul3A_183 : i32
        %add3A_185 = arith.addi %add3A_17, %mul3A_184 : i32
        %dma_start3A_186 = tpu.memref_slice %arg3[%add3A_185] : memref<491520xi32, #tpu.memory_space<hbm>> -> memref<128xi32, #tpu.memory_space<hbm>>
        %dma_start3A_187 = tpu.memref_slice %arg3[%add3A_185] : memref<491520xi32, #tpu.memory_space<hbm>> -> memref<128xi32, #tpu.memory_space<hbm>>
        tpu.enqueue_dma source(%dma_start3A_187 : memref<128xi32, #tpu.memory_space<hbm>>) target(%arg9 : memref<128xi32, #tpu.memory_space<vmem>>) target_semaphore(%arg21 : memref<!tpu.dma_semaphore, #tpu.memory_space<semaphore_mem>>)
        %mul3A_188 = arith.constant 128 : i32
        %mul3A_189 = arith.muli %add3A_182, %mul3A_188 : i32
        %add3A_190 = arith.addi %add3A_21, %mul3A_189 : i32
        %dma_start3A_191 = tpu.memref_slice %arg3[%add3A_190] : memref<491520xi32, #tpu.memory_space<hbm>> -> memref<128xi32, #tpu.memory_space<hbm>>
        %dma_start3A_192 = tpu.memref_slice %arg3[%add3A_190] : memref<491520xi32, #tpu.memory_space<hbm>> -> memref<128xi32, #tpu.memory_space<hbm>>
        tpu.enqueue_dma source(%dma_start3A_192 : memref<128xi32, #tpu.memory_space<hbm>>) target(%arg13 : memref<128xi32, #tpu.memory_space<vmem>>) target_semaphore(%arg21 : memref<!tpu.dma_semaphore, #tpu.memory_space<semaphore_mem>>)
      } else {
      }
    }
    %scan3A_52 = arith.constant 20 : i32
    %dma_wait3A_53 = arith.constant 0 : i32
    %dma_wait3A_54 = arith.constant 0 : i32
    %dma_wait3A_55 = tpu.memref_slice %arg5[%dma_wait3A_53, %dma_wait3A_54] : memref<10112x128xf32, #tpu.memory_space<vmem_shared>> -> memref<10112x128xf32, #tpu.memory_space<vmem_shared>>
    tpu.wait_indirect_dma semaphore(%arg19 : memref<!tpu.dma_semaphore, #tpu.memory_space<semaphore_mem>>) src(%arg7 : memref<128x128xf32, #tpu.memory_space<vmem>>) dst(%dma_wait3A_55 : memref<10112x128xf32, #tpu.memory_space<vmem_shared>>)
    %barrier3A_56 = arith.constant 0 : index
    tpu.barrier barrier_id(%barrier3A_56)
    %mul3A_57 = arith.constant 632 : i32
    %mul3A_58 = arith.muli %arg1, %mul3A_57 : i32
    %mul3A_59 = arith.constant 10240 : i32
    %mul3A_60 = arith.muli %arg0, %mul3A_59 : i32
    %mul3A_61 = arith.constant 632 : i32
    %mul3A_62 = arith.muli %arg1, %mul3A_61 : i32
    %add3A_63 = arith.addi %mul3A_60, %mul3A_62 : i32
    "tpu.region"() ({
      %run_scoped3A = tpu.sem_alloc : memref<!tpu.dma_semaphore, #tpu.memory_space<semaphore_mem>>
      %dma_start3A_64 = arith.constant 0 : i32
      %dma_start3A_65 = tpu.memref_slice %arg4[%add3A_63, %dma_start3A_64] : memref<20480x128xf32, #tpu.memory_space<hbm>> -> memref<632x128xf32, #tpu.memory_space<hbm>>
      %dma_start3A_66 = arith.constant 0 : i32
      %dma_start3A_67 = tpu.memref_slice %arg5[%mul3A_58, %dma_start3A_66] : memref<10112x128xf32, #tpu.memory_space<vmem_shared>> -> memref<632x128xf32, #tpu.memory_space<vmem_shared>>
      tpu.enqueue_dma source(%dma_start3A_67 : memref<632x128xf32, #tpu.memory_space<vmem_shared>>) target(%dma_start3A_65 : memref<632x128xf32, #tpu.memory_space<hbm>>) target_semaphore(%run_scoped3A : memref<!tpu.dma_semaphore, #tpu.memory_space<semaphore_mem>>)
      %dma_wait3A_68 = arith.constant 0 : i32
      %dma_wait3A_69 = tpu.memref_slice %arg4[%add3A_63, %dma_wait3A_68] : memref<20480x128xf32, #tpu.memory_space<hbm>> -> memref<632x128xf32, #tpu.memory_space<hbm>>
      %dma_wait3A_70 = arith.constant 0 : i32
      %dma_wait3A_71 = tpu.memref_slice %arg5[%mul3A_58, %dma_wait3A_70] : memref<10112x128xf32, #tpu.memory_space<vmem_shared>> -> memref<632x128xf32, #tpu.memory_space<vmem_shared>>
      tpu.wait_dma2 semaphore(%run_scoped3A : memref<!tpu.dma_semaphore, #tpu.memory_space<semaphore_mem>>) src(%dma_wait3A_71 : memref<632x128xf32, #tpu.memory_space<vmem_shared>>) dst(%dma_wait3A_69 : memref<632x128xf32, #tpu.memory_space<hbm>>)
      tpu.yield
    }) : () -> ()
    return
  }
}

#map = affine_map<(d0, d1) -> (0, 0)>
#map1 = affine_map<(d0, d1) -> (0)>
module attributes {stable_mosaic.version = 14 : i64} {
  func.func @_hop_body(%arg0: i32, %arg1: i32, %arg2: memref<20480x128xf32, #tpu.memory_space<hbm>>, %arg3: memref<491520xi32, #tpu.memory_space<hbm>>, %arg4: memref<20480x128xf32, #tpu.memory_space<hbm>>, %arg5: memref<10112x128xf32, #tpu.memory_space<vmem_shared>>, %arg6: memref<128x128xf32, #tpu.memory_space<vmem>>, %arg7: memref<128x128xf32, #tpu.memory_space<vmem>>, %arg8: memref<128xi32, #tpu.memory_space<vmem>>, %arg9: memref<128xi32, #tpu.memory_space<vmem>>, %arg10: memref<128xi32, #tpu.memory_space<vmem>>, %arg11: memref<128xi32, #tpu.memory_space<vmem>>, %arg12: memref<128xi32, #tpu.memory_space<vmem>>, %arg13: memref<128xi32, #tpu.memory_space<vmem>>, %arg14: memref<128xi32, #tpu.memory_space<vmem>>, %arg15: memref<128xi32, #tpu.memory_space<vmem>>, %arg16: memref<!tpu.dma_semaphore, #tpu.memory_space<semaphore_mem>>, %arg17: memref<!tpu.dma_semaphore, #tpu.memory_space<semaphore_mem>>, %arg18: memref<!tpu.dma_semaphore, #tpu.memory_space<semaphore_mem>>, %arg19: memref<!tpu.dma_semaphore, #tpu.memory_space<semaphore_mem>>, %arg20: memref<!tpu.dma_semaphore, #tpu.memory_space<semaphore_mem>>, %arg21: memref<!tpu.dma_semaphore, #tpu.memory_space<semaphore_mem>>, %arg22: memref<!tpu.dma_semaphore, #tpu.memory_space<semaphore_mem>>, %arg23: memref<!tpu.dma_semaphore, #tpu.memory_space<semaphore_mem>>) attributes {dimension_semantics = [#tpu.dimension_semantics<core_parallel>, #tpu.dimension_semantics<subcore_parallel>], iteration_bounds = array<i64: 2, 16>, scalar_prefetch = 0 : i64, scratch_operands = 19 : i64, tpu.core_type = #tpu.core_type<sc_vector_subcore>, window_params = [{transform_indices = #map}, {transform_indices = #map1}, {transform_indices = #map}]} {
    %scan3A = arith.constant 0 : i32
    %scan3A_0 = arith.constant 0 : i32
    %scan3A_1 = arith.constant 128 : i32
    %scan3A_2 = arith.addi %scan3A_0, %scan3A_1 : i32
    %scan3A_3 = arith.constant 1 : i32
    scf.for %scan3A_64 = %scan3A_0 to %scan3A_2 step %scan3A_3  : i32 {
      %broadcast_in_dim3A = arith.constant 0.000000e+00 : f32
      %broadcast_in_dim3A_65 = vector.broadcast %broadcast_in_dim3A : f32 to vector<16xf32>
      %swap3A = arith.index_cast %scan3A_64 : i32 to index
      %swap3A_66 = arith.constant 0 : index
      %swap3A_67 = tpu.vector_load %arg6[%swap3A, %swap3A_66] {strides = array<i32>} : memref<128x128xf32, #tpu.memory_space<vmem>>, vector<1x16xf32>,
      %swap3A_68 = vector.shape_cast %swap3A_67 : vector<1x16xf32> to vector<16xf32>
      %swap3A_69 = vector.shape_cast %broadcast_in_dim3A_65 : vector<16xf32> to vector<1x16xf32>
      tpu.vector_store %arg6[%swap3A, %swap3A_66], %swap3A_69 {strides = array<i32>} : memref<128x128xf32, #tpu.memory_space<vmem>>, vector<1x16xf32>,
      %broadcast_in_dim3A_70 = arith.constant 0.000000e+00 : f32
      %broadcast_in_dim3A_71 = vector.broadcast %broadcast_in_dim3A_70 : f32 to vector<16xf32>
      %swap3A_72 = arith.index_cast %scan3A_64 : i32 to index
      %swap3A_73 = arith.constant 16 : index
      %swap3A_74 = tpu.vector_load %arg6[%swap3A_72, %swap3A_73] {strides = array<i32>} : memref<128x128xf32, #tpu.memory_space<vmem>>, vector<1x16xf32>,
      %swap3A_75 = vector.shape_cast %swap3A_74 : vector<1x16xf32> to vector<16xf32>
      %swap3A_76 = vector.shape_cast %broadcast_in_dim3A_71 : vector<16xf32> to vector<1x16xf32>
      tpu.vector_store %arg6[%swap3A_72, %swap3A_73], %swap3A_76 {strides = array<i32>} : memref<128x128xf32, #tpu.memory_space<vmem>>, vector<1x16xf32>,
      %broadcast_in_dim3A_77 = arith.constant 0.000000e+00 : f32
      %broadcast_in_dim3A_78 = vector.broadcast %broadcast_in_dim3A_77 : f32 to vector<16xf32>
      %swap3A_79 = arith.index_cast %scan3A_64 : i32 to index
      %swap3A_80 = arith.constant 32 : index
      %swap3A_81 = tpu.vector_load %arg6[%swap3A_79, %swap3A_80] {strides = array<i32>} : memref<128x128xf32, #tpu.memory_space<vmem>>, vector<1x16xf32>,
      %swap3A_82 = vector.shape_cast %swap3A_81 : vector<1x16xf32> to vector<16xf32>
      %swap3A_83 = vector.shape_cast %broadcast_in_dim3A_78 : vector<16xf32> to vector<1x16xf32>
      tpu.vector_store %arg6[%swap3A_79, %swap3A_80], %swap3A_83 {strides = array<i32>} : memref<128x128xf32, #tpu.memory_space<vmem>>, vector<1x16xf32>,
      %broadcast_in_dim3A_84 = arith.constant 0.000000e+00 : f32
      %broadcast_in_dim3A_85 = vector.broadcast %broadcast_in_dim3A_84 : f32 to vector<16xf32>
      %swap3A_86 = arith.index_cast %scan3A_64 : i32 to index
      %swap3A_87 = arith.constant 48 : index
      %swap3A_88 = tpu.vector_load %arg6[%swap3A_86, %swap3A_87] {strides = array<i32>} : memref<128x128xf32, #tpu.memory_space<vmem>>, vector<1x16xf32>,
      %swap3A_89 = vector.shape_cast %swap3A_88 : vector<1x16xf32> to vector<16xf32>
      %swap3A_90 = vector.shape_cast %broadcast_in_dim3A_85 : vector<16xf32> to vector<1x16xf32>
      tpu.vector_store %arg6[%swap3A_86, %swap3A_87], %swap3A_90 {strides = array<i32>} : memref<128x128xf32, #tpu.memory_space<vmem>>, vector<1x16xf32>,
      %broadcast_in_dim3A_91 = arith.constant 0.000000e+00 : f32
      %broadcast_in_dim3A_92 = vector.broadcast %broadcast_in_dim3A_91 : f32 to vector<16xf32>
      %swap3A_93 = arith.index_cast %scan3A_64 : i32 to index
      %swap3A_94 = arith.constant 64 : index
      %swap3A_95 = tpu.vector_load %arg6[%swap3A_93, %swap3A_94] {strides = array<i32>} : memref<128x128xf32, #tpu.memory_space<vmem>>, vector<1x16xf32>,
      %swap3A_96 = vector.shape_cast %swap3A_95 : vector<1x16xf32> to vector<16xf32>
      %swap3A_97 = vector.shape_cast %broadcast_in_dim3A_92 : vector<16xf32> to vector<1x16xf32>
      tpu.vector_store %arg6[%swap3A_93, %swap3A_94], %swap3A_97 {strides = array<i32>} : memref<128x128xf32, #tpu.memory_space<vmem>>, vector<1x16xf32>,
      %broadcast_in_dim3A_98 = arith.constant 0.000000e+00 : f32
      %broadcast_in_dim3A_99 = vector.broadcast %broadcast_in_dim3A_98 : f32 to vector<16xf32>
      %swap3A_100 = arith.index_cast %scan3A_64 : i32 to index
      %swap3A_101 = arith.constant 80 : index
      %swap3A_102 = tpu.vector_load %arg6[%swap3A_100, %swap3A_101] {strides = array<i32>} : memref<128x128xf32, #tpu.memory_space<vmem>>, vector<1x16xf32>,
      %swap3A_103 = vector.shape_cast %swap3A_102 : vector<1x16xf32> to vector<16xf32>
      %swap3A_104 = vector.shape_cast %broadcast_in_dim3A_99 : vector<16xf32> to vector<1x16xf32>
      tpu.vector_store %arg6[%swap3A_100, %swap3A_101], %swap3A_104 {strides = array<i32>} : memref<128x128xf32, #tpu.memory_space<vmem>>, vector<1x16xf32>,
      %broadcast_in_dim3A_105 = arith.constant 0.000000e+00 : f32
      %broadcast_in_dim3A_106 = vector.broadcast %broadcast_in_dim3A_105 : f32 to vector<16xf32>
      %swap3A_107 = arith.index_cast %scan3A_64 : i32 to index
      %swap3A_108 = arith.constant 96 : index
      %swap3A_109 = tpu.vector_load %arg6[%swap3A_107, %swap3A_108] {strides = array<i32>} : memref<128x128xf32, #tpu.memory_space<vmem>>, vector<1x16xf32>,
      %swap3A_110 = vector.shape_cast %swap3A_109 : vector<1x16xf32> to vector<16xf32>
      %swap3A_111 = vector.shape_cast %broadcast_in_dim3A_106 : vector<16xf32> to vector<1x16xf32>
      tpu.vector_store %arg6[%swap3A_107, %swap3A_108], %swap3A_111 {strides = array<i32>} : memref<128x128xf32, #tpu.memory_space<vmem>>, vector<1x16xf32>,
      %broadcast_in_dim3A_112 = arith.constant 0.000000e+00 : f32
      %broadcast_in_dim3A_113 = vector.broadcast %broadcast_in_dim3A_112 : f32 to vector<16xf32>
      %swap3A_114 = arith.index_cast %scan3A_64 : i32 to index
      %swap3A_115 = arith.constant 112 : index
      %swap3A_116 = tpu.vector_load %arg6[%swap3A_114, %swap3A_115] {strides = array<i32>} : memref<128x128xf32, #tpu.memory_space<vmem>>, vector<1x16xf32>,
      %swap3A_117 = vector.shape_cast %swap3A_116 : vector<1x16xf32> to vector<16xf32>
      %swap3A_118 = vector.shape_cast %broadcast_in_dim3A_113 : vector<16xf32> to vector<1x16xf32>
      tpu.vector_store %arg6[%swap3A_114, %swap3A_115], %swap3A_118 {strides = array<i32>} : memref<128x128xf32, #tpu.memory_space<vmem>>, vector<1x16xf32>,
    }
    %scan3A_4 = arith.constant 128 : i32
    %scan3A_5 = arith.constant 0 : i32
    %scan3A_6 = arith.constant 0 : i32
    %scan3A_7 = arith.constant 4 : i32
    %scan3A_8 = arith.addi %scan3A_6, %scan3A_7 : i32
    %scan3A_9 = arith.constant 1 : i32
    scf.for %scan3A_64 = %scan3A_6 to %scan3A_8 step %scan3A_9  : i32 {
      %mul3A_65 = arith.constant 632 : i32
      %mul3A_66 = arith.muli %arg1, %mul3A_65 : i32
      %mul3A_67 = arith.constant 128 : i32
      %mul3A_68 = arith.muli %scan3A_64, %mul3A_67 : i32
      %add3A_69 = arith.addi %mul3A_66, %mul3A_68 : i32
      "tpu.region"() ({
        %run_scoped3A = tpu.sem_alloc : memref<!tpu.dma_semaphore, #tpu.memory_space<semaphore_mem>>
        %dma_start3A_70 = arith.constant 0 : i32
        %dma_start3A_71 = tpu.memref_slice %arg5[%add3A_69, %dma_start3A_70] : memref<10112x128xf32, #tpu.memory_space<vmem_shared>> -> memref<128x128xf32, #tpu.memory_space<vmem_shared>>
        %dma_start3A_72 = arith.constant 0 : i32
        %dma_start3A_73 = tpu.memref_slice %arg5[%add3A_69, %dma_start3A_72] : memref<10112x128xf32, #tpu.memory_space<vmem_shared>> -> memref<128x128xf32, #tpu.memory_space<vmem_shared>>
        tpu.enqueue_dma source(%arg6 : memref<128x128xf32, #tpu.memory_space<vmem>>) target(%dma_start3A_73 : memref<128x128xf32, #tpu.memory_space<vmem_shared>>) target_semaphore(%run_scoped3A : memref<!tpu.dma_semaphore, #tpu.memory_space<semaphore_mem>>)
        %dma_wait3A_74 = arith.constant 0 : i32
        %dma_wait3A_75 = tpu.memref_slice %arg5[%add3A_69, %dma_wait3A_74] : memref<10112x128xf32, #tpu.memory_space<vmem_shared>> -> memref<128x128xf32, #tpu.memory_space<vmem_shared>>
        %dma_wait3A_76 = arith.constant 0 : i32
        %dma_wait3A_77 = tpu.memref_slice %arg5[%add3A_69, %dma_wait3A_76] : memref<10112x128xf32, #tpu.memory_space<vmem_shared>> -> memref<128x128xf32, #tpu.memory_space<vmem_shared>>
        tpu.wait_dma2 semaphore(%run_scoped3A : memref<!tpu.dma_semaphore, #tpu.memory_space<semaphore_mem>>) src(%arg6 : memref<128x128xf32, #tpu.memory_space<vmem>>) dst(%dma_wait3A_77 : memref<128x128xf32, #tpu.memory_space<vmem_shared>>)
        tpu.yield
      }) : () -> ()
    }
    %scan3A_10 = arith.constant 4 : i32
    %mul3A = arith.constant 632 : i32
    %mul3A_11 = arith.muli %arg1, %mul3A : i32
    %add3A = arith.constant 512 : i32
    %add3A_12 = arith.addi %mul3A_11, %add3A : i32
    "tpu.region"() ({
      %run_scoped3A = tpu.sem_alloc : memref<!tpu.dma_semaphore, #tpu.memory_space<semaphore_mem>>
      %dma_start3A_64 = arith.constant 0 : i32
      %dma_start3A_65 = arith.constant 0 : i32
      %dma_start3A_66 = tpu.memref_slice %arg6[%dma_start3A_64, %dma_start3A_65] : memref<128x128xf32, #tpu.memory_space<vmem>> -> memref<120x128xf32, #tpu.memory_space<vmem>>
      %dma_start3A_67 = arith.constant 0 : i32
      %dma_start3A_68 = tpu.memref_slice %arg5[%add3A_12, %dma_start3A_67] : memref<10112x128xf32, #tpu.memory_space<vmem_shared>> -> memref<120x128xf32, #tpu.memory_space<vmem_shared>>
      %dma_start3A_69 = arith.constant 0 : i32
      %dma_start3A_70 = tpu.memref_slice %arg5[%add3A_12, %dma_start3A_69] : memref<10112x128xf32, #tpu.memory_space<vmem_shared>> -> memref<120x128xf32, #tpu.memory_space<vmem_shared>>
      %dma_start3A_71 = arith.constant 0 : i32
      %dma_start3A_72 = arith.constant 0 : i32
      %dma_start3A_73 = tpu.memref_slice %arg6[%dma_start3A_71, %dma_start3A_72] : memref<128x128xf32, #tpu.memory_space<vmem>> -> memref<120x128xf32, #tpu.memory_space<vmem>>
      tpu.enqueue_dma source(%dma_start3A_73 : memref<120x128xf32, #tpu.memory_space<vmem>>) target(%dma_start3A_70 : memref<120x128xf32, #tpu.memory_space<vmem_shared>>) target_semaphore(%run_scoped3A : memref<!tpu.dma_semaphore, #tpu.memory_space<semaphore_mem>>)
      %dma_wait3A_74 = arith.constant 0 : i32
      %dma_wait3A_75 = arith.constant 0 : i32
      %dma_wait3A_76 = tpu.memref_slice %arg6[%dma_wait3A_74, %dma_wait3A_75] : memref<128x128xf32, #tpu.memory_space<vmem>> -> memref<120x128xf32, #tpu.memory_space<vmem>>
      %dma_wait3A_77 = arith.constant 0 : i32
      %dma_wait3A_78 = tpu.memref_slice %arg5[%add3A_12, %dma_wait3A_77] : memref<10112x128xf32, #tpu.memory_space<vmem_shared>> -> memref<120x128xf32, #tpu.memory_space<vmem_shared>>
      %dma_wait3A_79 = arith.constant 0 : i32
      %dma_wait3A_80 = tpu.memref_slice %arg5[%add3A_12, %dma_wait3A_79] : memref<10112x128xf32, #tpu.memory_space<vmem_shared>> -> memref<120x128xf32, #tpu.memory_space<vmem_shared>>
      %dma_wait3A_81 = arith.constant 0 : i32
      %dma_wait3A_82 = arith.constant 0 : i32
      %dma_wait3A_83 = tpu.memref_slice %arg6[%dma_wait3A_81, %dma_wait3A_82] : memref<128x128xf32, #tpu.memory_space<vmem>> -> memref<120x128xf32, #tpu.memory_space<vmem>>
      tpu.wait_dma2 semaphore(%run_scoped3A : memref<!tpu.dma_semaphore, #tpu.memory_space<semaphore_mem>>) src(%dma_wait3A_83 : memref<120x128xf32, #tpu.memory_space<vmem>>) dst(%dma_wait3A_80 : memref<120x128xf32, #tpu.memory_space<vmem_shared>>)
      tpu.yield
    }) : () -> ()
    %mul3A_13 = arith.constant 163840 : i32
    %mul3A_14 = arith.muli %arg0, %mul3A_13 : i32
    %mul3A_15 = arith.constant 10240 : i32
    %mul3A_16 = arith.muli %arg1, %mul3A_15 : i32
    %add3A_17 = arith.addi %mul3A_14, %mul3A_16 : i32
    %mul3A_18 = arith.constant 10240 : i32
    %mul3A_19 = arith.muli %arg1, %mul3A_18 : i32
    %add3A_20 = arith.constant 327680 : i32
    %add3A_21 = arith.addi %add3A_20, %mul3A_19 : i32
    %barrier3A = arith.constant 0 : index
    tpu.barrier barrier_id(%barrier3A)
    %add3A_22 = arith.constant 0 : i32
    %add3A_23 = arith.addi %add3A_17, %add3A_22 : i32
    %dma_start3A = tpu.memref_slice %arg3[%add3A_23] : memref<491520xi32, #tpu.memory_space<hbm>> -> memref<128xi32, #tpu.memory_space<hbm>>
    %dma_start3A_24 = tpu.memref_slice %arg3[%add3A_23] : memref<491520xi32, #tpu.memory_space<hbm>> -> memref<128xi32, #tpu.memory_space<hbm>>
    tpu.enqueue_dma source(%dma_start3A_24 : memref<128xi32, #tpu.memory_space<hbm>>) target(%arg8 : memref<128xi32, #tpu.memory_space<vmem>>) target_semaphore(%arg20 : memref<!tpu.dma_semaphore, #tpu.memory_space<semaphore_mem>>)
    %add3A_25 = arith.constant 0 : i32
    %add3A_26 = arith.addi %add3A_21, %add3A_25 : i32
    %dma_start3A_27 = tpu.memref_slice %arg3[%add3A_26] : memref<491520xi32, #tpu.memory_space<hbm>> -> memref<128xi32, #tpu.memory_space<hbm>>
    %dma_start3A_28 = tpu.memref_slice %arg3[%add3A_26] : memref<491520xi32, #tpu.memory_space<hbm>> -> memref<128xi32, #tpu.memory_space<hbm>>
    tpu.enqueue_dma source(%dma_start3A_28 : memref<128xi32, #tpu.memory_space<hbm>>) target(%arg12 : memref<128xi32, #tpu.memory_space<vmem>>) target_semaphore(%arg20 : memref<!tpu.dma_semaphore, #tpu.memory_space<semaphore_mem>>)
    %add3A_29 = arith.constant 128 : i32
    %add3A_30 = arith.addi %add3A_17, %add3A_29 : i32
    %dma_start3A_31 = tpu.memref_slice %arg3[%add3A_30] : memref<491520xi32, #tpu.memory_space<hbm>> -> memref<128xi32, #tpu.memory_space<hbm>>
    %dma_start3A_32 = tpu.memref_slice %arg3[%add3A_30] : memref<491520xi32, #tpu.memory_space<hbm>> -> memref<128xi32, #tpu.memory_space<hbm>>
    tpu.enqueue_dma source(%dma_start3A_32 : memref<128xi32, #tpu.memory_space<hbm>>) target(%arg9 : memref<128xi32, #tpu.memory_space<vmem>>) target_semaphore(%arg21 : memref<!tpu.dma_semaphore, #tpu.memory_space<semaphore_mem>>)
    %add3A_33 = arith.constant 128 : i32
    %add3A_34 = arith.addi %add3A_21, %add3A_33 : i32
    %dma_start3A_35 = tpu.memref_slice %arg3[%add3A_34] : memref<491520xi32, #tpu.memory_space<hbm>> -> memref<128xi32, #tpu.memory_space<hbm>>
    %dma_start3A_36 = tpu.memref_slice %arg3[%add3A_34] : memref<491520xi32, #tpu.memory_space<hbm>> -> memref<128xi32, #tpu.memory_space<hbm>>
    tpu.enqueue_dma source(%dma_start3A_36 : memref<128xi32, #tpu.memory_space<hbm>>) target(%arg13 : memref<128xi32, #tpu.memory_space<vmem>>) target_semaphore(%arg21 : memref<!tpu.dma_semaphore, #tpu.memory_space<semaphore_mem>>)
    %add3A_37 = arith.constant 0 : i32
    %add3A_38 = arith.addi %add3A_17, %add3A_37 : i32
    %dma_wait3A = tpu.memref_slice %arg3[%add3A_38] : memref<491520xi32, #tpu.memory_space<hbm>> -> memref<128xi32, #tpu.memory_space<hbm>>
    %dma_wait3A_39 = tpu.memref_slice %arg3[%add3A_38] : memref<491520xi32, #tpu.memory_space<hbm>> -> memref<128xi32, #tpu.memory_space<hbm>>
    tpu.wait_dma2 semaphore(%arg20 : memref<!tpu.dma_semaphore, #tpu.memory_space<semaphore_mem>>) src(%dma_wait3A_39 : memref<128xi32, #tpu.memory_space<hbm>>) dst(%arg8 : memref<128xi32, #tpu.memory_space<vmem>>)
    %add3A_40 = arith.constant 0 : i32
    %add3A_41 = arith.addi %add3A_21, %add3A_40 : i32
    %dma_wait3A_42 = tpu.memref_slice %arg3[%add3A_41] : memref<491520xi32, #tpu.memory_space<hbm>> -> memref<128xi32, #tpu.memory_space<hbm>>
    %dma_wait3A_43 = tpu.memref_slice %arg3[%add3A_41] : memref<491520xi32, #tpu.memory_space<hbm>> -> memref<128xi32, #tpu.memory_space<hbm>>
    tpu.wait_dma2 semaphore(%arg20 : memref<!tpu.dma_semaphore, #tpu.memory_space<semaphore_mem>>) src(%dma_wait3A_43 : memref<128xi32, #tpu.memory_space<hbm>>) dst(%arg12 : memref<128xi32, #tpu.memory_space<vmem>>)
    %dma_start3A_44 = arith.constant 0 : i32
    %dma_start3A_45 = arith.constant 0 : i32
    %dma_start3A_46 = tpu.memref_slice %arg2[%dma_start3A_44, %dma_start3A_45] : memref<20480x128xf32, #tpu.memory_space<hbm>> -> memref<20480x128xf32, #tpu.memory_space<hbm>>
    tpu.enqueue_indirect_dma source(%dma_start3A_46 : memref<20480x128xf32, #tpu.memory_space<hbm>>) target(%arg6 : memref<128x128xf32, #tpu.memory_space<vmem>>) offsets(%arg8 : memref<128xi32, #tpu.memory_space<vmem>>) semaphore(%arg16 : memref<!tpu.dma_semaphore, #tpu.memory_space<semaphore_mem>>)
    %scan3A_47 = arith.constant 0 : i32
    %scan3A_48 = arith.constant 0 : i32
    %scan3A_49 = arith.constant 20 : i32
    %scan3A_50 = arith.addi %scan3A_48, %scan3A_49 : i32
    %scan3A_51 = arith.constant 1 : i32
    scf.for %scan3A_64 = %scan3A_48 to %scan3A_50 step %scan3A_51  : i32 {
      %mul3A_65 = arith.constant 4 : i32
      %mul3A_66 = arith.muli %mul3A_65, %scan3A_64 : i32
      %add3A_67 = arith.constant 0 : i32
      %add3A_68 = arith.addi %mul3A_66, %add3A_67 : i32
      %dma_wait3A_69 = arith.constant 0 : i32
      %dma_wait3A_70 = arith.constant 0 : i32
      %dma_wait3A_71 = tpu.memref_slice %arg2[%dma_wait3A_69, %dma_wait3A_70] : memref<20480x128xf32, #tpu.memory_space<hbm>> -> memref<20480x128xf32, #tpu.memory_space<hbm>>
      tpu.wait_indirect_dma semaphore(%arg16 : memref<!tpu.dma_semaphore, #tpu.memory_space<semaphore_mem>>) src(%dma_wait3A_71 : memref<20480x128xf32, #tpu.memory_space<hbm>>) dst(%arg6 : memref<128x128xf32, #tpu.memory_space<vmem>>)
      %dma_start3A_72 = arith.constant 0 : i32
      %dma_start3A_73 = arith.constant 0 : i32
      %dma_start3A_74 = tpu.memref_slice %arg5[%dma_start3A_72, %dma_start3A_73] : memref<10112x128xf32, #tpu.memory_space<vmem_shared>> -> memref<10112x128xf32, #tpu.memory_space<vmem_shared>>
      tpu.enqueue_indirect_dma source(%arg6 : memref<128x128xf32, #tpu.memory_space<vmem>>) target(%dma_start3A_74 : memref<10112x128xf32, #tpu.memory_space<vmem_shared>>) offsets(%arg12 : memref<128xi32, #tpu.memory_space<vmem>>) semaphore(%arg18 : memref<!tpu.dma_semaphore, #tpu.memory_space<semaphore_mem>>) {add = true}
      %lt3A = arith.constant 79 : i32
      %lt3A_75 = arith.cmpi slt, %add3A_68, %lt3A : i32
      %convert_element_type3A = arith.extui %lt3A_75 : i1 to i32
      %cond3A = arith.constant 0 : i32
      %cond3A_76 = arith.cmpi ne, %convert_element_type3A, %cond3A : i32
      scf.if %cond3A_76 {
        %add3A_181 = arith.constant 1 : i32
        %add3A_182 = arith.addi %add3A_68, %add3A_181 : i32
        %mul3A_183 = arith.constant 128 : i32
        %mul3A_184 = arith.muli %add3A_182, %mul3A_183 : i32
        %add3A_185 = arith.addi %add3A_17, %mul3A_184 : i32
        %dma_wait3A_186 = tpu.memref_slice %arg3[%add3A_185] : memref<491520xi32, #tpu.memory_space<hbm>> -> memref<128xi32, #tpu.memory_space<hbm>>
        %dma_wait3A_187 = tpu.memref_slice %arg3[%add3A_185] : memref<491520xi32, #tpu.memory_space<hbm>> -> memref<128xi32, #tpu.memory_space<hbm>>
        tpu.wait_dma2 semaphore(%arg21 : memref<!tpu.dma_semaphore, #tpu.memory_space<semaphore_mem>>) src(%dma_wait3A_187 : memref<128xi32, #tpu.memory_space<hbm>>) dst(%arg9 : memref<128xi32, #tpu.memory_space<vmem>>)
        %mul3A_188 = arith.constant 128 : i32
        %mul3A_189 = arith.muli %add3A_182, %mul3A_188 : i32
        %add3A_190 = arith.addi %add3A_21, %mul3A_189 : i32
        %dma_wait3A_191 = tpu.memref_slice %arg3[%add3A_190] : memref<491520xi32, #tpu.memory_space<hbm>> -> memref<128xi32, #tpu.memory_space<hbm>>
        %dma_wait3A_192 = tpu.memref_slice %arg3[%add3A_190] : memref<491520xi32, #tpu.memory_space<hbm>> -> memref<128xi32, #tpu.memory_space<hbm>>
        tpu.wait_dma2 semaphore(%arg21 : memref<!tpu.dma_semaphore, #tpu.memory_space<semaphore_mem>>) src(%dma_wait3A_192 : memref<128xi32, #tpu.memory_space<hbm>>) dst(%arg13 : memref<128xi32, #tpu.memory_space<vmem>>)
      } else {
      }
      %ge3A = arith.constant 1 : i32
      %ge3A_77 = arith.cmpi sge, %add3A_68, %ge3A : i32
      %convert_element_type3A_78 = arith.extui %ge3A_77 : i1 to i32
      %cond3A_79 = arith.constant 0 : i32
      %cond3A_80 = arith.cmpi ne, %convert_element_type3A_78, %cond3A_79 : i32
      scf.if %cond3A_80 {
        %dma_wait3A_181 = arith.constant 0 : i32
        %dma_wait3A_182 = arith.constant 0 : i32
        %dma_wait3A_183 = tpu.memref_slice %arg5[%dma_wait3A_181, %dma_wait3A_182] : memref<10112x128xf32, #tpu.memory_space<vmem_shared>> -> memref<10112x128xf32, #tpu.memory_space<vmem_shared>>
        tpu.wait_indirect_dma semaphore(%arg19 : memref<!tpu.dma_semaphore, #tpu.memory_space<semaphore_mem>>) src(%arg7 : memref<128x128xf32, #tpu.memory_space<vmem>>) dst(%dma_wait3A_183 : memref<10112x128xf32, #tpu.memory_space<vmem_shared>>)
      } else {
      }
      %lt3A_81 = arith.constant 79 : i32
      %lt3A_82 = arith.cmpi slt, %add3A_68, %lt3A_81 : i32
      %convert_element_type3A_83 = arith.extui %lt3A_82 : i1 to i32
      %cond3A_84 = arith.constant 0 : i32
      %cond3A_85 = arith.cmpi ne, %convert_element_type3A_83, %cond3A_84 : i32
      scf.if %cond3A_85 {
        %dma_start3A_181 = arith.constant 0 : i32
        %dma_start3A_182 = arith.constant 0 : i32
        %dma_start3A_183 = tpu.memref_slice %arg2[%dma_start3A_181, %dma_start3A_182] : memref<20480x128xf32, #tpu.memory_space<hbm>> -> memref<20480x128xf32, #tpu.memory_space<hbm>>
        tpu.enqueue_indirect_dma source(%dma_start3A_183 : memref<20480x128xf32, #tpu.memory_space<hbm>>) target(%arg7 : memref<128x128xf32, #tpu.memory_space<vmem>>) offsets(%arg9 : memref<128xi32, #tpu.memory_space<vmem>>) semaphore(%arg17 : memref<!tpu.dma_semaphore, #tpu.memory_space<semaphore_mem>>)
      } else {
      }
      %lt3A_86 = arith.constant 78 : i32
      %lt3A_87 = arith.cmpi slt, %add3A_68, %lt3A_86 : i32
      %convert_element_type3A_88 = arith.extui %lt3A_87 : i1 to i32
      %cond3A_89 = arith.constant 0 : i32
      %cond3A_90 = arith.cmpi ne, %convert_element_type3A_88, %cond3A_89 : i32
      scf.if %cond3A_90 {
        %add3A_181 = arith.constant 2 : i32
        %add3A_182 = arith.addi %add3A_68, %add3A_181 : i32
        %mul3A_183 = arith.constant 128 : i32
        %mul3A_184 = arith.muli %add3A_182, %mul3A_183 : i32
        %add3A_185 = arith.addi %add3A_17, %mul3A_184 : i32
        %dma_start3A_186 = tpu.memref_slice %arg3[%add3A_185] : memref<491520xi32, #tpu.memory_space<hbm>> -> memref<128xi32, #tpu.memory_space<hbm>>
        %dma_start3A_187 = tpu.memref_slice %arg3[%add3A_185] : memref<491520xi32, #tpu.memory_space<hbm>> -> memref<128xi32, #tpu.memory_space<hbm>>
        tpu.enqueue_dma source(%dma_start3A_187 : memref<128xi32, #tpu.memory_space<hbm>>) target(%arg10 : memref<128xi32, #tpu.memory_space<vmem>>) target_semaphore(%arg22 : memref<!tpu.dma_semaphore, #tpu.memory_space<semaphore_mem>>)
        %mul3A_188 = arith.constant 128 : i32
        %mul3A_189 = arith.muli %add3A_182, %mul3A_188 : i32
        %add3A_190 = arith.addi %add3A_21, %mul3A_189 : i32
        %dma_start3A_191 = tpu.memref_slice %arg3[%add3A_190] : memref<491520xi32, #tpu.memory_space<hbm>> -> memref<128xi32, #tpu.memory_space<hbm>>
        %dma_start3A_192 = tpu.memref_slice %arg3[%add3A_190] : memref<491520xi32, #tpu.memory_space<hbm>> -> memref<128xi32, #tpu.memory_space<hbm>>
        tpu.enqueue_dma source(%dma_start3A_192 : memref<128xi32, #tpu.memory_space<hbm>>) target(%arg14 : memref<128xi32, #tpu.memory_space<vmem>>) target_semaphore(%arg22 : memref<!tpu.dma_semaphore, #tpu.memory_space<semaphore_mem>>)
      } else {
      }
      %mul3A_91 = arith.constant 4 : i32
      %mul3A_92 = arith.muli %mul3A_91, %scan3A_64 : i32
      %add3A_93 = arith.constant 1 : i32
      %add3A_94 = arith.addi %mul3A_92, %add3A_93 : i32
      %dma_wait3A_95 = arith.constant 0 : i32
      %dma_wait3A_96 = arith.constant 0 : i32
      %dma_wait3A_97 = tpu.memref_slice %arg2[%dma_wait3A_95, %dma_wait3A_96] : memref<20480x128xf32, #tpu.memory_space<hbm>> -> memref<20480x128xf32, #tpu.memory_space<hbm>>
      tpu.wait_indirect_dma semaphore(%arg17 : memref<!tpu.dma_semaphore, #tpu.memory_space<semaphore_mem>>) src(%dma_wait3A_97 : memref<20480x128xf32, #tpu.memory_space<hbm>>) dst(%arg7 : memref<128x128xf32, #tpu.memory_space<vmem>>)
      %dma_start3A_98 = arith.constant 0 : i32
      %dma_start3A_99 = arith.constant 0 : i32
      %dma_start3A_100 = tpu.memref_slice %arg5[%dma_start3A_98, %dma_start3A_99] : memref<10112x128xf32, #tpu.memory_space<vmem_shared>> -> memref<10112x128xf32, #tpu.memory_space<vmem_shared>>
      tpu.enqueue_indirect_dma source(%arg7 : memref<128x128xf32, #tpu.memory_space<vmem>>) target(%dma_start3A_100 : memref<10112x128xf32, #tpu.memory_space<vmem_shared>>) offsets(%arg13 : memref<128xi32, #tpu.memory_space<vmem>>) semaphore(%arg19 : memref<!tpu.dma_semaphore, #tpu.memory_space<semaphore_mem>>) {add = true}
      %lt3A_101 = arith.constant 79 : i32
      %lt3A_102 = arith.cmpi slt, %add3A_94, %lt3A_101 : i32
      %convert_element_type3A_103 = arith.extui %lt3A_102 : i1 to i32
      %cond3A_104 = arith.constant 0 : i32
      %cond3A_105 = arith.cmpi ne, %convert_element_type3A_103, %cond3A_104 : i32
      scf.if %cond3A_105 {
        %add3A_181 = arith.constant 1 : i32
        %add3A_182 = arith.addi %add3A_94, %add3A_181 : i32
        %mul3A_183 = arith.constant 128 : i32
        %mul3A_184 = arith.muli %add3A_182, %mul3A_183 : i32
        %add3A_185 = arith.addi %add3A_17, %mul3A_184 : i32
        %dma_wait3A_186 = tpu.memref_slice %arg3[%add3A_185] : memref<491520xi32, #tpu.memory_space<hbm>> -> memref<128xi32, #tpu.memory_space<hbm>>
        %dma_wait3A_187 = tpu.memref_slice %arg3[%add3A_185] : memref<491520xi32, #tpu.memory_space<hbm>> -> memref<128xi32, #tpu.memory_space<hbm>>
        tpu.wait_dma2 semaphore(%arg22 : memref<!tpu.dma_semaphore, #tpu.memory_space<semaphore_mem>>) src(%dma_wait3A_187 : memref<128xi32, #tpu.memory_space<hbm>>) dst(%arg10 : memref<128xi32, #tpu.memory_space<vmem>>)
        %mul3A_188 = arith.constant 128 : i32
        %mul3A_189 = arith.muli %add3A_182, %mul3A_188 : i32
        %add3A_190 = arith.addi %add3A_21, %mul3A_189 : i32
        %dma_wait3A_191 = tpu.memref_slice %arg3[%add3A_190] : memref<491520xi32, #tpu.memory_space<hbm>> -> memref<128xi32, #tpu.memory_space<hbm>>
        %dma_wait3A_192 = tpu.memref_slice %arg3[%add3A_190] : memref<491520xi32, #tpu.memory_space<hbm>> -> memref<128xi32, #tpu.memory_space<hbm>>
        tpu.wait_dma2 semaphore(%arg22 : memref<!tpu.dma_semaphore, #tpu.memory_space<semaphore_mem>>) src(%dma_wait3A_192 : memref<128xi32, #tpu.memory_space<hbm>>) dst(%arg14 : memref<128xi32, #tpu.memory_space<vmem>>)
      } else {
      }
      %ge3A_106 = arith.constant 1 : i32
      %ge3A_107 = arith.cmpi sge, %add3A_94, %ge3A_106 : i32
      %convert_element_type3A_108 = arith.extui %ge3A_107 : i1 to i32
      %cond3A_109 = arith.constant 0 : i32
      %cond3A_110 = arith.cmpi ne, %convert_element_type3A_108, %cond3A_109 : i32
      scf.if %cond3A_110 {
        %dma_wait3A_181 = arith.constant 0 : i32
        %dma_wait3A_182 = arith.constant 0 : i32
        %dma_wait3A_183 = tpu.memref_slice %arg5[%dma_wait3A_181, %dma_wait3A_182] : memref<10112x128xf32, #tpu.memory_space<vmem_shared>> -> memref<10112x128xf32, #tpu.memory_space<vmem_shared>>
        tpu.wait_indirect_dma semaphore(%arg18 : memref<!tpu.dma_semaphore, #tpu.memory_space<semaphore_mem>>) src(%arg6 : memref<128x128xf32, #tpu.memory_space<vmem>>) dst(%dma_wait3A_183 : memref<10112x128xf32, #tpu.memory_space<vmem_shared>>)
      } else {
      }
      %lt3A_111 = arith.constant 79 : i32
      %lt3A_112 = arith.cmpi slt, %add3A_94, %lt3A_111 : i32
      %convert_element_type3A_113 = arith.extui %lt3A_112 : i1 to i32
      %cond3A_114 = arith.constant 0 : i32
      %cond3A_115 = arith.cmpi ne, %convert_element_type3A_113, %cond3A_114 : i32
      scf.if %cond3A_115 {
        %dma_start3A_181 = arith.constant 0 : i32
        %dma_start3A_182 = arith.constant 0 : i32
        %dma_start3A_183 = tpu.memref_slice %arg2[%dma_start3A_181, %dma_start3A_182] : memref<20480x128xf32, #tpu.memory_space<hbm>> -> memref<20480x128xf32, #tpu.memory_space<hbm>>
        tpu.enqueue_indirect_dma source(%dma_start3A_183 : memref<20480x128xf32, #tpu.memory_space<hbm>>) target(%arg6 : memref<128x128xf32, #tpu.memory_space<vmem>>) offsets(%arg10 : memref<128xi32, #tpu.memory_space<vmem>>) semaphore(%arg16 : memref<!tpu.dma_semaphore, #tpu.memory_space<semaphore_mem>>)
      } else {
      }
      %lt3A_116 = arith.constant 78 : i32
      %lt3A_117 = arith.cmpi slt, %add3A_94, %lt3A_116 : i32
      %convert_element_type3A_118 = arith.extui %lt3A_117 : i1 to i32
      %cond3A_119 = arith.constant 0 : i32
      %cond3A_120 = arith.cmpi ne, %convert_element_type3A_118, %cond3A_119 : i32
      scf.if %cond3A_120 {
        %add3A_181 = arith.constant 2 : i32
        %add3A_182 = arith.addi %add3A_94, %add3A_181 : i32
        %mul3A_183 = arith.constant 128 : i32
        %mul3A_184 = arith.muli %add3A_182, %mul3A_183 : i32
        %add3A_185 = arith.addi %add3A_17, %mul3A_184 : i32
        %dma_start3A_186 = tpu.memref_slice %arg3[%add3A_185] : memref<491520xi32, #tpu.memory_space<hbm>> -> memref<128xi32, #tpu.memory_space<hbm>>
        %dma_start3A_187 = tpu.memref_slice %arg3[%add3A_185] : memref<491520xi32, #tpu.memory_space<hbm>> -> memref<128xi32, #tpu.memory_space<hbm>>
        tpu.enqueue_dma source(%dma_start3A_187 : memref<128xi32, #tpu.memory_space<hbm>>) target(%arg11 : memref<128xi32, #tpu.memory_space<vmem>>) target_semaphore(%arg23 : memref<!tpu.dma_semaphore, #tpu.memory_space<semaphore_mem>>)
        %mul3A_188 = arith.constant 128 : i32
        %mul3A_189 = arith.muli %add3A_182, %mul3A_188 : i32
        %add3A_190 = arith.addi %add3A_21, %mul3A_189 : i32
        %dma_start3A_191 = tpu.memref_slice %arg3[%add3A_190] : memref<491520xi32, #tpu.memory_space<hbm>> -> memref<128xi32, #tpu.memory_space<hbm>>
        %dma_start3A_192 = tpu.memref_slice %arg3[%add3A_190] : memref<491520xi32, #tpu.memory_space<hbm>> -> memref<128xi32, #tpu.memory_space<hbm>>
        tpu.enqueue_dma source(%dma_start3A_192 : memref<128xi32, #tpu.memory_space<hbm>>) target(%arg15 : memref<128xi32, #tpu.memory_space<vmem>>) target_semaphore(%arg23 : memref<!tpu.dma_semaphore, #tpu.memory_space<semaphore_mem>>)
      } else {
      }
      %mul3A_121 = arith.constant 4 : i32
      %mul3A_122 = arith.muli %mul3A_121, %scan3A_64 : i32
      %add3A_123 = arith.constant 2 : i32
      %add3A_124 = arith.addi %mul3A_122, %add3A_123 : i32
      %dma_wait3A_125 = arith.constant 0 : i32
      %dma_wait3A_126 = arith.constant 0 : i32
      %dma_wait3A_127 = tpu.memref_slice %arg2[%dma_wait3A_125, %dma_wait3A_126] : memref<20480x128xf32, #tpu.memory_space<hbm>> -> memref<20480x128xf32, #tpu.memory_space<hbm>>
      tpu.wait_indirect_dma semaphore(%arg16 : memref<!tpu.dma_semaphore, #tpu.memory_space<semaphore_mem>>) src(%dma_wait3A_127 : memref<20480x128xf32, #tpu.memory_space<hbm>>) dst(%arg6 : memref<128x128xf32, #tpu.memory_space<vmem>>)
      %dma_start3A_128 = arith.constant 0 : i32
      %dma_start3A_129 = arith.constant 0 : i32
      %dma_start3A_130 = tpu.memref_slice %arg5[%dma_start3A_128, %dma_start3A_129] : memref<10112x128xf32, #tpu.memory_space<vmem_shared>> -> memref<10112x128xf32, #tpu.memory_space<vmem_shared>>
      tpu.enqueue_indirect_dma source(%arg6 : memref<128x128xf32, #tpu.memory_space<vmem>>) target(%dma_start3A_130 : memref<10112x128xf32, #tpu.memory_space<vmem_shared>>) offsets(%arg14 : memref<128xi32, #tpu.memory_space<vmem>>) semaphore(%arg18 : memref<!tpu.dma_semaphore, #tpu.memory_space<semaphore_mem>>) {add = true}
      %lt3A_131 = arith.constant 79 : i32
      %lt3A_132 = arith.cmpi slt, %add3A_124, %lt3A_131 : i32
      %convert_element_type3A_133 = arith.extui %lt3A_132 : i1 to i32
      %cond3A_134 = arith.constant 0 : i32
      %cond3A_135 = arith.cmpi ne, %convert_element_type3A_133, %cond3A_134 : i32
      scf.if %cond3A_135 {
        %add3A_181 = arith.constant 1 : i32
        %add3A_182 = arith.addi %add3A_124, %add3A_181 : i32
        %mul3A_183 = arith.constant 128 : i32
        %mul3A_184 = arith.muli %add3A_182, %mul3A_183 : i32
        %add3A_185 = arith.addi %add3A_17, %mul3A_184 : i32
        %dma_wait3A_186 = tpu.memref_slice %arg3[%add3A_185] : memref<491520xi32, #tpu.memory_space<hbm>> -> memref<128xi32, #tpu.memory_space<hbm>>
        %dma_wait3A_187 = tpu.memref_slice %arg3[%add3A_185] : memref<491520xi32, #tpu.memory_space<hbm>> -> memref<128xi32, #tpu.memory_space<hbm>>
        tpu.wait_dma2 semaphore(%arg23 : memref<!tpu.dma_semaphore, #tpu.memory_space<semaphore_mem>>) src(%dma_wait3A_187 : memref<128xi32, #tpu.memory_space<hbm>>) dst(%arg11 : memref<128xi32, #tpu.memory_space<vmem>>)
        %mul3A_188 = arith.constant 128 : i32
        %mul3A_189 = arith.muli %add3A_182, %mul3A_188 : i32
        %add3A_190 = arith.addi %add3A_21, %mul3A_189 : i32
        %dma_wait3A_191 = tpu.memref_slice %arg3[%add3A_190] : memref<491520xi32, #tpu.memory_space<hbm>> -> memref<128xi32, #tpu.memory_space<hbm>>
        %dma_wait3A_192 = tpu.memref_slice %arg3[%add3A_190] : memref<491520xi32, #tpu.memory_space<hbm>> -> memref<128xi32, #tpu.memory_space<hbm>>
        tpu.wait_dma2 semaphore(%arg23 : memref<!tpu.dma_semaphore, #tpu.memory_space<semaphore_mem>>) src(%dma_wait3A_192 : memref<128xi32, #tpu.memory_space<hbm>>) dst(%arg15 : memref<128xi32, #tpu.memory_space<vmem>>)
      } else {
      }
      %ge3A_136 = arith.constant 1 : i32
      %ge3A_137 = arith.cmpi sge, %add3A_124, %ge3A_136 : i32
      %convert_element_type3A_138 = arith.extui %ge3A_137 : i1 to i32
      %cond3A_139 = arith.constant 0 : i32
      %cond3A_140 = arith.cmpi ne, %convert_element_type3A_138, %cond3A_139 : i32
      scf.if %cond3A_140 {
        %dma_wait3A_181 = arith.constant 0 : i32
        %dma_wait3A_182 = arith.constant 0 : i32
        %dma_wait3A_183 = tpu.memref_slice %arg5[%dma_wait3A_181, %dma_wait3A_182] : memref<10112x128xf32, #tpu.memory_space<vmem_shared>> -> memref<10112x128xf32, #tpu.memory_space<vmem_shared>>
        tpu.wait_indirect_dma semaphore(%arg19 : memref<!tpu.dma_semaphore, #tpu.memory_space<semaphore_mem>>) src(%arg7 : memref<128x128xf32, #tpu.memory_space<vmem>>) dst(%dma_wait3A_183 : memref<10112x128xf32, #tpu.memory_space<vmem_shared>>)
      } else {
      }
      %lt3A_141 = arith.constant 79 : i32
      %lt3A_142 = arith.cmpi slt, %add3A_124, %lt3A_141 : i32
      %convert_element_type3A_143 = arith.extui %lt3A_142 : i1 to i32
      %cond3A_144 = arith.constant 0 : i32
      %cond3A_145 = arith.cmpi ne, %convert_element_type3A_143, %cond3A_144 : i32
      scf.if %cond3A_145 {
        %dma_start3A_181 = arith.constant 0 : i32
        %dma_start3A_182 = arith.constant 0 : i32
        %dma_start3A_183 = tpu.memref_slice %arg2[%dma_start3A_181, %dma_start3A_182] : memref<20480x128xf32, #tpu.memory_space<hbm>> -> memref<20480x128xf32, #tpu.memory_space<hbm>>
        tpu.enqueue_indirect_dma source(%dma_start3A_183 : memref<20480x128xf32, #tpu.memory_space<hbm>>) target(%arg7 : memref<128x128xf32, #tpu.memory_space<vmem>>) offsets(%arg11 : memref<128xi32, #tpu.memory_space<vmem>>) semaphore(%arg17 : memref<!tpu.dma_semaphore, #tpu.memory_space<semaphore_mem>>)
      } else {
      }
      %lt3A_146 = arith.constant 78 : i32
      %lt3A_147 = arith.cmpi slt, %add3A_124, %lt3A_146 : i32
      %convert_element_type3A_148 = arith.extui %lt3A_147 : i1 to i32
      %cond3A_149 = arith.constant 0 : i32
      %cond3A_150 = arith.cmpi ne, %convert_element_type3A_148, %cond3A_149 : i32
      scf.if %cond3A_150 {
        %add3A_181 = arith.constant 2 : i32
        %add3A_182 = arith.addi %add3A_124, %add3A_181 : i32
        %mul3A_183 = arith.constant 128 : i32
        %mul3A_184 = arith.muli %add3A_182, %mul3A_183 : i32
        %add3A_185 = arith.addi %add3A_17, %mul3A_184 : i32
        %dma_start3A_186 = tpu.memref_slice %arg3[%add3A_185] : memref<491520xi32, #tpu.memory_space<hbm>> -> memref<128xi32, #tpu.memory_space<hbm>>
        %dma_start3A_187 = tpu.memref_slice %arg3[%add3A_185] : memref<491520xi32, #tpu.memory_space<hbm>> -> memref<128xi32, #tpu.memory_space<hbm>>
        tpu.enqueue_dma source(%dma_start3A_187 : memref<128xi32, #tpu.memory_space<hbm>>) target(%arg8 : memref<128xi32, #tpu.memory_space<vmem>>) target_semaphore(%arg20 : memref<!tpu.dma_semaphore, #tpu.memory_space<semaphore_mem>>)
        %mul3A_188 = arith.constant 128 : i32
        %mul3A_189 = arith.muli %add3A_182, %mul3A_188 : i32
        %add3A_190 = arith.addi %add3A_21, %mul3A_189 : i32
        %dma_start3A_191 = tpu.memref_slice %arg3[%add3A_190] : memref<491520xi32, #tpu.memory_space<hbm>> -> memref<128xi32, #tpu.memory_space<hbm>>
        %dma_start3A_192 = tpu.memref_slice %arg3[%add3A_190] : memref<491520xi32, #tpu.memory_space<hbm>> -> memref<128xi32, #tpu.memory_space<hbm>>
        tpu.enqueue_dma source(%dma_start3A_192 : memref<128xi32, #tpu.memory_space<hbm>>) target(%arg12 : memref<128xi32, #tpu.memory_space<vmem>>) target_semaphore(%arg20 : memref<!tpu.dma_semaphore, #tpu.memory_space<semaphore_mem>>)
      } else {
      }
      %mul3A_151 = arith.constant 4 : i32
      %mul3A_152 = arith.muli %mul3A_151, %scan3A_64 : i32
      %add3A_153 = arith.constant 3 : i32
      %add3A_154 = arith.addi %mul3A_152, %add3A_153 : i32
      %dma_wait3A_155 = arith.constant 0 : i32
      %dma_wait3A_156 = arith.constant 0 : i32
      %dma_wait3A_157 = tpu.memref_slice %arg2[%dma_wait3A_155, %dma_wait3A_156] : memref<20480x128xf32, #tpu.memory_space<hbm>> -> memref<20480x128xf32, #tpu.memory_space<hbm>>
      tpu.wait_indirect_dma semaphore(%arg17 : memref<!tpu.dma_semaphore, #tpu.memory_space<semaphore_mem>>) src(%dma_wait3A_157 : memref<20480x128xf32, #tpu.memory_space<hbm>>) dst(%arg7 : memref<128x128xf32, #tpu.memory_space<vmem>>)
      %dma_start3A_158 = arith.constant 0 : i32
      %dma_start3A_159 = arith.constant 0 : i32
      %dma_start3A_160 = tpu.memref_slice %arg5[%dma_start3A_158, %dma_start3A_159] : memref<10112x128xf32, #tpu.memory_space<vmem_shared>> -> memref<10112x128xf32, #tpu.memory_space<vmem_shared>>
      tpu.enqueue_indirect_dma source(%arg7 : memref<128x128xf32, #tpu.memory_space<vmem>>) target(%dma_start3A_160 : memref<10112x128xf32, #tpu.memory_space<vmem_shared>>) offsets(%arg15 : memref<128xi32, #tpu.memory_space<vmem>>) semaphore(%arg19 : memref<!tpu.dma_semaphore, #tpu.memory_space<semaphore_mem>>) {add = true}
      %lt3A_161 = arith.constant 79 : i32
      %lt3A_162 = arith.cmpi slt, %add3A_154, %lt3A_161 : i32
      %convert_element_type3A_163 = arith.extui %lt3A_162 : i1 to i32
      %cond3A_164 = arith.constant 0 : i32
      %cond3A_165 = arith.cmpi ne, %convert_element_type3A_163, %cond3A_164 : i32
      scf.if %cond3A_165 {
        %add3A_181 = arith.constant 1 : i32
        %add3A_182 = arith.addi %add3A_154, %add3A_181 : i32
        %mul3A_183 = arith.constant 128 : i32
        %mul3A_184 = arith.muli %add3A_182, %mul3A_183 : i32
        %add3A_185 = arith.addi %add3A_17, %mul3A_184 : i32
        %dma_wait3A_186 = tpu.memref_slice %arg3[%add3A_185] : memref<491520xi32, #tpu.memory_space<hbm>> -> memref<128xi32, #tpu.memory_space<hbm>>
        %dma_wait3A_187 = tpu.memref_slice %arg3[%add3A_185] : memref<491520xi32, #tpu.memory_space<hbm>> -> memref<128xi32, #tpu.memory_space<hbm>>
        tpu.wait_dma2 semaphore(%arg20 : memref<!tpu.dma_semaphore, #tpu.memory_space<semaphore_mem>>) src(%dma_wait3A_187 : memref<128xi32, #tpu.memory_space<hbm>>) dst(%arg8 : memref<128xi32, #tpu.memory_space<vmem>>)
        %mul3A_188 = arith.constant 128 : i32
        %mul3A_189 = arith.muli %add3A_182, %mul3A_188 : i32
        %add3A_190 = arith.addi %add3A_21, %mul3A_189 : i32
        %dma_wait3A_191 = tpu.memref_slice %arg3[%add3A_190] : memref<491520xi32, #tpu.memory_space<hbm>> -> memref<128xi32, #tpu.memory_space<hbm>>
        %dma_wait3A_192 = tpu.memref_slice %arg3[%add3A_190] : memref<491520xi32, #tpu.memory_space<hbm>> -> memref<128xi32, #tpu.memory_space<hbm>>
        tpu.wait_dma2 semaphore(%arg20 : memref<!tpu.dma_semaphore, #tpu.memory_space<semaphore_mem>>) src(%dma_wait3A_192 : memref<128xi32, #tpu.memory_space<hbm>>) dst(%arg12 : memref<128xi32, #tpu.memory_space<vmem>>)
      } else {
      }
      %ge3A_166 = arith.constant 1 : i32
      %ge3A_167 = arith.cmpi sge, %add3A_154, %ge3A_166 : i32
      %convert_element_type3A_168 = arith.extui %ge3A_167 : i1 to i32
      %cond3A_169 = arith.constant 0 : i32
      %cond3A_170 = arith.cmpi ne, %convert_element_type3A_168, %cond3A_169 : i32
      scf.if %cond3A_170 {
        %dma_wait3A_181 = arith.constant 0 : i32
        %dma_wait3A_182 = arith.constant 0 : i32
        %dma_wait3A_183 = tpu.memref_slice %arg5[%dma_wait3A_181, %dma_wait3A_182] : memref<10112x128xf32, #tpu.memory_space<vmem_shared>> -> memref<10112x128xf32, #tpu.memory_space<vmem_shared>>
        tpu.wait_indirect_dma semaphore(%arg18 : memref<!tpu.dma_semaphore, #tpu.memory_space<semaphore_mem>>) src(%arg6 : memref<128x128xf32, #tpu.memory_space<vmem>>) dst(%dma_wait3A_183 : memref<10112x128xf32, #tpu.memory_space<vmem_shared>>)
      } else {
      }
      %lt3A_171 = arith.constant 79 : i32
      %lt3A_172 = arith.cmpi slt, %add3A_154, %lt3A_171 : i32
      %convert_element_type3A_173 = arith.extui %lt3A_172 : i1 to i32
      %cond3A_174 = arith.constant 0 : i32
      %cond3A_175 = arith.cmpi ne, %convert_element_type3A_173, %cond3A_174 : i32
      scf.if %cond3A_175 {
        %dma_start3A_181 = arith.constant 0 : i32
        %dma_start3A_182 = arith.constant 0 : i32
        %dma_start3A_183 = tpu.memref_slice %arg2[%dma_start3A_181, %dma_start3A_182] : memref<20480x128xf32, #tpu.memory_space<hbm>> -> memref<20480x128xf32, #tpu.memory_space<hbm>>
        tpu.enqueue_indirect_dma source(%dma_start3A_183 : memref<20480x128xf32, #tpu.memory_space<hbm>>) target(%arg6 : memref<128x128xf32, #tpu.memory_space<vmem>>) offsets(%arg8 : memref<128xi32, #tpu.memory_space<vmem>>) semaphore(%arg16 : memref<!tpu.dma_semaphore, #tpu.memory_space<semaphore_mem>>)
      } else {
      }
      %lt3A_176 = arith.constant 78 : i32
      %lt3A_177 = arith.cmpi slt, %add3A_154, %lt3A_176 : i32
      %convert_element_type3A_178 = arith.extui %lt3A_177 : i1 to i32
      %cond3A_179 = arith.constant 0 : i32
      %cond3A_180 = arith.cmpi ne, %convert_element_type3A_178, %cond3A_179 : i32
      scf.if %cond3A_180 {
        %add3A_181 = arith.constant 2 : i32
        %add3A_182 = arith.addi %add3A_154, %add3A_181 : i32
        %mul3A_183 = arith.constant 128 : i32
        %mul3A_184 = arith.muli %add3A_182, %mul3A_183 : i32
        %add3A_185 = arith.addi %add3A_17, %mul3A_184 : i32
        %dma_start3A_186 = tpu.memref_slice %arg3[%add3A_185] : memref<491520xi32, #tpu.memory_space<hbm>> -> memref<128xi32, #tpu.memory_space<hbm>>
        %dma_start3A_187 = tpu.memref_slice %arg3[%add3A_185] : memref<491520xi32, #tpu.memory_space<hbm>> -> memref<128xi32, #tpu.memory_space<hbm>>
        tpu.enqueue_dma source(%dma_start3A_187 : memref<128xi32, #tpu.memory_space<hbm>>) target(%arg9 : memref<128xi32, #tpu.memory_space<vmem>>) target_semaphore(%arg21 : memref<!tpu.dma_semaphore, #tpu.memory_space<semaphore_mem>>)
        %mul3A_188 = arith.constant 128 : i32
        %mul3A_189 = arith.muli %add3A_182, %mul3A_188 : i32
        %add3A_190 = arith.addi %add3A_21, %mul3A_189 : i32
        %dma_start3A_191 = tpu.memref_slice %arg3[%add3A_190] : memref<491520xi32, #tpu.memory_space<hbm>> -> memref<128xi32, #tpu.memory_space<hbm>>
        %dma_start3A_192 = tpu.memref_slice %arg3[%add3A_190] : memref<491520xi32, #tpu.memory_space<hbm>> -> memref<128xi32, #tpu.memory_space<hbm>>
        tpu.enqueue_dma source(%dma_start3A_192 : memref<128xi32, #tpu.memory_space<hbm>>) target(%arg13 : memref<128xi32, #tpu.memory_space<vmem>>) target_semaphore(%arg21 : memref<!tpu.dma_semaphore, #tpu.memory_space<semaphore_mem>>)
      } else {
      }
    }
    %scan3A_52 = arith.constant 20 : i32
    %dma_wait3A_53 = arith.constant 0 : i32
    %dma_wait3A_54 = arith.constant 0 : i32
    %dma_wait3A_55 = tpu.memref_slice %arg5[%dma_wait3A_53, %dma_wait3A_54] : memref<10112x128xf32, #tpu.memory_space<vmem_shared>> -> memref<10112x128xf32, #tpu.memory_space<vmem_shared>>
    tpu.wait_indirect_dma semaphore(%arg19 : memref<!tpu.dma_semaphore, #tpu.memory_space<semaphore_mem>>) src(%arg7 : memref<128x128xf32, #tpu.memory_space<vmem>>) dst(%dma_wait3A_55 : memref<10112x128xf32, #tpu.memory_space<vmem_shared>>)
    %barrier3A_56 = arith.constant 0 : index
    tpu.barrier barrier_id(%barrier3A_56)
    %mul3A_57 = arith.constant 632 : i32
    %mul3A_58 = arith.muli %arg1, %mul3A_57 : i32
    %mul3A_59 = arith.constant 10240 : i32
    %mul3A_60 = arith.muli %arg0, %mul3A_59 : i32
    %mul3A_61 = arith.constant 632 : i32
    %mul3A_62 = arith.muli %arg1, %mul3A_61 : i32
    %add3A_63 = arith.addi %mul3A_60, %mul3A_62 : i32
    "tpu.region"() ({
      %run_scoped3A = tpu.sem_alloc : memref<!tpu.dma_semaphore, #tpu.memory_space<semaphore_mem>>
      %dma_start3A_64 = arith.constant 0 : i32
      %dma_start3A_65 = tpu.memref_slice %arg4[%add3A_63, %dma_start3A_64] : memref<20480x128xf32, #tpu.memory_space<hbm>> -> memref<632x128xf32, #tpu.memory_space<hbm>>
      %dma_start3A_66 = arith.constant 0 : i32
      %dma_start3A_67 = tpu.memref_slice %arg5[%mul3A_58, %dma_start3A_66] : memref<10112x128xf32, #tpu.memory_space<vmem_shared>> -> memref<632x128xf32, #tpu.memory_space<vmem_shared>>
      tpu.enqueue_dma source(%dma_start3A_67 : memref<632x128xf32, #tpu.memory_space<vmem_shared>>) target(%dma_start3A_65 : memref<632x128xf32, #tpu.memory_space<hbm>>) target_semaphore(%run_scoped3A : memref<!tpu.dma_semaphore, #tpu.memory_space<semaphore_mem>>)
      %dma_wait3A_68 = arith.constant 0 : i32
      %dma_wait3A_69 = tpu.memref_slice %arg4[%add3A_63, %dma_wait3A_68] : memref<20480x128xf32, #tpu.memory_space<hbm>> -> memref<632x128xf32, #tpu.memory_space<hbm>>
      %dma_wait3A_70 = arith.constant 0 : i32
      %dma_wait3A_71 = tpu.memref_slice %arg5[%mul3A_58, %dma_wait3A_70] : memref<10112x128xf32, #tpu.memory_space<vmem_shared>> -> memref<632x128xf32, #tpu.memory_space<vmem_shared>>
      tpu.wait_dma2 semaphore(%run_scoped3A : memref<!tpu.dma_semaphore, #tpu.memory_space<semaphore_mem>>) src(%dma_wait3A_71 : memref<632x128xf32, #tpu.memory_space<vmem_shared>>) dst(%dma_wait3A_69 : memref<632x128xf32, #tpu.memory_space<hbm>>)
      tpu.yield
    }) : () -> ()
    return
  }
}

module attributes {stable_mosaic.version = 14 : i64} {
  func.func @_scale_body(%arg0: i32, %arg1: memref<2x640x128xf32, #tpu.memory_space<vmem>>, %arg2: memref<640x16xf32, #tpu.memory_space<vmem>>, %arg3: memref<2x640x128xf32, #tpu.memory_space<vmem>>) attributes {dimension_semantics = [#tpu.dimension_semantics<arbitrary>], iteration_bounds = array<i64: 16>, scalar_prefetch = 0 : i64, scratch_operands = 0 : i64, tpu.core_type = #tpu.core_type<tc>, window_params = [{transform_indices = @transform_0, window_bounds = array<i64: 2, 640, 128>}, {transform_indices = @transform_1, window_bounds = array<i64: 640, 16>}, {transform_indices = @transform_2, window_bounds = array<i64: 2, 640, 128>}]} {
    %get3A = arith.constant 0 : index
    %get3A_0 = arith.constant 0 : index
    %get3A_1 = vector.load %arg2[%get3A, %get3A_0] : memref<640x16xf32, #tpu.memory_space<vmem>>, vector<640x1xf32>
    %get3A_2 = arith.constant 0 : index
    %get3A_3 = arith.constant 0 : index
    %get3A_4 = arith.constant 0 : index
    %get3A_5 = vector.load %arg1[%get3A_2, %get3A_3, %get3A_4] : memref<2x640x128xf32, #tpu.memory_space<vmem>>, vector<1x640x128xf32>
    %get3A_6 = vector.shape_cast %get3A_5 : vector<1x640x128xf32> to vector<640x128xf32>
    %mul3A = vector.broadcast %get3A_1 : vector<640x1xf32> to vector<640x128xf32>
    %mul3A_7 = arith.mulf %get3A_6, %mul3A : vector<640x128xf32>
    %swap3A = arith.constant 0 : index
    %swap3A_8 = arith.constant 0 : index
    %swap3A_9 = arith.constant 0 : index
    %swap3A_10 = vector.load %arg3[%swap3A, %swap3A_8, %swap3A_9] : memref<2x640x128xf32, #tpu.memory_space<vmem>>, vector<1x640x128xf32>
    %swap3A_11 = vector.shape_cast %swap3A_10 : vector<1x640x128xf32> to vector<640x128xf32>
    %swap3A_12 = vector.shape_cast %mul3A_7 : vector<640x128xf32> to vector<1x640x128xf32>
    tpu.vector_store %arg3[%swap3A, %swap3A_8, %swap3A_9], %swap3A_12 {strides = array<i32>} : memref<2x640x128xf32, #tpu.memory_space<vmem>>, vector<1x640x128xf32>,
    %get3A_13 = arith.constant 1 : index
    %get3A_14 = arith.constant 0 : index
    %get3A_15 = arith.constant 0 : index
    %get3A_16 = vector.load %arg1[%get3A_13, %get3A_14, %get3A_15] : memref<2x640x128xf32, #tpu.memory_space<vmem>>, vector<1x640x128xf32>
    %get3A_17 = vector.shape_cast %get3A_16 : vector<1x640x128xf32> to vector<640x128xf32>
    %mul3A_18 = vector.broadcast %get3A_1 : vector<640x1xf32> to vector<640x128xf32>
    %mul3A_19 = arith.mulf %get3A_17, %mul3A_18 : vector<640x128xf32>
    %swap3A_20 = arith.constant 1 : index
    %swap3A_21 = arith.constant 0 : index
    %swap3A_22 = arith.constant 0 : index
    %swap3A_23 = vector.load %arg3[%swap3A_20, %swap3A_21, %swap3A_22] : memref<2x640x128xf32, #tpu.memory_space<vmem>>, vector<1x640x128xf32>
    %swap3A_24 = vector.shape_cast %swap3A_23 : vector<1x640x128xf32> to vector<640x128xf32>
    %swap3A_25 = vector.shape_cast %mul3A_19 : vector<640x128xf32> to vector<1x640x128xf32>
    tpu.vector_store %arg3[%swap3A_20, %swap3A_21, %swap3A_22], %swap3A_25 {strides = array<i32>} : memref<2x640x128xf32, #tpu.memory_space<vmem>>, vector<1x640x128xf32>,
    return
  }
  func.func @transform_0(%arg0: i32) -> (i32, i32, i32) {
    %c0_i32 = arith.constant 0 : i32
    %c0_i32_0 = arith.constant 0 : i32
    %c0_i32_1 = arith.constant 0 : i32
    return %c0_i32, %arg0, %c0_i32_0 : i32, i32, i32
  }
  func.func @transform_1(%arg0: i32) -> (i32, i32) {
    %c0_i32 = arith.constant 0 : i32
    %c0_i32_0 = arith.constant 0 : i32
    return %arg0, %c0_i32 : i32, i32
  }
  func.func @transform_2(%arg0: i32) -> (i32, i32, i32) {
    %c0_i32 = arith.constant 0 : i32
    %c0_i32_0 = arith.constant 0 : i32
    %c0_i32_1 = arith.constant 0 : i32
    return %c0_i32, %arg0, %c0_i32_0 : i32, i32, i32
  }
}

module attributes {stable_mosaic.version = 14 : i64} {
  func.func @_prep_body(%arg0: i32, %arg1: memref<640x256xf32, #tpu.memory_space<vmem>>, %arg2: memref<2x640x128xf32, #tpu.memory_space<vmem>>, %arg3: memref<640x16xf32, #tpu.memory_space<vmem>>, %arg4: memref<640x16xf32, #tpu.memory_space<vmem>>, %arg5: memref<2x640x128xf32, #tpu.memory_space<vmem>>) attributes {dimension_semantics = [#tpu.dimension_semantics<arbitrary>], iteration_bounds = array<i64: 16>, scalar_prefetch = 0 : i64, scratch_operands = 0 : i64, tpu.core_type = #tpu.core_type<tc>, window_params = [{transform_indices = @transform_0, window_bounds = array<i64: 640, 256>}, {transform_indices = @transform_1, window_bounds = array<i64: 2, 640, 128>}, {transform_indices = @transform_2, window_bounds = array<i64: 640, 16>}, {transform_indices = @transform_3, window_bounds = array<i64: 640, 16>}, {transform_indices = @transform_4, window_bounds = array<i64: 2, 640, 128>}]} {
    %get3A = arith.constant 0 : index
    %get3A_0 = arith.constant 0 : index
    %get3A_1 = arith.constant 0 : index
    %get3A_2 = vector.load %arg2[%get3A, %get3A_0, %get3A_1] : memref<2x640x128xf32, #tpu.memory_space<vmem>>, vector<1x640x128xf32>
    %get3A_3 = vector.shape_cast %get3A_2 : vector<1x640x128xf32> to vector<640x128xf32>
    %slice3A = vector.extract_strided_slice %get3A_3 {offsets = [0, 0], sizes = [640, 16], strides = [1, 1]} : vector<640x128xf32> to vector<640x16xf32>
    %get3A_4 = arith.constant 1 : index
    %get3A_5 = arith.constant 0 : index
    %get3A_6 = arith.constant 0 : index
    %get3A_7 = vector.load %arg2[%get3A_4, %get3A_5, %get3A_6] : memref<2x640x128xf32, #tpu.memory_space<vmem>>, vector<1x640x128xf32>
    %get3A_8 = vector.shape_cast %get3A_7 : vector<1x640x128xf32> to vector<640x128xf32>
    %slice3A_9 = vector.extract_strided_slice %get3A_8 {offsets = [0, 0], sizes = [640, 16], strides = [1, 1]} : vector<640x128xf32> to vector<640x16xf32>
    %add3A = arith.addf %slice3A, %slice3A_9 : vector<640x16xf32>
    %max3A = arith.constant 1.000000e+00 : f32
    %max3A_10 = vector.broadcast %max3A : f32 to vector<640x16xf32>
    %max3A_11 = arith.maximumf %add3A, %max3A_10 : vector<640x16xf32>
    %rsqrt3A = math.rsqrt %max3A_11 : vector<640x16xf32>
    %swap3A = arith.constant 0 : index
    %swap3A_12 = arith.constant 0 : index
    %swap3A_13 = vector.load %arg3[%swap3A, %swap3A_12] : memref<640x16xf32, #tpu.memory_space<vmem>>, vector<640x16xf32>
    tpu.vector_store %arg3[%swap3A, %swap3A_12], %rsqrt3A {strides = array<i32>} : memref<640x16xf32, #tpu.memory_space<vmem>>, vector<640x16xf32>,
    %mul3A = arith.mulf %rsqrt3A, %rsqrt3A : vector<640x16xf32>
    %swap3A_14 = arith.constant 0 : index
    %swap3A_15 = arith.constant 0 : index
    %swap3A_16 = vector.load %arg4[%swap3A_14, %swap3A_15] : memref<640x16xf32, #tpu.memory_space<vmem>>, vector<640x16xf32>
    tpu.vector_store %arg4[%swap3A_14, %swap3A_15], %mul3A {strides = array<i32>} : memref<640x16xf32, #tpu.memory_space<vmem>>, vector<640x16xf32>,
    %slice3A_17 = vector.extract_strided_slice %rsqrt3A {offsets = [0, 0], sizes = [640, 1], strides = [1, 1]} : vector<640x16xf32> to vector<640x1xf32>
    %get3A_18 = arith.constant 0 : index
    %get3A_19 = arith.constant 0 : index
    %get3A_20 = vector.load %arg1[%get3A_18, %get3A_19] : memref<640x256xf32, #tpu.memory_space<vmem>>, vector<640x128xf32>
    %mul3A_21 = vector.broadcast %slice3A_17 : vector<640x1xf32> to vector<640x128xf32>
    %mul3A_22 = arith.mulf %get3A_20, %mul3A_21 : vector<640x128xf32>
    %swap3A_23 = arith.constant 0 : index
    %swap3A_24 = arith.constant 0 : index
    %swap3A_25 = arith.constant 0 : index
    %swap3A_26 = vector.load %arg5[%swap3A_23, %swap3A_24, %swap3A_25] : memref<2x640x128xf32, #tpu.memory_space<vmem>>, vector<1x640x128xf32>
    %swap3A_27 = vector.shape_cast %swap3A_26 : vector<1x640x128xf32> to vector<640x128xf32>
    %swap3A_28 = vector.shape_cast %mul3A_22 : vector<640x128xf32> to vector<1x640x128xf32>
    tpu.vector_store %arg5[%swap3A_23, %swap3A_24, %swap3A_25], %swap3A_28 {strides = array<i32>} : memref<2x640x128xf32, #tpu.memory_space<vmem>>, vector<1x640x128xf32>,
    %get3A_29 = arith.constant 0 : index
    %get3A_30 = arith.constant 128 : index
    %get3A_31 = vector.load %arg1[%get3A_29, %get3A_30] : memref<640x256xf32, #tpu.memory_space<vmem>>, vector<640x128xf32>
    %mul3A_32 = vector.broadcast %slice3A_17 : vector<640x1xf32> to vector<640x128xf32>
    %mul3A_33 = arith.mulf %get3A_31, %mul3A_32 : vector<640x128xf32>
    %swap3A_34 = arith.constant 1 : index
    %swap3A_35 = arith.constant 0 : index
    %swap3A_36 = arith.constant 0 : index
    %swap3A_37 = vector.load %arg5[%swap3A_34, %swap3A_35, %swap3A_36] : memref<2x640x128xf32, #tpu.memory_space<vmem>>, vector<1x640x128xf32>
    %swap3A_38 = vector.shape_cast %swap3A_37 : vector<1x640x128xf32> to vector<640x128xf32>
    %swap3A_39 = vector.shape_cast %mul3A_33 : vector<640x128xf32> to vector<1x640x128xf32>
    tpu.vector_store %arg5[%swap3A_34, %swap3A_35, %swap3A_36], %swap3A_39 {strides = array<i32>} : memref<2x640x128xf32, #tpu.memory_space<vmem>>, vector<1x640x128xf32>,
    return
  }
  func.func @transform_0(%arg0: i32) -> (i32, i32) {
    %c0_i32 = arith.constant 0 : i32
    %c0_i32_0 = arith.constant 0 : i32
    return %arg0, %c0_i32 : i32, i32
  }
  func.func @transform_1(%arg0: i32) -> (i32, i32, i32) {
    %c0_i32 = arith.constant 0 : i32
    %c0_i32_0 = arith.constant 0 : i32
    %c0_i32_1 = arith.constant 0 : i32
    return %c0_i32, %arg0, %c0_i32_0 : i32, i32, i32
  }
  func.func @transform_2(%arg0: i32) -> (i32, i32) {
    %c0_i32 = arith.constant 0 : i32
    %c0_i32_0 = arith.constant 0 : i32
    return %arg0, %c0_i32 : i32, i32
  }
  func.func @transform_3(%arg0: i32) -> (i32, i32) {
    %c0_i32 = arith.constant 0 : i32
    %c0_i32_0 = arith.constant 0 : i32
    return %arg0, %c0_i32 : i32, i32
  }
  func.func @transform_4(%arg0: i32) -> (i32, i32, i32) {
    %c0_i32 = arith.constant 0 : i32
    %c0_i32_0 = arith.constant 0 : i32
    %c0_i32_1 = arith.constant 0 : i32
    return %c0_i32, %arg0, %c0_i32_0 : i32, i32, i32
  }
}

module attributes {stable_mosaic.version = 14 : i64} {
  func.func @_head_body(%arg0: i32, %arg1: memref<2x1000x128xf32, #tpu.memory_space<vmem>>, %arg2: memref<1000x16xf32, #tpu.memory_space<vmem>>, %arg3: memref<256x512xf32, #tpu.memory_space<vmem>>, %arg4: memref<1x512xf32, #tpu.memory_space<vmem>>, %arg5: memref<512x128xf32, #tpu.memory_space<vmem>>, %arg6: memref<1x128xf32, #tpu.memory_space<vmem>>, %arg7: memref<1000x512xf32, #tpu.memory_space<vmem>>, %arg8: memref<1000x128xf32, #tpu.memory_space<vmem>>) attributes {dimension_semantics = [#tpu.dimension_semantics<arbitrary>], iteration_bounds = array<i64: 10>, scalar_prefetch = 0 : i64, scratch_operands = 0 : i64, tpu.core_type = #tpu.core_type<tc>, window_params = [{transform_indices = @transform_0, window_bounds = array<i64: 2, 1000, 128>}, {transform_indices = @transform_1, window_bounds = array<i64: 1000, 16>}, {pipeline_mode = #tpu.pipeline_mode<synchronous>, transform_indices = @transform_2, window_bounds = array<i64: 256, 512>}, {pipeline_mode = #tpu.pipeline_mode<synchronous>, transform_indices = @transform_3, window_bounds = array<i64: 1, 512>}, {pipeline_mode = #tpu.pipeline_mode<synchronous>, transform_indices = @transform_4, window_bounds = array<i64: 512, 128>}, {pipeline_mode = #tpu.pipeline_mode<synchronous>, transform_indices = @transform_5, window_bounds = array<i64: 1, 128>}, {transform_indices = @transform_6, window_bounds = array<i64: 1000, 512>}, {transform_indices = @transform_7, window_bounds = array<i64: 1000, 128>}]} {
    %get3A = arith.constant 0 : index
    %get3A_0 = arith.constant 0 : index
    %get3A_1 = vector.load %arg2[%get3A, %get3A_0] : memref<1000x16xf32, #tpu.memory_space<vmem>>, vector<1000x1xf32>
    %get3A_2 = arith.constant 0 : index
    %get3A_3 = arith.constant 0 : index
    %get3A_4 = arith.constant 0 : index
    %get3A_5 = vector.load %arg1[%get3A_2, %get3A_3, %get3A_4] : memref<2x1000x128xf32, #tpu.memory_space<vmem>>, vector<1x1000x128xf32>
    %get3A_6 = vector.shape_cast %get3A_5 : vector<1x1000x128xf32> to vector<1000x128xf32>
    %mul3A = vector.broadcast %get3A_1 : vector<1000x1xf32> to vector<1000x128xf32>
    %mul3A_7 = arith.mulf %get3A_6, %mul3A : vector<1000x128xf32>
    %convert_element_type3A = arith.truncf %mul3A_7 : vector<1000x128xf32> to vector<1000x128xbf16>
    %get3A_8 = arith.constant 1 : index
    %get3A_9 = arith.constant 0 : index
    %get3A_10 = arith.constant 0 : index
    %get3A_11 = vector.load %arg1[%get3A_8, %get3A_9, %get3A_10] : memref<2x1000x128xf32, #tpu.memory_space<vmem>>, vector<1x1000x128xf32>
    %get3A_12 = vector.shape_cast %get3A_11 : vector<1x1000x128xf32> to vector<1000x128xf32>
    %mul3A_13 = vector.broadcast %get3A_1 : vector<1000x1xf32> to vector<1000x128xf32>
    %mul3A_14 = arith.mulf %get3A_12, %mul3A_13 : vector<1000x128xf32>
    %convert_element_type3A_15 = arith.truncf %mul3A_14 : vector<1000x128xf32> to vector<1000x128xbf16>
    %get3A_16 = arith.constant 0 : index
    %get3A_17 = arith.constant 0 : index
    %get3A_18 = vector.load %arg3[%get3A_16, %get3A_17] : memref<256x512xf32, #tpu.memory_space<vmem>>, vector<128x512xf32>
    %convert_element_type3A_19 = arith.truncf %get3A_18 : vector<128x512xf32> to vector<128x512xbf16>
    %dot_general3A = arith.constant dense<0.000000e+00> : vector<1000x512xf32>
    %dot_general3A_20 = tpu.matmul %convert_element_type3A, %convert_element_type3A_19, %dot_general3A {dimension_numbers = #tpu.dot_dimension_numbers<[1], [0], [0], [1], [0, 0, 1, 1], [], []>, transpose_lhs_hint = false} : vector<1000x128xbf16>, vector<128x512xbf16>, vector<1000x512xf32> -> vector<1000x512xf32>
    %get3A_21 = arith.constant 128 : index
    %get3A_22 = arith.constant 0 : index
    %get3A_23 = vector.load %arg3[%get3A_21, %get3A_22] : memref<256x512xf32, #tpu.memory_space<vmem>>, vector<128x512xf32>
    %convert_element_type3A_24 = arith.truncf %get3A_23 : vector<128x512xf32> to vector<128x512xbf16>
    %dot_general3A_25 = arith.constant dense<0.000000e+00> : vector<1000x512xf32>
    %dot_general3A_26 = tpu.matmul %convert_element_type3A_15, %convert_element_type3A_24, %dot_general3A_25 {dimension_numbers = #tpu.dot_dimension_numbers<[1], [0], [0], [1], [0, 0, 1, 1], [], []>, transpose_lhs_hint = false} : vector<1000x128xbf16>, vector<128x512xbf16>, vector<1000x512xf32> -> vector<1000x512xf32>
    %add3A = arith.addf %dot_general3A_20, %dot_general3A_26 : vector<1000x512xf32>
    %get3A_27 = arith.constant 0 : index
    %get3A_28 = arith.constant 0 : index
    %get3A_29 = vector.load %arg4[%get3A_27, %get3A_28] : memref<1x512xf32, #tpu.memory_space<vmem>>, vector<1x512xf32>
    %add3A_30 = vector.broadcast %get3A_29 : vector<1x512xf32> to vector<1000x512xf32>
    %add3A_31 = arith.addf %add3A, %add3A_30 : vector<1000x512xf32>
    %swap3A = arith.constant 0 : index
    %swap3A_32 = arith.constant 0 : index
    %swap3A_33 = vector.load %arg7[%swap3A, %swap3A_32] : memref<1000x512xf32, #tpu.memory_space<vmem>>, vector<1000x512xf32>
    tpu.vector_store %arg7[%swap3A, %swap3A_32], %add3A_31 {strides = array<i32>} : memref<1000x512xf32, #tpu.memory_space<vmem>>, vector<1000x512xf32>,
    %convert_element_type3A_34 = arith.truncf %add3A_31 : vector<1000x512xf32> to vector<1000x512xbf16>
    %get3A_35 = arith.constant 0 : index
    %get3A_36 = arith.constant 0 : index
    %get3A_37 = vector.load %arg5[%get3A_35, %get3A_36] : memref<512x128xf32, #tpu.memory_space<vmem>>, vector<512x128xf32>
    %convert_element_type3A_38 = arith.truncf %get3A_37 : vector<512x128xf32> to vector<512x128xbf16>
    %dot_general3A_39 = arith.constant dense<0.000000e+00> : vector<1000x128xf32>
    %dot_general3A_40 = tpu.matmul %convert_element_type3A_34, %convert_element_type3A_38, %dot_general3A_39 {dimension_numbers = #tpu.dot_dimension_numbers<[1], [0], [0], [1], [0, 0, 1, 1], [], []>, transpose_lhs_hint = false} : vector<1000x512xbf16>, vector<512x128xbf16>, vector<1000x128xf32> -> vector<1000x128xf32>
    %get3A_41 = arith.constant 0 : index
    %get3A_42 = arith.constant 0 : index
    %get3A_43 = vector.load %arg6[%get3A_41, %get3A_42] : memref<1x128xf32, #tpu.memory_space<vmem>>, vector<1x128xf32>
    %add3A_44 = vector.broadcast %get3A_43 : vector<1x128xf32> to vector<1000x128xf32>
    %add3A_45 = arith.addf %dot_general3A_40, %add3A_44 : vector<1000x128xf32>
    %swap3A_46 = arith.constant 0 : index
    %swap3A_47 = arith.constant 0 : index
    %swap3A_48 = vector.load %arg8[%swap3A_46, %swap3A_47] : memref<1000x128xf32, #tpu.memory_space<vmem>>, vector<1000x128xf32>
    tpu.vector_store %arg8[%swap3A_46, %swap3A_47], %add3A_45 {strides = array<i32>} : memref<1000x128xf32, #tpu.memory_space<vmem>>, vector<1000x128xf32>,
    return
  }
  func.func @transform_0(%arg0: i32) -> (i32, i32, i32) {
    %c0_i32 = arith.constant 0 : i32
    %c0_i32_0 = arith.constant 0 : i32
    %c0_i32_1 = arith.constant 0 : i32
    return %c0_i32, %arg0, %c0_i32_0 : i32, i32, i32
  }
  func.func @transform_1(%arg0: i32) -> (i32, i32) {
    %c0_i32 = arith.constant 0 : i32
    %c0_i32_0 = arith.constant 0 : i32
    return %arg0, %c0_i32 : i32, i32
  }
  func.func @transform_2(%arg0: i32) -> (i32, i32) {
    %c0_i32 = arith.constant 0 : i32
    %c0_i32_0 = arith.constant 0 : i32
    %c0_i32_1 = arith.constant 0 : i32
    return %c0_i32, %c0_i32_0 : i32, i32
  }
  func.func @transform_3(%arg0: i32) -> (i32, i32) {
    %c0_i32 = arith.constant 0 : i32
    %c0_i32_0 = arith.constant 0 : i32
    %c0_i32_1 = arith.constant 0 : i32
    return %c0_i32, %c0_i32_0 : i32, i32
  }
  func.func @transform_4(%arg0: i32) -> (i32, i32) {
    %c0_i32 = arith.constant 0 : i32
    %c0_i32_0 = arith.constant 0 : i32
    %c0_i32_1 = arith.constant 0 : i32
    return %c0_i32, %c0_i32_0 : i32, i32
  }
  func.func @transform_5(%arg0: i32) -> (i32, i32) {
    %c0_i32 = arith.constant 0 : i32
    %c0_i32_0 = arith.constant 0 : i32
    %c0_i32_1 = arith.constant 0 : i32
    return %c0_i32, %c0_i32_0 : i32, i32
  }
  func.func @transform_6(%arg0: i32) -> (i32, i32) {
    %c0_i32 = arith.constant 0 : i32
    %c0_i32_0 = arith.constant 0 : i32
    return %arg0, %c0_i32 : i32, i32
  }
  func.func @transform_7(%arg0: i32) -> (i32, i32) {
    %c0_i32 = arith.constant 0 : i32
    %c0_i32_0 = arith.constant 0 : i32
    return %arg0, %c0_i32 : i32, i32
  }
}

</mosaic_0001>

<sc_bundles>
// kernel: kernel.11.cloned.1.call-start
scs
__scs_entry_jumppad:
0x0: {  	(pc) =	sbr.rel $0x88, $3  }
0x1: {  	(tag) =	ssettag $0x0;
	lr =	simm.s32 $0x1  }
0x2: {  	[smem:$0x3F9B] =	sst lr;
	_ =	strace $0xD0000000  }
0x3: {  	_ = 	snop  }
0x4: {  	_ = 	snop  }
0x5: {  	_ = 	snop  }
0x6: {  	_ = 	snop  }
0x7: {  	_ = 	snop  }
__scs_overlays_trampoline_lowered:
0x8: {  	[smem:$0x3FAA] =	sst s0  }
0x9: {  	[smem:$0x3FAB] =	sst s1  }
0xa: {  	[smem:$0x3FAC] =	sst s2  }
0xb: {  	[smem:$0x3FAD] =	sst s3  }
0xc: {  	[smem:$0x3FAE] =	sst s4  }
0xd: {  	[smem:$0x3FAF] =	sst s5  }
0xe: {  	[smem:$0x3FB0] =	sst s6  }
0xf: {  	[smem:$0x3FB1] =	sst s7  }
0x10: {  	[smem:$0x3FB2] =	sst s8  }
0x11: {  	[smem:$0x3FB3] =	sst s9;
	s0 =	simm.s32 @!p0 $0x0  }
0x12: {  	s1 =	sld [smem:$0x3F99];
	s0 =	simm.s32 @p0 $0x1  }
0x13: {  	[smem:$0x3FB4] =	sst s0;
	s0 =	simm.s32 @!p1 $0x0  }
0x14: {  	s2 =	sld [smem:$0x3F98];
	s0 =	simm.s32 @p1 $0x1  }
0x15: {  	[smem:$0x3FB5] =	sst s0;
	s0 =	simm.s32 @!p2 $0x0  }
0x16: {  	s3 =	sld [smem:$0x3FDB];
	s0 =	simm.s32 @p2 $0x1  }
0x17: {  	s4 =	simm.s32 $0x1BF5;
	[smem:$0x3FB7] =	sst s0  }
0x18: {  	s0 =	sld [smem:$0x3F9A];
	_ =	swait.ge [sflag:s4], $0x0  }
0x19: {  	s7 =	sld [smem:$0x3F9B]  }
0x1a: {  	s8 =	sadd.s32 $0xFFFFE003, lr  }
0x1b: {  	s9 =	sadd.s32 $0xFFFFFEF7, lr;
	s5 =	simm.s32 $0xFFFFFFFF;
	p2 =	slt.u32 s8, $0xFFFFF086  }
0x1c: {  	p1 =	slt.u32 s9, $0xF7A;
	s5 =	simm.s32 @!p2 $0x0  }
0x1d: {  	s5 =	simm.s32 @p1 $0x1;
	p0 =	seq.s32 s7, s2  }
0x1e: {  	s7 =	smul.u32 @!p0 $0xF7A, s2;
	p2 =	seq.s32 @!p0 s5, $0x0  }
0x1f: {  	s9 =	smul.u32 $0xF7A, s1;
	s8 =	simm.s32 @!p0 $0x1BF5;
	p2 =	por !p2, p0  }
0x20: {  	[sflag:s8] =	ssyncset.s32 @!p0 $0xFFFFF086;
	s6 =	sadd.s32 @!p0 s3, s7;
	s7 =	simm.s32 @!p0 $0x108  }
0x21: {  	s3 =	sadd.s32 s3, s9;
	s6 =	sadd.s32 @!p0 $0x88, s6;
	s7 =	simm.s32 @p2 $0x1082  }
0x22: {  	[simem:s7], [sflag:s8] =	dma.local @!p0 [hbm:s6], $0xF7A  }
0x23: {  	s9 =	sor.u32 $0xD0000000, s2;
	s6 =	simm.s32 $0x108;
	_ =	swait.ge @!p0 [sflag:s8], $0x0  }
0x24: {  	s3 =	sadd.s32 $0x88, s3;
	s6 =	simm.s32 @!p1 $0x1082;
	[sflag:s4] =	ssyncset.s32 $0xFFFFF086  }
0x25: {  	[simem:s6], [sflag:s4] =	dma.local [hbm:s3], $0xF7A  }
0x26: {  	[smem:$0x3F9B] =	sst s1;
	(tag) =	ssettag s2;
	_ =	strace s9  }
0x27: {  	s1 =	sld [smem:$0x3FAB]  }
0x28: {  	s2 =	sld [smem:$0x3FAC]  }
0x29: {  	s4 =	sld [smem:$0x3FAE]  }
0x2a: {  	p0 =	seq.s32 s5, $0x0;
	s5 =	sld [smem:$0x3FAF]  }
0x2b: {  	s6 =	sld [smem:$0x3FB0]  }
0x2c: {  	s7 =	sld [smem:$0x3FB1]  }
0x2d: {  	s3 =	simm.s32 $0x108;
	s8 =	sld [smem:$0x3FB2]  }
0x2e: {  	s3 =	simm.s32 @!p0 $0x1082;
	s9 =	sld [smem:$0x3FB3]  }
0x2f: {  	lr =	sadd.s32 s0, s3;
	s0 =	sld [smem:$0x3FAA]  }
0x30: {  	s3 =	sld [smem:$0x3FAD]  }
0x31: {  	[smem:$0x3FB6] =	sst s10  }
0x32: {  	s10 =	sld [smem:$0x3FB4];
	_ =	sdelay $0x3  }
0x33: {  	p0 =	seq.s32 s10, $0x1;
	s10 =	sld [smem:$0x3FB6];
	_ =	sdelay $0x3  }
0x34: {  	[smem:$0x3FB6] =	sst s10  }
0x35: {  	s10 =	sld [smem:$0x3FB5];
	_ =	sdelay $0x3  }
0x36: {  	p1 =	seq.s32 s10, $0x1;
	s10 =	sld [smem:$0x3FB6];
	_ =	sdelay $0x3  }
0x37: {  	[smem:$0x3FB6] =	sst s10  }
0x38: {  	s10 =	sld [smem:$0x3FB7]  }
0x39: {  	_ = 	snop;
	(pc) =	sbr.ind lr, $3  }
0x3a: {  	_ = 	snop  }
0x3b: {  	_ = 	snop  }
0x3c: {  	p2 =	seq.s32 s10, $0x1;
	s10 =	sld [smem:$0x3FB6]  }
0x3d: {  	_ =	shalt  }
0x3e: {  	_ =	shalt  }
0x3f: {  	_ =	shalt  }
0x40: {  	_ =	shalt  }
0x41: {  	_ =	shalt  }
0x42: {  	_ =	shalt  }
0x43: {  	_ =	shalt  }
0x44: {  	_ =	shalt  }
0x45: {  	_ =	shalt  }
0x46: {  	_ =	shalt  }
0x47: {  	_ =	shalt  }
0x48: {  	_ =	shalt  }
0x49: {  	_ =	shalt  }
0x4a: {  	_ =	shalt  }
0x4b: {  	_ =	shalt  }
0x4c: {  	_ =	shalt  }
0x4d: {  	_ =	shalt  }
0x4e: {  	_ =	shalt  }
0x4f: {  	_ =	shalt  }
0x50: {  	_ =	shalt  }
0x51: {  	_ =	shalt  }
0x52: {  	_ =	shalt  }
0x53: {  	_ =	shalt  }
0x54: {  	_ =	shalt  }
0x55: {  	_ =	shalt  }
0x56: {  	_ =	shalt  }
0x57: {  	_ =	shalt  }
0x58: {  	_ =	shalt  }
0x59: {  	_ =	shalt  }
0x5a: {  	_ =	shalt  }
0x5b: {  	_ =	shalt  }
0x5c: {  	_ =	shalt  }
0x5d: {  	_ =	shalt  }
0x5e: {  	_ =	shalt  }
0x5f: {  	_ =	shalt  }
0x60: {  	_ =	shalt  }
0x61: {  	_ =	shalt  }
0x62: {  	_ =	shalt  }
0x63: {  	_ =	shalt  }
0x64: {  	_ =	shalt  }
0x65: {  	_ =	shalt  }
0x66: {  	_ =	shalt  }
0x67: {  	_ =	shalt  }
0x68: {  	_ =	shalt  }
0x69: {  	_ =	shalt  }
0x6a: {  	_ =	shalt  }
0x6b: {  	_ =	shalt  }
0x6c: {  	_ =	shalt  }
0x6d: {  	_ =	shalt  }
0x6e: {  	_ =	shalt  }
0x6f: {  	_ =	shalt  }
0x70: {  	_ =	shalt  }
0x71: {  	_ =	shalt  }
0x72: {  	_ =	shalt  }
0x73: {  	_ =	shalt  }
0x74: {  	_ =	shalt  }
0x75: {  	_ =	shalt  }
0x76: {  	_ =	shalt  }
0x77: {  	_ =	shalt  }
0x78: {  	_ =	shalt  }
0x79: {  	_ =	shalt  }
0x7a: {  	_ =	shalt  }
0x7b: {  	_ =	shalt  }
0x7c: {  	_ =	shalt  }
0x7d: {  	_ =	shalt  }
0x7e: {  	_ =	shalt  }
0x7f: {  	_ =	shalt  }
0x80: {  	_ =	shalt  }
0x81: {  	_ =	shalt  }
0x82: {  	_ =	shalt  }
0x83: {  	_ =	shalt  }
0x84: {  	_ =	shalt  }
0x85: {  	_ =	shalt  }
0x86: {  	_ =	shalt  }
0x87: {  	_ =	shalt  }
.Lfunc_end0:
.L_simem_size_0:
called_computation.1_lowered:
.L_overlay_start_0:
0x88: {  	s2 =	sld [smem:$0x3FD9]  }
0x89: {  	s3 =	sld [smem:$0x3FFE];
	_ =	sdelay $0x1  }
0x8a: {  	s1 =	srdreg.scid  }
0x8b: {  	s0 =	sand.u32 $0x1, s1  }
0x8c: {  	s14 =	sshll.u32 s0, $0xA;
	s2 =	sadd.s32 s3, s2  }
0x8d: {  	s2 =	sadd.s32 s2, s14  }
0x8e: {  	[smem:$0x3FC2] =	sst s2  }
0x8f: {  	_ = 	snop  }
0x90: {  	s2 =	sld [smem:$0x3FD0];
	_ =	sdelay $0x2  }
0x91: {  	s15 =	simm.s32 $0xA;
	s4 =	simm.s32 $0x10  }
0x92: {  	[smem:s4], [sflag:s15] =	dma.local [hbm:s2], $0x1  }
0x93: {  	_ =	swait.eq [sflag:s15], $0x1  }
0x94: {  	[sflag:s15] =	ssyncset.done $0x0  }
0x95: {  	s16 =	sld [smem:$0x10];
	[sflag:s15] =	ssyncadd.s32 $0xFFFFFFFF  }
0x96: {  	s17 =	sld [smem:$0x11];
	(tm) =	ssettm $0x1  }
0x97: {  	s18 =	sld [smem:$0x3FFB];
	_ =	sdelay $0x3  }
0x98: {  	_ =	strace s18  }
0x99: {  	s4 =	sld [smem:$0x3FFC];
	_ =	sdelay $0x3  }
0x9a: {  	_ =	strace s4  }
0x9b: {  	s4 =	sld [smem:$0x3FFD];
	_ =	sdelay $0x3  }
0x9c: {  	_ =	strace s4  }
0x9d: {  	_ =	strace $0x8FFFFFFF  }
0x9e: {  	s19 =	sld [smem:$0x3FDB];
	_ =	sdelay $0x1  }
0x9f: {  	s5 =	simm.s32 $_scs_section_size  }
0xa0: {  	s6 =	simm.s32 $_size__tile_overlayer_lowered;
	s7 =	simm.s32 $_tile_overlayer_lowered  }
0xa1: {  	s22 =	simm.s32 $0x1BFF;
	s21 =	sshll.u32 s7, $0x1;
	s4 =	sadd.s32 s5, s19  }
0xa2: {  	s8 =	simm.s32 $0x0;
	s20 =	sshll.u32 s6, $0x1;
	s6 =	sadd.s32 s21, s4  }
0xa3: {  	[timem:s8], [sflag:s22] =	dma.local [hbm:s6], s20  }
0xa4: {  	_ =	swait.ge [sflag:s22], s20  }
0xa5: {  	s5 =	ssub.s32 $0x0, s20;
	[sflag:s22] =	ssyncset.done $0x0  }
0xa6: {  	[sflag:s22] =	ssyncadd.s32 s5;
	_ =	sdelay $0x1  }
0xa7: {  	s23 =	simm.s32 $0x1B8B  }
0xa8: {  	_ =	swait.ge [sflag:s23], $0x1  }
0xa9: {  	[sflag:s23] =	ssyncset.done $0x0  }
0xaa: {  	s25 =	simm.s32 $0x1B8E;
	s24 =	sld [smem:$0x3FFE];
	[sflag:s23] =	ssyncadd.s32 $0xFFFFFFFF  }
0xab: {  	s26 =	simm.s32 $execute0_lowered;
	[smem:$0x3FD2] =	sst s25  }
0xac: {  	s6 =	sshll.u32 s26, $0x1;
	_ =	strace $0x80000049;
	[dreg:$0x1] =	wrdreg $0xFFFFFFFF  }
0xad: {  	s28 =	simm.s32 $_size_execute0_lowered;
	s4 =	sadd.s32 s4, s6;
	[dreg:$0x0] =	wrdreg $0x0  }
0xae: {  	s6 =	sshll.u32 s28, $0x1;
	[dreg:$0x2] =	wrdreg s4  }
0xaf: {  	[dreg:$0x3] =	wrdreg s6  }
0xb0: {  	[dreg:$0x4] =	wrdreg $0xC0  }
0xb1: {  	_ =	task [dreg:s8], $0x5FFFF  }
0xb2: {  	[dreg:$0x1] =	wrdreg $0xFFFFFFFF  }
0xb3: {  	[dreg:$0x0] =	wrdreg $0x60  }
0xb4: {  	[dreg:$0x2] =	wrdreg s16  }
0xb5: {  	[dreg:$0x3] =	wrdreg s17  }
0xb6: {  	[dreg:$0x4] =	wrdreg s24  }
0xb7: {  	[dreg:$0x5] =	wrdreg $0x0  }
0xb8: {  	[dreg:$0x6] =	wrdreg $0x9  }
0xb9: {  	_ =	task.clear_ibuf [dreg:s8], $0x7FFFF;
	_ =	strace $0x90000049  }
0xba: {  	s29 =	simm.s32 $0x9;
	_ =	strace $0x8000004B  }
0xbb: {  	_ =	swait.ge [sflag:s29], $0x1  }
0xbc: {  	[sflag:s29] =	ssyncadd.s32 $0xFFFFFFFF  }
0xbd: {  	_ =	strace $0x9000004B  }
0xbe: {  	_ =	sfence  }
0xbf: {  	s30 =	sld [smem:$0x0];
	_ =	sdelay $0x2  }
0xc0: {  	s31 =	sshll.u32 s1, $0xD;
	s1 =	sshrl.u32 s1, $0x2  }
0xc1: {  	s3 =	sand.u32 $0x4000, s31;
	s1 =	sadd.s32 s1, s30  }
0xc2: {  	s0 =	sor.u32 s3, s0;
	s1 =	sshll.u32 s1, $0x11  }
0xc3: {  	s0 =	sor.u32 s1, s0  }
0xc4: {  	s0 =	sadd.s32 $0x8F2B, s0  }
0xc5: {  	[sflag:s0] =	ssyncadd.remote.s32 $0x1  }
0xc6: {  	_ =	sfence.sel $0xFFFF  }
0xc7: {  	[dreg:$0x0] =	wrdreg $0xFFFFFFFF;
	(pc) =	sbr.abs _section_cstart, $3  }
0xc8: {  	[dreg:$0x1] =	wrdreg $0xFFFFFFFF  }
0xc9: {  	_ =	task.clear_ibuf [dreg:s8], $0x2FFFF;
	_ =	strace $0x9FFFFFFF  }
0xca: {  	(tm) =	ssettm $0x7FFFFFFF  }
0xcb: {  	_ =	shalt  }
tec
execute0_lowered:
.L_overlay_start_1:
0x0: {  	(tag) =	ssettag $0x1  }
0x1: {  	s1 =	rddreg [dreg:$0x0]  }
0x2: {  	s0 =	rddreg [dreg:$0x1]  }
0x3: {  	s2 =	rddreg [dreg:$0x2]  }
0x4: {  	s3 =	rddreg [dreg:$0x3];
	s11 =	stileid.u32  }
0x5: {  	s5 =	srdreg.scid;
	s4 =	simm.s32 $0x0;
	s6 =	smul.u32 $0x2780, s11  }
0x6: {  	s28 =	simm.s32 $0x17C00;
	s29 =	simm.s32 $0x1BD00;
	s8 =	smul.u32 $0x2800, s11  }
0x7: {  	s30 =	simm.s32 $0x1BF00;
	s31 =	simm.s32 $0x2;
	s10 =	smul.u32 $0x4F000, s11  }
0x8: {  	s5 =	sand.u32 $0x1, s5;
	[smem:$0x7FF] =	sst s4;
	s19 =	smul.u32 $0x500, s11  }
0x9: {  	s11 =	simm.s32 $0x9;
	s7 =	smul.u32 $0x28000, s5;
	s5 =	ssub.s32 $0x2, s5  }
0xa: {  	_ =	strace $0x8000004A;
	s9 =	sshrl.u32 s5, $0x1;
	s25 =	sshrl.u32 s10, $0x2  }
0xb: {  	s6 =	sadd.s32 s6, s7;
	s24 =	ssub.s32 s5, s9;
	s7 =	sadd.s32 s8, s7  }
0xc: {  	s8 =	sshrl.u32 s8, $0x3;
	s13 =	sadd.s32 s25, s3;
	s9 =	simm.s32 $0x8  }
0xd: {  	s2 =	sadd.s32 s6, s2;
	s26 =	sshrl.u32 s7, $0x3;
	s8 =	sadd.s32 s0, s8  }
0xe: {  	s12 =	sadd.s32 $0x10000, s13;
	s16 =	sor.u32 $0x280, s7;
	s17 =	smax.u32 s24, $0x1  }
0xf: {  	s18 =	sadd.s32 $0x4000, s13;
	s20 =	sor.u32 $0x200, s7;
	s22 =	sor.u32 $0x180, s7  }
0x10: {  	s7 =	sor.u32 $0x100, s7;
	s24 =	sadd.s32 $0x8000, s13;
	[dreg:$0x9] =	wrdreg s13  }
0x11: {  	s6 =	simm.s32 $0x0;
	s10 =	sadd.s32 s0, s26;
	[dreg:$0xb] =	wrdreg s12  }
0x12: {  	s14 =	sadd.s32 $0xA000, s8;
	s15 =	sadd.s32 $0xA010, s8;
	[dreg:$0x10] =	wrdreg s17  }
0x13: {  	s2 =	sadd.s32 $0x2200, s2;
	[dreg:$0x11] =	wrdreg s18;
	s21 =	sshrl.u32 s20, $0x3  }
0x14: {  	s8 =	sshrl.u32 s22, $0x3;
	s7 =	sshrl.u32 s7, $0x3;
	[dreg:$0x12] =	wrdreg s24  }
0x15: {  	s26 =	sadd.s32 $0xC000, s13;
	s17 =	simm.s32 $0x13C00;
	[dreg:$0xc] =	wrdreg s14  }
0x16: {  	s20 =	simm.s32 $0x1BE00;
	s22 =	simm.s32 $0x1BE80;
	[dreg:$0xa] =	wrdreg s10  }
0x17: {  	s24 =	simm.s32 $0x80;
	s5 =	sadd.s32 $0x10, s10;
	[dreg:$0xe] =	wrdreg s15  }
0x18: {  	[dreg:$0xf] =	wrdreg s2;
	s2 =	sshrl.u32 s16, $0x3;
	s23 =	sadd.s32 s8, s0  }
0x19: {  	s25 =	sadd.s32 s7, s0;
	[dreg:$0x13] =	wrdreg s26;
	s16 =	sadd.s32 s19, s0  }
0x1a: {  	s26 =	simm.s32 $0x6;
	s7 =	simm.s32 $0x1BD80;
	[dreg:$0xd] =	wrdreg s5  }
0x1b: {  	s8 =	simm.s32 $0x1BF80;
	s10 =	simm.s32 $0x4;
	[dreg:$0x7] =	wrdreg s23  }
0x1c: {  	s2 =	sadd.s32 s2, s0;
	[dreg:$0x8] =	wrdreg s25;
	s25 =	simm.s32 $0x1  }
0x1d: {  	[dreg:$0x5] =	wrdreg s2;
	s2 =	sadd.s32 s21, s0;
	s21 =	simm.s32 $0x1BC80  }
0x1e: {  	v0 =	vimm.f32 $0.0e+00;
	s0 =	simm.s32 $0x7;
	[dreg:$0x6] =	wrdreg s2;
	s2 =	simm.s32 $0x3  }
.LBB2_1:
0x1f: {  	[dreg:$0x14] =	wrdreg s6;
	s6 =	simm.s32 $0x0;
	s12 =	simm.s32 $0x200  }
.LBB2_2:
0x20: {  	p0 =	sne.s32 s12, $0xFE00;
	[tilespmem:s6+$0x13C70] =	vst v0  }
0x21: {  	[tilespmem:s6+$0x13C00] =	vst v0  }
0x22: {  	[tilespmem:s6+$0x13C10] =	vst v0  }
.Ltmp0:
0x23: {  	[tilespmem:s6+$0x13C20] =	vst v0;
	(pc) =	sbr.rel @p0 .LBB2_2-.Ltmp0, $4  }
0x24: {  	[tilespmem:s6+$0x13C30] =	vst v0  }
0x25: {  	[tilespmem:s6+$0x13C40] =	vst v0  }
0x26: {  	[tilespmem:s6+$0x13C50] =	vst v0  }
0x27: {  	[tilespmem:s6+$0x13C60] =	vst v0;
	s6 =	sshra.s32 s12, $0x2;
	s12 =	sadd.s32 $0x200, s12  }
0x28: {  	[tilespmem:s6+$0x13C70] =	vst v0  }
0x29: {  	[tilespmem:s6+$0x13C00] =	vst v0  }
0x2a: {  	[tilespmem:s6+$0x13C10] =	vst v0  }
0x2b: {  	[tilespmem:s6+$0x13C20] =	vst v0  }
0x2c: {  	[tilespmem:s6+$0x13C30] =	vst v0  }
0x2d: {  	[tilespmem:s6+$0x13C40] =	vst v0  }
0x2e: {  	[tilespmem:s6+$0x13C50] =	vst v0  }
0x2f: {  	[tilespmem:s6+$0x13C60] =	vst v0  }
0x30: {  	[spmem:s13] =	stream.linear.scatter [tilespmem:s17], [sflag:$0x9], $0x4000, $0x38;
	[tilespmem:$0x1C000] =	vst v63  }
0x31: {  	_ =	swait.ge [sflag:s11], $0x4000  }
0x32: {  	[sflag:s11] =	ssyncset.done $0x0  }
0x33: {  	s5 =	rddreg [dreg:$0x11];
	[sflag:s11] =	ssyncadd.s32 $0xFFFFC000  }
0x34: {  	[spmem:s5] =	stream.linear.scatter [tilespmem:s17], [sflag:$0x9], $0x4000, $0x38;
	[tilespmem:$0x1C000] =	vst v63  }
0x35: {  	_ =	swait.ge [sflag:s11], $0x4000  }
0x36: {  	[sflag:s11] =	ssyncset.done $0x0  }
0x37: {  	s23 =	rddreg [dreg:$0x12];
	[sflag:s11] =	ssyncadd.s32 $0xFFFFC000  }
0x38: {  	[spmem:s23] =	stream.linear.scatter [tilespmem:s17], [sflag:$0x9], $0x4000, $0x38;
	[tilespmem:$0x1C000] =	vst v63  }
0x39: {  	_ =	swait.ge [sflag:s11], $0x4000  }
0x3a: {  	[sflag:s11] =	ssyncset.done $0x0  }
0x3b: {  	s6 =	rddreg [dreg:$0x13];
	[sflag:s11] =	ssyncadd.s32 $0xFFFFC000  }
0x3c: {  	[spmem:s6] =	stream.linear.scatter [tilespmem:s17], [sflag:$0x9], $0x4000, $0x38;
	[tilespmem:$0x1C000] =	vst v63  }
0x3d: {  	_ =	swait.ge [sflag:s11], $0x4000  }
0x3e: {  	[sflag:s11] =	ssyncset.done $0x0  }
0x3f: {  	s12 =	rddreg [dreg:$0xb];
	[sflag:s11] =	ssyncadd.s32 $0xFFFFC000  }
0x40: {  	[spmem:s12] =	stream.linear.scatter [tilespmem:s17], [sflag:$0x9], $0x3C00, $0x38;
	[tilespmem:$0x1C000] =	vst v63  }
0x41: {  	_ =	swait.ge [sflag:s11], $0x3C00  }
0x42: {  	[sflag:s11] =	ssyncset.done $0x0  }
0x43: {  	[sflag:s11] =	ssyncadd.s32 $0xFFFFC400  }
0x44: {  	[bflag:$0x0] =	sbarrier.arrive $0xFFFF  }
0x45: {  	s14 =	simm.s32 $0x1BC00;
	s12 =	simm.s32 $0x0;
	s13 =	rddreg [dreg:$0xa]  }
0x46: {  	[tilespmem:s14], [sflag:$0x5] =	stream.linear.gather [hbm4b:s13+s12], $0x80, $0x38;
	[tilespmem:$0x1C000] =	vst v63  }
0x47: {  	s15 =	rddreg [dreg:$0xc]  }
0x48: {  	[tilespmem:s20], [sflag:$0x5] =	stream.linear.gather [hbm4b:s15+s12], $0x80, $0x38;
	[tilespmem:$0x1C000] =	vst v63  }
0x49: {  	s18 =	rddreg [dreg:$0xd]  }
0x4a: {  	[tilespmem:s21], [sflag:$0x6] =	stream.linear.gather [hbm4b:s18+s12], $0x80, $0x38;
	[tilespmem:$0x1C000] =	vst v63  }
0x4b: {  	s23 =	simm.s32 $0x5;
	s19 =	rddreg [dreg:$0xe]  }
0x4c: {  	[tilespmem:s22], [sflag:$0x6] =	stream.linear.gather [hbm4b:s19+s12], $0x80, $0x38;
	[tilespmem:$0x1C000] =	vst v63  }
0x4d: {  	_ =	swait.ge [sflag:s23], $0x80  }
0x4e: {  	[sflag:s23] =	ssyncset.done $0x0  }
0x4f: {  	[sflag:s23] =	ssyncadd.s32 $0xFFFFFF80  }
0x50: {  	_ =	swait.ge [sflag:s23], $0x80  }
0x51: {  	[sflag:s23] =	ssyncset.done $0x0  }
0x52: {  	[sflag:s23] =	ssyncadd.s32 $0xFFFFFF80  }
0x53: {  	[tilespmem:s17], [sflag:$0x1] =	stream.indirect.gather [hbm4b:s1+s24], $0x80, s14, s24, $0xb8;
	[tilespmem:$0x1C000] =	vst v63  }
0x54: {  	_ =	swait.ge [sflag:s25], $0x4000  }
0x55: {  	[sflag:s25] =	ssyncset.done $0x0  }
0x56: {  	[sflag:s25] =	ssyncadd.s32 $0xFFFFC000  }
0x57: {  	[spmem:s3] =	stream.indirect.scatter.add.f32 [tilespmem:s17], [sflag:$0x3], $0x80, s20, s24, $0xb8;
	[tilespmem:$0x1C000] =	vst v63  }
0x58: {  	_ =	swait.ge [sflag:s26], $0x80  }
0x59: {  	[sflag:s26] =	ssyncset.done $0x0  }
0x5a: {  	[sflag:s26] =	ssyncadd.s32 $0xFFFFFF80  }
0x5b: {  	_ =	swait.ge [sflag:s26], $0x80  }
0x5c: {  	p0 =	por $0x1, $0x1;
	[sflag:s26] =	ssyncset.done $0x0  }
0x5d: {  	s6 =	simm.s32 @!p0 $0x4;
	[sflag:s26] =	ssyncadd.s32 $0xFFFFFF80  }
0x5e: {  	_ =	swait.ge @!p0 [sflag:s6], $0x4000  }
0x5f: {  	[sflag:s6] =	ssyncset.done @!p0 $0x0  }
0x60: {  	s11 =	rddreg [dreg:$0x8];
	[sflag:s6] =	ssyncadd.s32 @!p0 $0xFFFFC000  }
0x61: {  	[tilespmem:s28], [sflag:$0x2] =	stream.indirect.gather [hbm4b:s1+s24], $0x80, s21, s24, $0xb8;
	[tilespmem:$0x1C000] =	vst v63  }
0x62: {  	s15 =	sadd.s32 $0x0, s16;
	s14 =	sadd.s32 $0x0, s11  }
0x63: {  	[tilespmem:s29], [sflag:$0x7] =	stream.linear.gather [hbm4b:s14+s4], $0x80, $0x38;
	[tilespmem:$0x1C000] =	vst v63  }
0x64: {  	s18 =	sadd.s32 $0xA020, s15  }
0x65: {  	[tilespmem:s30], [sflag:$0x7] =	stream.linear.gather [hbm4b:s18+s4], $0x80, $0x38;
	[tilespmem:$0x1C000] =	vst v63  }
0x66: {  	_ =	swait.ge [sflag:s31], $0x4000  }
0x67: {  	[sflag:s31] =	ssyncset.done $0x0  }
0x68: {  	[sflag:s31] =	ssyncadd.s32 $0xFFFFC000  }
0x69: {  	[spmem:s3] =	stream.indirect.scatter.add.f32 [tilespmem:s28], [sflag:$0x4], $0x80, s22, s24, $0xb8;
	[tilespmem:$0x1C000] =	vst v63  }
0x6a: {  	_ =	swait.ge [sflag:s0], $0x80  }
0x6b: {  	[sflag:s0] =	ssyncset.done $0x0  }
0x6c: {  	[sflag:s0] =	ssyncadd.s32 $0xFFFFFF80  }
0x6d: {  	_ =	swait.ge [sflag:s0], $0x80  }
0x6e: {  	[sflag:s0] =	ssyncset.done $0x0  }
0x6f: {  	[sflag:s0] =	ssyncadd.s32 $0xFFFFFF80  }
0x70: {  	_ =	swait.ge [sflag:s2], $0x4000  }
0x71: {  	[sflag:s2] =	ssyncset.done $0x0  }
0x72: {  	s19 =	rddreg [dreg:$0x7];
	[sflag:s2] =	ssyncadd.s32 $0xFFFFC000  }
0x73: {  	[tilespmem:s17], [sflag:$0x1] =	stream.indirect.gather [hbm4b:s1+s24], $0x80, s29, s24, $0xb8;
	[tilespmem:$0x1C000] =	vst v63  }
0x74: {  	s6 =	sadd.s32 $0x0, s19  }
0x75: {  	[tilespmem:s7], [sflag:$0x8] =	stream.linear.gather [hbm4b:s6+s4], $0x80, $0x38;
	[tilespmem:$0x1C000] =	vst v63  }
0x76: {  	s23 =	sadd.s32 $0xA030, s15  }
0x77: {  	[tilespmem:s8], [sflag:$0x8] =	stream.linear.gather [hbm4b:s23+s4], $0x80, $0x38;
	[tilespmem:$0x1C000] =	vst v63  }
0x78: {  	_ =	swait.ge [sflag:s25], $0x4000  }
0x79: {  	[sflag:s25] =	ssyncset.done $0x0  }
0x7a: {  	[sflag:s25] =	ssyncadd.s32 $0xFFFFC000  }
0x7b: {  	[spmem:s3] =	stream.indirect.scatter.add.f32 [tilespmem:s17], [sflag:$0x3], $0x80, s30, s24, $0xb8;
	[tilespmem:$0x1C000] =	vst v63  }
0x7c: {  	_ =	swait.ge [sflag:s9], $0x80  }
0x7d: {  	[sflag:s9] =	ssyncset.done $0x0  }
0x7e: {  	[sflag:s9] =	ssyncadd.s32 $0xFFFFFF80  }
0x7f: {  	_ =	swait.ge [sflag:s9], $0x80  }
0x80: {  	[sflag:s9] =	ssyncset.done $0x0  }
0x81: {  	[sflag:s9] =	ssyncadd.s32 $0xFFFFFF80  }
0x82: {  	_ =	swait.ge [sflag:s10], $0x4000  }
0x83: {  	p0 =	por $0x0, $0x0;
	[sflag:s10] =	ssyncset.done $0x0  }
0x84: {  	s13 =	simm.s32 @!p0 $0x0;
	s6 =	rddreg [dreg:$0x6];
	[sflag:s10] =	ssyncadd.s32 $0xFFFFC000  }
0x85: {  	[tilespmem:s28], [sflag:$0x2] =	stream.indirect.gather [hbm4b:s1+s24], $0x80, s7, s24, $0xb8;
	[tilespmem:$0x1C000] =	vst v63  }
0x86: {  	s14 =	simm.s32 @!p0 $0x1BC00;
	s19 =	sadd.s32 @!p0 $0x0, s16;
	s6 =	sadd.s32 @!p0 $0x0, s6  }
0x87: {  	[tilespmem:s14], [sflag:$0x5] =	stream.linear.gather @!p0 [hbm4b:s6+s13], $0x80, $0x38;
	[tilespmem:$0x1C000] =	vst v63  }
0x88: {  	s6 =	simm.s32 @!p0 $0x1BE00;
	s14 =	sadd.s32 @!p0 $0xA040, s19  }
0x89: {  	[tilespmem:s6], [sflag:$0x5] =	stream.linear.gather @!p0 [hbm4b:s14+s13], $0x80, $0x38;
	[tilespmem:$0x1C000] =	vst v63  }
0x8a: {  	_ =	swait.ge [sflag:s31], $0x4000  }
0x8b: {  	p1 =	por $0x1, $0x1;
	[sflag:s31] =	ssyncset.done $0x0  }
0x8c: {  	s6 =	simm.s32 @p1 $0x5;
	[sflag:s31] =	ssyncadd.s32 $0xFFFFC000  }
0x8d: {  	[spmem:s3] =	stream.indirect.scatter.add.f32 [tilespmem:s28], [sflag:$0x4], $0x80, s8, s24, $0xb8;
	[tilespmem:$0x1C000] =	vst v63  }
0x8e: {  	_ =	swait.ge @p1 [sflag:s6], $0x80  }
0x8f: {  	[sflag:s6] =	ssyncset.done @p1 $0x0  }
0x90: {  	[sflag:s6] =	ssyncadd.s32 @p1 $0xFFFFFF80  }
0x91: {  	_ =	swait.ge @p1 [sflag:s6], $0x80  }
0x92: {  	[sflag:s6] =	ssyncset.done @p1 $0x0  }
0x93: {  	s13 =	simm.s32 @p1 $0x3;
	[sflag:s6] =	ssyncadd.s32 @p1 $0xFFFFFF80  }
0x94: {  	_ =	swait.ge @p1 [sflag:s13], $0x4000  }
0x95: {  	s19 =	simm.s32 @p1 $0x13C00;
	s6 =	simm.s32 @p1 $0x1BC00;
	[sflag:s13] =	ssyncset.done @p1 $0x0  }
0x96: {  	s14 =	rddreg [dreg:$0x5];
	[sflag:s13] =	ssyncadd.s32 @p1 $0xFFFFC000;
	s13 =	simm.s32 @p1 $0x80  }
0x97: {  	[tilespmem:s19], [sflag:$0x1] =	stream.indirect.gather @p1 [hbm4b:s1+s13], $0x80, s6, s13, $0xb8;
	[tilespmem:$0x1C000] =	vst v63  }
0x98: {  	s14 =	sadd.s32 @p1 $0x0, s14;
	s6 =	simm.s32 @p1 $0x0;
	s13 =	simm.s32 @p1 $0x1BC80  }
0x99: {  	[tilespmem:s13], [sflag:$0x6] =	stream.linear.gather @p1 [hbm4b:s14+s6], $0x80, $0x38;
	[tilespmem:$0x1C000] =	vst v63  }
0x9a: {  	s13 =	sadd.s32 @p1 $0x0, s16  }
0x9b: {  	s14 =	simm.s32 @p1 $0x1BE80;
	s13 =	sadd.s32 @p1 $0xA050, s13  }
0x9c: {  	[tilespmem:s14], [sflag:$0x6] =	stream.linear.gather @p1 [hbm4b:s13+s6], $0x80, $0x38;
	[tilespmem:$0x1C000] =	vst v63  }
0x9d: {  	s14 =	simm.s32 @!p1 $0x3  }
0x9e: {  	s13 =	simm.s32 $0x40;
	_ =	swait.ge @!p1 [sflag:s14], $0x4000  }
.LBB2_4:
0x9f: {  	[sflag:s14] =	ssyncset.done @!p1 $0x0  }
0xa0: {  	[sflag:s14] =	ssyncadd.s32 @!p1 $0xFFFFC000  }
0xa1: {  	_ =	swait.ge [sflag:s25], $0x4000  }
0xa2: {  	[sflag:s25] =	ssyncset.done $0x0  }
0xa3: {  	[sflag:s25] =	ssyncadd.s32 $0xFFFFC000  }
0xa4: {  	[spmem:s3] =	stream.indirect.scatter.add.f32 [tilespmem:s17], [sflag:$0x3], $0x80, s20, s24, $0xb8;
	[tilespmem:$0x1C000] =	vst v63  }
0xa5: {  	_ =	swait.ge [sflag:s26], $0x80  }
0xa6: {  	[sflag:s26] =	ssyncset.done $0x0  }
0xa7: {  	[sflag:s26] =	ssyncadd.s32 $0xFFFFFF80  }
0xa8: {  	s6 =	smov.u32 s13;
	_ =	swait.ge [sflag:s26], $0x80  }
0xa9: {  	p1 =	seq.s32 s6, $0x0;
	[sflag:s26] =	ssyncset.done $0x0  }
0xaa: {  	s14 =	simm.s32 @!p1 $0x4;
	[sflag:s26] =	ssyncadd.s32 $0xFFFFFF80  }
0xab: {  	_ =	swait.ge @!p1 [sflag:s14], $0x4000  }
0xac: {  	[sflag:s14] =	ssyncset.done @!p1 $0x0  }
0xad: {  	s19 =	rddreg [dreg:$0x8];
	[sflag:s14] =	ssyncadd.s32 @!p1 $0xFFFFC000  }
0xae: {  	[tilespmem:s28], [sflag:$0x2] =	stream.indirect.gather [hbm4b:s1+s24], $0x80, s21, s24, $0xb8;
	[tilespmem:$0x1C000] =	vst v63  }
0xaf: {  	s11 =	sadd.s32 s6, s16;
	s5 =	sadd.s32 s6, s19  }
0xb0: {  	[tilespmem:s29], [sflag:$0x7] =	stream.linear.gather [hbm4b:s5+s4], $0x80, $0x38;
	[tilespmem:$0x1C000] =	vst v63  }
0xb1: {  	s15 =	sadd.s32 $0xA020, s11  }
0xb2: {  	[tilespmem:s30], [sflag:$0x7] =	stream.linear.gather [hbm4b:s15+s4], $0x80, $0x38;
	[tilespmem:$0x1C000] =	vst v63  }
0xb3: {  	_ =	swait.ge [sflag:s31], $0x4000  }
0xb4: {  	[sflag:s31] =	ssyncset.done $0x0  }
0xb5: {  	[sflag:s31] =	ssyncadd.s32 $0xFFFFC000  }
0xb6: {  	[spmem:s3] =	stream.indirect.scatter.add.f32 [tilespmem:s28], [sflag:$0x4], $0x80, s22, s24, $0xb8;
	[tilespmem:$0x1C000] =	vst v63  }
0xb7: {  	_ =	swait.ge [sflag:s0], $0x80  }
0xb8: {  	[sflag:s0] =	ssyncset.done $0x0  }
0xb9: {  	[sflag:s0] =	ssyncadd.s32 $0xFFFFFF80  }
0xba: {  	_ =	swait.ge [sflag:s0], $0x80  }
0xbb: {  	[sflag:s0] =	ssyncset.done $0x0  }
0xbc: {  	[sflag:s0] =	ssyncadd.s32 $0xFFFFFF80  }
0xbd: {  	_ =	swait.ge [sflag:s2], $0x4000  }
0xbe: {  	[sflag:s2] =	ssyncset.done $0x0  }
0xbf: {  	s18 =	rddreg [dreg:$0x7];
	[sflag:s2] =	ssyncadd.s32 $0xFFFFC000  }
0xc0: {  	[tilespmem:s17], [sflag:$0x1] =	stream.indirect.gather [hbm4b:s1+s24], $0x80, s29, s24, $0xb8;
	[tilespmem:$0x1C000] =	vst v63  }
0xc1: {  	s14 =	sadd.s32 s6, s18  }
0xc2: {  	[tilespmem:s7], [sflag:$0x8] =	stream.linear.gather [hbm4b:s14+s4], $0x80, $0x38;
	[tilespmem:$0x1C000] =	vst v63  }
0xc3: {  	s23 =	sadd.s32 $0xA030, s11  }
0xc4: {  	[tilespmem:s8], [sflag:$0x8] =	stream.linear.gather [hbm4b:s23+s4], $0x80, $0x38;
	[tilespmem:$0x1C000] =	vst v63  }
0xc5: {  	_ =	swait.ge [sflag:s25], $0x4000  }
0xc6: {  	[sflag:s25] =	ssyncset.done $0x0  }
0xc7: {  	[sflag:s25] =	ssyncadd.s32 $0xFFFFC000  }
0xc8: {  	[spmem:s3] =	stream.indirect.scatter.add.f32 [tilespmem:s17], [sflag:$0x3], $0x80, s30, s24, $0xb8;
	[tilespmem:$0x1C000] =	vst v63  }
0xc9: {  	_ =	swait.ge [sflag:s9], $0x80  }
0xca: {  	[sflag:s9] =	ssyncset.done $0x0  }
0xcb: {  	[sflag:s9] =	ssyncadd.s32 $0xFFFFFF80  }
0xcc: {  	_ =	swait.ge [sflag:s9], $0x80  }
0xcd: {  	[sflag:s9] =	ssyncset.done $0x0  }
0xce: {  	[sflag:s9] =	ssyncadd.s32 $0xFFFFFF80  }
0xcf: {  	_ =	swait.ge [sflag:s10], $0x4000  }
0xd0: {  	p1 =	seq.s32 s6, $0x4C0;
	[sflag:s10] =	ssyncset.done $0x0  }
0xd1: {  	s19 =	simm.s32 @!p1 $0x0;
	s14 =	rddreg [dreg:$0x6];
	[sflag:s10] =	ssyncadd.s32 $0xFFFFC000  }
0xd2: {  	[tilespmem:s28], [sflag:$0x2] =	stream.indirect.gather [hbm4b:s1+s24], $0x80, s7, s24, $0xb8;
	[tilespmem:$0x1C000] =	vst v63  }
0xd3: {  	s5 =	sadd.s32 @!p1 s6, s16;
	s15 =	simm.s32 @!p1 $0x1BC00;
	s14 =	sadd.s32 @!p1 s6, s14  }
0xd4: {  	[tilespmem:s15], [sflag:$0x5] =	stream.linear.gather @!p1 [hbm4b:s14+s19], $0x80, $0x38;
	[tilespmem:$0x1C000] =	vst v63  }
0xd5: {  	s5 =	sadd.s32 @!p1 $0xA040, s5;
	s23 =	simm.s32 @!p1 $0x1BE00  }
0xd6: {  	[tilespmem:s23], [sflag:$0x5] =	stream.linear.gather @!p1 [hbm4b:s5+s19], $0x80, $0x38;
	[tilespmem:$0x1C000] =	vst v63  }
0xd7: {  	s12 =	sadd.s32 $0x1, s12;
	_ =	swait.ge [sflag:s31], $0x4000  }
0xd8: {  	p1 =	slt.u32 s12, $0x13;
	[sflag:s31] =	ssyncset.done $0x0  }
0xd9: {  	s5 =	simm.s32 @p1 $0x5;
	[sflag:s31] =	ssyncadd.s32 $0xFFFFC000  }
0xda: {  	[spmem:s3] =	stream.indirect.scatter.add.f32 [tilespmem:s28], [sflag:$0x4], $0x80, s8, s24, $0xb8;
	[tilespmem:$0x1C000] =	vst v63  }
0xdb: {  	_ =	swait.ge @p1 [sflag:s5], $0x80  }
0xdc: {  	[sflag:s5] =	ssyncset.done @p1 $0x0  }
0xdd: {  	[sflag:s5] =	ssyncadd.s32 @p1 $0xFFFFFF80  }
0xde: {  	_ =	swait.ge @p1 [sflag:s5], $0x80  }
0xdf: {  	s13 =	sadd.s32 $0x40, s13;
	s14 =	sadd.s32 @p1 s6, s16;
	[sflag:s5] =	ssyncset.done @p1 $0x0  }
0xe0: {  	s15 =	sadd.s32 @p1 $0xA050, s14;
	s14 =	simm.s32 @p1 $0x3;
	[sflag:s5] =	ssyncadd.s32 @p1 $0xFFFFFF80  }
0xe1: {  	p0 =	sne.s32 s13, $0x500;
	s19 =	simm.s32 @p1 $0x13C00;
	_ =	swait.ge @p1 [sflag:s14], $0x4000  }
0xe2: {  	s23 =	simm.s32 @p1 $0x80;
	s18 =	simm.s32 @p1 $0x0;
	[sflag:s14] =	ssyncset.done @p1 $0x0  }
0xe3: {  	s5 =	simm.s32 @p1 $0x1BC00;
	s11 =	rddreg [dreg:$0x5];
	[sflag:s14] =	ssyncadd.s32 @p1 $0xFFFFC000  }
0xe4: {  	[tilespmem:s19], [sflag:$0x1] =	stream.indirect.gather @p1 [hbm4b:s1+s23], $0x80, s5, s23, $0xb8;
	[tilespmem:$0x1C000] =	vst v63  }
.Ltmp1:
0xe5: {  	s14 =	simm.s32 @p1 $0x1BC80;
	s5 =	sadd.s32 @p1 s6, s11;
	(pc) =	sbr.rel @p0 .LBB2_4-.Ltmp1, $4  }
0xe6: {  	[tilespmem:s14], [sflag:$0x6] =	stream.linear.gather @p1 [hbm4b:s5+s18], $0x80, $0x38;
	[tilespmem:$0x1C000] =	vst v63  }
0xe7: {  	s6 =	simm.s32 @p1 $0x1BE80;
	s14 =	simm.s32 @!p1 $0x3  }
0xe8: {  	[tilespmem:s6], [sflag:$0x6] =	stream.linear.gather @p1 [hbm4b:s15+s18], $0x80, $0x38;
	[tilespmem:$0x1C000] =	vst v63  }
0xe9: {  	_ =	swait.ge @!p1 [sflag:s14], $0x4000  }
0xea: {  	[sflag:s14] =	ssyncset.done @!p1 $0x0  }
0xeb: {  	[sflag:s14] =	ssyncadd.s32 @!p1 $0xFFFFC000  }
0xec: {  	_ =	swait.ge [sflag:s10], $0x4000  }
0xed: {  	[sflag:s10] =	ssyncset.done $0x0  }
0xee: {  	[sflag:s10] =	ssyncadd.s32 $0xFFFFC000  }
0xef: {  	s5 =	stileid.u32;
	[bflag:$0x0] =	sbarrier.arrive $0xFFFF  }
0xf0: {  	s5 =	sshll.u32 s5, $0x6;
	s13 =	rddreg [dreg:$0x9]  }
0xf1: {  	s5 =	sor.u32 $0x1C09, s5;
	s11 =	rddreg [dreg:$0xf];
	s6 =	sshrl.u32 s13, $0x3  }
0xf2: {  	[hbm:s11], [sflag:s5] =	dma.local [spmem:s6], $0x2780  }
0xf3: {  	s11 =	simm.s32 $0x9  }
0xf4: {  	_ =	swait.ge [sflag:s11], $0x2780  }
0xf5: {  	s19 =	rddreg [dreg:$0x14]  }
0xf6: {  	s23 =	rddreg [dreg:$0x10];
	s6 =	sadd.s32 $0x1, s19  }
0xf7: {  	p0 =	sne.s32 s6, s23  }
.Ltmp2:
0xf8: {  	_ = 	snop;
	(pc) =	sbr.rel @p0 .LBB2_1-.Ltmp2, $3  }
0xf9: {  	_ =	sdelay $0x1  }
0xfa: {  	[sflag:s11] =	ssyncset.done $0x0  }
0xfb: {  	[sflag:s11] =	ssyncadd.s32 $0xFFFFD880  }
0xfc: {  	_ =	sfence.sel $0x180000  }
0xfd: {  	[bflag:$0x0] =	sbarrier.arrive $0xFFFF  }
0xfe: {  	_ =	strace $0x9000004A  }
0xff: {  	s0 =	stileid.u32;
	[bflag:$0x2] =	sbarrier.arrive $0xFFFF  }
0x100: {  	p0 =	sne.s32 s0, $0x0;
	s0 =	rddreg [dreg:$0x4]  }
0x101: {  	s0 =	sadd.s32 @!p0 $0x100000, s0  }
0x102: {  	[sflag:s0] =	ssyncadd.tile.s32 @!p0 $0x1;
	_ =	shalt  }
.Lfunc_end2:
_tile_overlayer_lowered:
.L_overlay_start_2:
0x103: {  	(tag) =	ssettag $0x2  }
0x104: {  	s0 =	rddreg [dreg:$0x0];
	s2 =	stileid.u32  }
0x105: {  	s1 =	rddreg [dreg:$0x1];
	p0 =	sne.s32 s2, $0x0  }
0x106: {  	s3 =	rddreg [dreg:$0x2];
	[bflag:$0x3] =	sbarrier.arrive $0xFFFF;
	s2 =	simm.s32 @!p0 $0x1C09  }
0x107: {  	[timem:s3], [sflag:s2] =	dma.local @!p0 [hbm:s0], s1  }
0x108: {  	s0 =	simm.s32 @!p0 $0x9  }
0x109: {  	_ =	swait.ge @!p0 [sflag:s0], s1  }
0x10a: {  	s1 =	ssub.s32 @!p0 $0x0, s1;
	[sflag:s0] =	ssyncset.done @!p0 $0x0  }
0x10b: {  	[sflag:s0] =	ssyncadd.s32 @!p0 s1  }
0x10c: {  	[bflag:$0x3] =	sbarrier.arrive $0xFFFF  }
0x10d: {  	_ =	shalt  }

// kernel: kernel.14.cloned.1.call-start
scs
__scs_entry_jumppad:
0x0: {  	(pc) =	sbr.rel $0x88, $3  }
0x1: {  	(tag) =	ssettag $0x0;
	lr =	simm.s32 $0x1  }
0x2: {  	[smem:$0x3F9B] =	sst lr;
	_ =	strace $0xD0000000  }
0x3: {  	_ = 	snop  }
0x4: {  	_ = 	snop  }
0x5: {  	_ = 	snop  }
0x6: {  	_ = 	snop  }
0x7: {  	_ = 	snop  }
__scs_overlays_trampoline_lowered:
0x8: {  	[smem:$0x3FAA] =	sst s0  }
0x9: {  	[smem:$0x3FAB] =	sst s1  }
0xa: {  	[smem:$0x3FAC] =	sst s2  }
0xb: {  	[smem:$0x3FAD] =	sst s3  }
0xc: {  	[smem:$0x3FAE] =	sst s4  }
0xd: {  	[smem:$0x3FAF] =	sst s5  }
0xe: {  	[smem:$0x3FB0] =	sst s6  }
0xf: {  	[smem:$0x3FB1] =	sst s7  }
0x10: {  	[smem:$0x3FB2] =	sst s8  }
0x11: {  	[smem:$0x3FB3] =	sst s9;
	s0 =	simm.s32 @!p0 $0x0  }
0x12: {  	s1 =	sld [smem:$0x3F99];
	s0 =	simm.s32 @p0 $0x1  }
0x13: {  	[smem:$0x3FB4] =	sst s0;
	s0 =	simm.s32 @!p1 $0x0  }
0x14: {  	s2 =	sld [smem:$0x3F98];
	s0 =	simm.s32 @p1 $0x1  }
0x15: {  	[smem:$0x3FB5] =	sst s0;
	s0 =	simm.s32 @!p2 $0x0  }
0x16: {  	s3 =	sld [smem:$0x3FDB];
	s0 =	simm.s32 @p2 $0x1  }
0x17: {  	s4 =	simm.s32 $0x1BF5;
	[smem:$0x3FB7] =	sst s0  }
0x18: {  	s0 =	sld [smem:$0x3F9A];
	_ =	swait.ge [sflag:s4], $0x0  }
0x19: {  	s7 =	sld [smem:$0x3F9B]  }
0x1a: {  	s8 =	sadd.s32 $0xFFFFE003, lr  }
0x1b: {  	s9 =	sadd.s32 $0xFFFFFEF7, lr;
	s5 =	simm.s32 $0xFFFFFFFF;
	p2 =	slt.u32 s8, $0xFFFFF086  }
0x1c: {  	p1 =	slt.u32 s9, $0xF7A;
	s5 =	simm.s32 @!p2 $0x0  }
0x1d: {  	s5 =	simm.s32 @p1 $0x1;
	p0 =	seq.s32 s7, s2  }
0x1e: {  	s7 =	smul.u32 @!p0 $0xF7A, s2;
	p2 =	seq.s32 @!p0 s5, $0x0  }
0x1f: {  	s9 =	smul.u32 $0xF7A, s1;
	s8 =	simm.s32 @!p0 $0x1BF5;
	p2 =	por !p2, p0  }
0x20: {  	[sflag:s8] =	ssyncset.s32 @!p0 $0xFFFFF086;
	s6 =	sadd.s32 @!p0 s3, s7;
	s7 =	simm.s32 @!p0 $0x108  }
0x21: {  	s3 =	sadd.s32 s3, s9;
	s6 =	sadd.s32 @!p0 $0x88, s6;
	s7 =	simm.s32 @p2 $0x1082  }
0x22: {  	[simem:s7], [sflag:s8] =	dma.local @!p0 [hbm:s6], $0xF7A  }
0x23: {  	s9 =	sor.u32 $0xD0000000, s2;
	s6 =	simm.s32 $0x108;
	_ =	swait.ge @!p0 [sflag:s8], $0x0  }
0x24: {  	s3 =	sadd.s32 $0x88, s3;
	s6 =	simm.s32 @!p1 $0x1082;
	[sflag:s4] =	ssyncset.s32 $0xFFFFF086  }
0x25: {  	[simem:s6], [sflag:s4] =	dma.local [hbm:s3], $0xF7A  }
0x26: {  	[smem:$0x3F9B] =	sst s1;
	(tag) =	ssettag s2;
	_ =	strace s9  }
0x27: {  	s1 =	sld [smem:$0x3FAB]  }
0x28: {  	s2 =	sld [smem:$0x3FAC]  }
0x29: {  	s4 =	sld [smem:$0x3FAE]  }
0x2a: {  	p0 =	seq.s32 s5, $0x0;
	s5 =	sld [smem:$0x3FAF]  }
0x2b: {  	s6 =	sld [smem:$0x3FB0]  }
0x2c: {  	s7 =	sld [smem:$0x3FB1]  }
0x2d: {  	s3 =	simm.s32 $0x108;
	s8 =	sld [smem:$0x3FB2]  }
0x2e: {  	s3 =	simm.s32 @!p0 $0x1082;
	s9 =	sld [smem:$0x3FB3]  }
0x2f: {  	lr =	sadd.s32 s0, s3;
	s0 =	sld [smem:$0x3FAA]  }
0x30: {  	s3 =	sld [smem:$0x3FAD]  }
0x31: {  	[smem:$0x3FB6] =	sst s10  }
0x32: {  	s10 =	sld [smem:$0x3FB4];
	_ =	sdelay $0x3  }
0x33: {  	p0 =	seq.s32 s10, $0x1;
	s10 =	sld [smem:$0x3FB6];
	_ =	sdelay $0x3  }
0x34: {  	[smem:$0x3FB6] =	sst s10  }
0x35: {  	s10 =	sld [smem:$0x3FB5];
	_ =	sdelay $0x3  }
0x36: {  	p1 =	seq.s32 s10, $0x1;
	s10 =	sld [smem:$0x3FB6];
	_ =	sdelay $0x3  }
0x37: {  	[smem:$0x3FB6] =	sst s10  }
0x38: {  	s10 =	sld [smem:$0x3FB7]  }
0x39: {  	_ = 	snop;
	(pc) =	sbr.ind lr, $3  }
0x3a: {  	_ = 	snop  }
0x3b: {  	_ = 	snop  }
0x3c: {  	p2 =	seq.s32 s10, $0x1;
	s10 =	sld [smem:$0x3FB6]  }
0x3d: {  	_ =	shalt  }
0x3e: {  	_ =	shalt  }
0x3f: {  	_ =	shalt  }
0x40: {  	_ =	shalt  }
0x41: {  	_ =	shalt  }
0x42: {  	_ =	shalt  }
0x43: {  	_ =	shalt  }
0x44: {  	_ =	shalt  }
0x45: {  	_ =	shalt  }
0x46: {  	_ =	shalt  }
0x47: {  	_ =	shalt  }
0x48: {  	_ =	shalt  }
0x49: {  	_ =	shalt  }
0x4a: {  	_ =	shalt  }
0x4b: {  	_ =	shalt  }
0x4c: {  	_ =	shalt  }
0x4d: {  	_ =	shalt  }
0x4e: {  	_ =	shalt  }
0x4f: {  	_ =	shalt  }
0x50: {  	_ =	shalt  }
0x51: {  	_ =	shalt  }
0x52: {  	_ =	shalt  }
0x53: {  	_ =	shalt  }
0x54: {  	_ =	shalt  }
0x55: {  	_ =	shalt  }
0x56: {  	_ =	shalt  }
0x57: {  	_ =	shalt  }
0x58: {  	_ =	shalt  }
0x59: {  	_ =	shalt  }
0x5a: {  	_ =	shalt  }
0x5b: {  	_ =	shalt  }
0x5c: {  	_ =	shalt  }
0x5d: {  	_ =	shalt  }
0x5e: {  	_ =	shalt  }
0x5f: {  	_ =	shalt  }
0x60: {  	_ =	shalt  }
0x61: {  	_ =	shalt  }
0x62: {  	_ =	shalt  }
0x63: {  	_ =	shalt  }
0x64: {  	_ =	shalt  }
0x65: {  	_ =	shalt  }
0x66: {  	_ =	shalt  }
0x67: {  	_ =	shalt  }
0x68: {  	_ =	shalt  }
0x69: {  	_ =	shalt  }
0x6a: {  	_ =	shalt  }
0x6b: {  	_ =	shalt  }
0x6c: {  	_ =	shalt  }
0x6d: {  	_ =	shalt  }
0x6e: {  	_ =	shalt  }
0x6f: {  	_ =	shalt  }
0x70: {  	_ =	shalt  }
0x71: {  	_ =	shalt  }
0x72: {  	_ =	shalt  }
0x73: {  	_ =	shalt  }
0x74: {  	_ =	shalt  }
0x75: {  	_ =	shalt  }
0x76: {  	_ =	shalt  }
0x77: {  	_ =	shalt  }
0x78: {  	_ =	shalt  }
0x79: {  	_ =	shalt  }
0x7a: {  	_ =	shalt  }
0x7b: {  	_ =	shalt  }
0x7c: {  	_ =	shalt  }
0x7d: {  	_ =	shalt  }
0x7e: {  	_ =	shalt  }
0x7f: {  	_ =	shalt  }
0x80: {  	_ =	shalt  }
0x81: {  	_ =	shalt  }
0x82: {  	_ =	shalt  }
0x83: {  	_ =	shalt  }
0x84: {  	_ =	shalt  }
0x85: {  	_ =	shalt  }
0x86: {  	_ =	shalt  }
0x87: {  	_ =	shalt  }
.Lfunc_end0:
.L_simem_size_0:
called_computation.2_lowered:
.L_overlay_start_0:
0x88: {  	s2 =	sld [smem:$0x3FD9]  }
0x89: {  	s3 =	sld [smem:$0x3FFE];
	_ =	sdelay $0x1  }
0x8a: {  	s1 =	srdreg.scid  }
0x8b: {  	s0 =	sand.u32 $0x1, s1  }
0x8c: {  	s14 =	sshll.u32 s0, $0xA;
	s2 =	sadd.s32 s3, s2  }
0x8d: {  	s2 =	sadd.s32 s2, s14  }
0x8e: {  	[smem:$0x3FC2] =	sst s2  }
0x8f: {  	_ = 	snop  }
0x90: {  	s2 =	sld [smem:$0x3FD0];
	_ =	sdelay $0x2  }
0x91: {  	s15 =	simm.s32 $0xA;
	s4 =	simm.s32 $0x10  }
0x92: {  	[smem:s4], [sflag:s15] =	dma.local [hbm:s2], $0x1  }
0x93: {  	_ =	swait.eq [sflag:s15], $0x1  }
0x94: {  	[sflag:s15] =	ssyncset.done $0x0  }
0x95: {  	s16 =	sld [smem:$0x10];
	[sflag:s15] =	ssyncadd.s32 $0xFFFFFFFF  }
0x96: {  	s17 =	sld [smem:$0x11];
	(tm) =	ssettm $0x1  }
0x97: {  	s18 =	sld [smem:$0x3FFB];
	_ =	sdelay $0x3  }
0x98: {  	_ =	strace s18  }
0x99: {  	s4 =	sld [smem:$0x3FFC];
	_ =	sdelay $0x3  }
0x9a: {  	_ =	strace s4  }
0x9b: {  	s4 =	sld [smem:$0x3FFD];
	_ =	sdelay $0x3  }
0x9c: {  	_ =	strace s4  }
0x9d: {  	_ =	strace $0x8FFFFFFF  }
0x9e: {  	s19 =	sld [smem:$0x3FDB];
	_ =	sdelay $0x1  }
0x9f: {  	s5 =	simm.s32 $_scs_section_size  }
0xa0: {  	s6 =	simm.s32 $_size__tile_overlayer_lowered;
	s7 =	simm.s32 $_tile_overlayer_lowered  }
0xa1: {  	s22 =	simm.s32 $0x1BFF;
	s21 =	sshll.u32 s7, $0x1;
	s4 =	sadd.s32 s5, s19  }
0xa2: {  	s8 =	simm.s32 $0x0;
	s20 =	sshll.u32 s6, $0x1;
	s6 =	sadd.s32 s21, s4  }
0xa3: {  	[timem:s8], [sflag:s22] =	dma.local [hbm:s6], s20  }
0xa4: {  	_ =	swait.ge [sflag:s22], s20  }
0xa5: {  	s5 =	ssub.s32 $0x0, s20;
	[sflag:s22] =	ssyncset.done $0x0  }
0xa6: {  	[sflag:s22] =	ssyncadd.s32 s5;
	_ =	sdelay $0x1  }
0xa7: {  	s23 =	simm.s32 $0x1B8B  }
0xa8: {  	_ =	swait.ge [sflag:s23], $0x1  }
0xa9: {  	[sflag:s23] =	ssyncset.done $0x0  }
0xaa: {  	s25 =	simm.s32 $0x1B8E;
	s24 =	sld [smem:$0x3FFE];
	[sflag:s23] =	ssyncadd.s32 $0xFFFFFFFF  }
0xab: {  	s26 =	simm.s32 $execute0_lowered;
	[smem:$0x3FD2] =	sst s25  }
0xac: {  	s6 =	sshll.u32 s26, $0x1;
	_ =	strace $0x8000004C;
	[dreg:$0x1] =	wrdreg $0xFFFFFFFF  }
0xad: {  	s28 =	simm.s32 $_size_execute0_lowered;
	s4 =	sadd.s32 s4, s6;
	[dreg:$0x0] =	wrdreg $0x0  }
0xae: {  	s6 =	sshll.u32 s28, $0x1;
	[dreg:$0x2] =	wrdreg s4  }
0xaf: {  	[dreg:$0x3] =	wrdreg s6  }
0xb0: {  	[dreg:$0x4] =	wrdreg $0xC0  }
0xb1: {  	_ =	task [dreg:s8], $0x5FFFF  }
0xb2: {  	[dreg:$0x1] =	wrdreg $0xFFFFFFFF  }
0xb3: {  	[dreg:$0x0] =	wrdreg $0x60  }
0xb4: {  	[dreg:$0x2] =	wrdreg s16  }
0xb5: {  	[dreg:$0x3] =	wrdreg s17  }
0xb6: {  	[dreg:$0x4] =	wrdreg s24  }
0xb7: {  	[dreg:$0x5] =	wrdreg $0x0  }
0xb8: {  	[dreg:$0x6] =	wrdreg $0x9  }
0xb9: {  	_ =	task.clear_ibuf [dreg:s8], $0x7FFFF;
	_ =	strace $0x9000004C  }
0xba: {  	s29 =	simm.s32 $0x9;
	_ =	strace $0x8000004E  }
0xbb: {  	_ =	swait.ge [sflag:s29], $0x1  }
0xbc: {  	[sflag:s29] =	ssyncadd.s32 $0xFFFFFFFF  }
0xbd: {  	_ =	strace $0x9000004E  }
0xbe: {  	_ =	sfence  }
0xbf: {  	s30 =	sld [smem:$0x0];
	_ =	sdelay $0x2  }
0xc0: {  	s31 =	sshll.u32 s1, $0xD;
	s1 =	sshrl.u32 s1, $0x2  }
0xc1: {  	s3 =	sand.u32 $0x4000, s31;
	s1 =	sadd.s32 s1, s30  }
0xc2: {  	s0 =	sor.u32 s3, s0;
	s1 =	sshll.u32 s1, $0x11  }
0xc3: {  	s0 =	sor.u32 s1, s0  }
0xc4: {  	s0 =	sadd.s32 $0x8F2B, s0  }
0xc5: {  	[sflag:s0] =	ssyncadd.remote.s32 $0x1  }
0xc6: {  	_ =	sfence.sel $0xFFFF  }
0xc7: {  	[dreg:$0x0] =	wrdreg $0xFFFFFFFF;
	(pc) =	sbr.abs _section_cstart, $3  }
0xc8: {  	[dreg:$0x1] =	wrdreg $0xFFFFFFFF  }
0xc9: {  	_ =	task.clear_ibuf [dreg:s8], $0x2FFFF;
	_ =	strace $0x9FFFFFFF  }
0xca: {  	(tm) =	ssettm $0x7FFFFFFF  }
0xcb: {  	_ =	shalt  }
tec
execute0_lowered:
.L_overlay_start_1:
0x0: {  	(tag) =	ssettag $0x1  }
0x1: {  	s1 =	rddreg [dreg:$0x0]  }
0x2: {  	s0 =	rddreg [dreg:$0x1]  }
0x3: {  	s2 =	rddreg [dreg:$0x2]  }
0x4: {  	s3 =	rddreg [dreg:$0x3];
	s11 =	stileid.u32  }
0x5: {  	s5 =	srdreg.scid;
	s4 =	simm.s32 $0x0;
	s6 =	smul.u32 $0x2780, s11  }
0x6: {  	s28 =	simm.s32 $0x17C00;
	s29 =	simm.s32 $0x1BD00;
	s8 =	smul.u32 $0x2800, s11  }
0x7: {  	s30 =	simm.s32 $0x1BF00;
	s31 =	simm.s32 $0x2;
	s10 =	smul.u32 $0x4F000, s11  }
0x8: {  	s5 =	sand.u32 $0x1, s5;
	[smem:$0x7FF] =	sst s4;
	s19 =	smul.u32 $0x500, s11  }
0x9: {  	s11 =	simm.s32 $0x9;
	s7 =	smul.u32 $0x28000, s5;
	s5 =	ssub.s32 $0x2, s5  }
0xa: {  	_ =	strace $0x8000004D;
	s9 =	sshrl.u32 s5, $0x1;
	s25 =	sshrl.u32 s10, $0x2  }
0xb: {  	s6 =	sadd.s32 s6, s7;
	s24 =	ssub.s32 s5, s9;
	s7 =	sadd.s32 s8, s7  }
0xc: {  	s8 =	sshrl.u32 s8, $0x3;
	s13 =	sadd.s32 s25, s3;
	s9 =	simm.s32 $0x8  }
0xd: {  	s2 =	sadd.s32 s6, s2;
	s26 =	sshrl.u32 s7, $0x3;
	s8 =	sadd.s32 s0, s8  }
0xe: {  	s12 =	sadd.s32 $0x10000, s13;
	s16 =	sor.u32 $0x280, s7;
	s17 =	smax.u32 s24, $0x1  }
0xf: {  	s18 =	sadd.s32 $0x4000, s13;
	s20 =	sor.u32 $0x200, s7;
	s22 =	sor.u32 $0x180, s7  }
0x10: {  	s7 =	sor.u32 $0x100, s7;
	s24 =	sadd.s32 $0x8000, s13;
	[dreg:$0x9] =	wrdreg s13  }
0x11: {  	s6 =	simm.s32 $0x0;
	s10 =	sadd.s32 s0, s26;
	[dreg:$0xb] =	wrdreg s12  }
0x12: {  	s14 =	sadd.s32 $0xA000, s8;
	s15 =	sadd.s32 $0xA010, s8;
	[dreg:$0x10] =	wrdreg s17  }
0x13: {  	s2 =	sadd.s32 $0x2200, s2;
	[dreg:$0x11] =	wrdreg s18;
	s21 =	sshrl.u32 s20, $0x3  }
0x14: {  	s8 =	sshrl.u32 s22, $0x3;
	s7 =	sshrl.u32 s7, $0x3;
	[dreg:$0x12] =	wrdreg s24  }
0x15: {  	s26 =	sadd.s32 $0xC000, s13;
	s17 =	simm.s32 $0x13C00;
	[dreg:$0xc] =	wrdreg s14  }
0x16: {  	s20 =	simm.s32 $0x1BE00;
	s22 =	simm.s32 $0x1BE80;
	[dreg:$0xa] =	wrdreg s10  }
0x17: {  	s24 =	simm.s32 $0x80;
	s5 =	sadd.s32 $0x10, s10;
	[dreg:$0xe] =	wrdreg s15  }
0x18: {  	[dreg:$0xf] =	wrdreg s2;
	s2 =	sshrl.u32 s16, $0x3;
	s23 =	sadd.s32 s8, s0  }
0x19: {  	s25 =	sadd.s32 s7, s0;
	[dreg:$0x13] =	wrdreg s26;
	s16 =	sadd.s32 s19, s0  }
0x1a: {  	s26 =	simm.s32 $0x6;
	s7 =	simm.s32 $0x1BD80;
	[dreg:$0xd] =	wrdreg s5  }
0x1b: {  	s8 =	simm.s32 $0x1BF80;
	s10 =	simm.s32 $0x4;
	[dreg:$0x7] =	wrdreg s23  }
0x1c: {  	s2 =	sadd.s32 s2, s0;
	[dreg:$0x8] =	wrdreg s25;
	s25 =	simm.s32 $0x1  }
0x1d: {  	[dreg:$0x5] =	wrdreg s2;
	s2 =	sadd.s32 s21, s0;
	s21 =	simm.s32 $0x1BC80  }
0x1e: {  	v0 =	vimm.f32 $0.0e+00;
	s0 =	simm.s32 $0x7;
	[dreg:$0x6] =	wrdreg s2;
	s2 =	simm.s32 $0x3  }
.LBB2_1:
0x1f: {  	[dreg:$0x14] =	wrdreg s6;
	s6 =	simm.s32 $0x0;
	s12 =	simm.s32 $0x200  }
.LBB2_2:
0x20: {  	p0 =	sne.s32 s12, $0xFE00;
	[tilespmem:s6+$0x13C70] =	vst v0  }
0x21: {  	[tilespmem:s6+$0x13C00] =	vst v0  }
0x22: {  	[tilespmem:s6+$0x13C10] =	vst v0  }
.Ltmp0:
0x23: {  	[tilespmem:s6+$0x13C20] =	vst v0;
	(pc) =	sbr.rel @p0 .LBB2_2-.Ltmp0, $4  }
0x24: {  	[tilespmem:s6+$0x13C30] =	vst v0  }
0x25: {  	[tilespmem:s6+$0x13C40] =	vst v0  }
0x26: {  	[tilespmem:s6+$0x13C50] =	vst v0  }
0x27: {  	[tilespmem:s6+$0x13C60] =	vst v0;
	s6 =	sshra.s32 s12, $0x2;
	s12 =	sadd.s32 $0x200, s12  }
0x28: {  	[tilespmem:s6+$0x13C70] =	vst v0  }
0x29: {  	[tilespmem:s6+$0x13C00] =	vst v0  }
0x2a: {  	[tilespmem:s6+$0x13C10] =	vst v0  }
0x2b: {  	[tilespmem:s6+$0x13C20] =	vst v0  }
0x2c: {  	[tilespmem:s6+$0x13C30] =	vst v0  }
0x2d: {  	[tilespmem:s6+$0x13C40] =	vst v0  }
0x2e: {  	[tilespmem:s6+$0x13C50] =	vst v0  }
0x2f: {  	[tilespmem:s6+$0x13C60] =	vst v0  }
0x30: {  	[spmem:s13] =	stream.linear.scatter [tilespmem:s17], [sflag:$0x9], $0x4000, $0x38;
	[tilespmem:$0x1C000] =	vst v63  }
0x31: {  	_ =	swait.ge [sflag:s11], $0x4000  }
0x32: {  	[sflag:s11] =	ssyncset.done $0x0  }
0x33: {  	s5 =	rddreg [dreg:$0x11];
	[sflag:s11] =	ssyncadd.s32 $0xFFFFC000  }
0x34: {  	[spmem:s5] =	stream.linear.scatter [tilespmem:s17], [sflag:$0x9], $0x4000, $0x38;
	[tilespmem:$0x1C000] =	vst v63  }
0x35: {  	_ =	swait.ge [sflag:s11], $0x4000  }
0x36: {  	[sflag:s11] =	ssyncset.done $0x0  }
0x37: {  	s23 =	rddreg [dreg:$0x12];
	[sflag:s11] =	ssyncadd.s32 $0xFFFFC000  }
0x38: {  	[spmem:s23] =	stream.linear.scatter [tilespmem:s17], [sflag:$0x9], $0x4000, $0x38;
	[tilespmem:$0x1C000] =	vst v63  }
0x39: {  	_ =	swait.ge [sflag:s11], $0x4000  }
0x3a: {  	[sflag:s11] =	ssyncset.done $0x0  }
0x3b: {  	s6 =	rddreg [dreg:$0x13];
	[sflag:s11] =	ssyncadd.s32 $0xFFFFC000  }
0x3c: {  	[spmem:s6] =	stream.linear.scatter [tilespmem:s17], [sflag:$0x9], $0x4000, $0x38;
	[tilespmem:$0x1C000] =	vst v63  }
0x3d: {  	_ =	swait.ge [sflag:s11], $0x4000  }
0x3e: {  	[sflag:s11] =	ssyncset.done $0x0  }
0x3f: {  	s12 =	rddreg [dreg:$0xb];
	[sflag:s11] =	ssyncadd.s32 $0xFFFFC000  }
0x40: {  	[spmem:s12] =	stream.linear.scatter [tilespmem:s17], [sflag:$0x9], $0x3C00, $0x38;
	[tilespmem:$0x1C000] =	vst v63  }
0x41: {  	_ =	swait.ge [sflag:s11], $0x3C00  }
0x42: {  	[sflag:s11] =	ssyncset.done $0x0  }
0x43: {  	[sflag:s11] =	ssyncadd.s32 $0xFFFFC400  }
0x44: {  	[bflag:$0x0] =	sbarrier.arrive $0xFFFF  }
0x45: {  	s14 =	simm.s32 $0x1BC00;
	s12 =	simm.s32 $0x0;
	s13 =	rddreg [dreg:$0xa]  }
0x46: {  	[tilespmem:s14], [sflag:$0x5] =	stream.linear.gather [hbm4b:s13+s12], $0x80, $0x38;
	[tilespmem:$0x1C000] =	vst v63  }
0x47: {  	s15 =	rddreg [dreg:$0xc]  }
0x48: {  	[tilespmem:s20], [sflag:$0x5] =	stream.linear.gather [hbm4b:s15+s12], $0x80, $0x38;
	[tilespmem:$0x1C000] =	vst v63  }
0x49: {  	s18 =	rddreg [dreg:$0xd]  }
0x4a: {  	[tilespmem:s21], [sflag:$0x6] =	stream.linear.gather [hbm4b:s18+s12], $0x80, $0x38;
	[tilespmem:$0x1C000] =	vst v63  }
0x4b: {  	s23 =	simm.s32 $0x5;
	s19 =	rddreg [dreg:$0xe]  }
0x4c: {  	[tilespmem:s22], [sflag:$0x6] =	stream.linear.gather [hbm4b:s19+s12], $0x80, $0x38;
	[tilespmem:$0x1C000] =	vst v63  }
0x4d: {  	_ =	swait.ge [sflag:s23], $0x80  }
0x4e: {  	[sflag:s23] =	ssyncset.done $0x0  }
0x4f: {  	[sflag:s23] =	ssyncadd.s32 $0xFFFFFF80  }
0x50: {  	_ =	swait.ge [sflag:s23], $0x80  }
0x51: {  	[sflag:s23] =	ssyncset.done $0x0  }
0x52: {  	[sflag:s23] =	ssyncadd.s32 $0xFFFFFF80  }
0x53: {  	[tilespmem:s17], [sflag:$0x1] =	stream.indirect.gather [hbm4b:s1+s24], $0x80, s14, s24, $0xb8;
	[tilespmem:$0x1C000] =	vst v63  }
0x54: {  	_ =	swait.ge [sflag:s25], $0x4000  }
0x55: {  	[sflag:s25] =	ssyncset.done $0x0  }
0x56: {  	[sflag:s25] =	ssyncadd.s32 $0xFFFFC000  }
0x57: {  	[spmem:s3] =	stream.indirect.scatter.add.f32 [tilespmem:s17], [sflag:$0x3], $0x80, s20, s24, $0xb8;
	[tilespmem:$0x1C000] =	vst v63  }
0x58: {  	_ =	swait.ge [sflag:s26], $0x80  }
0x59: {  	[sflag:s26] =	ssyncset.done $0x0  }
0x5a: {  	[sflag:s26] =	ssyncadd.s32 $0xFFFFFF80  }
0x5b: {  	_ =	swait.ge [sflag:s26], $0x80  }
0x5c: {  	p0 =	por $0x1, $0x1;
	[sflag:s26] =	ssyncset.done $0x0  }
0x5d: {  	s6 =	simm.s32 @!p0 $0x4;
	[sflag:s26] =	ssyncadd.s32 $0xFFFFFF80  }
0x5e: {  	_ =	swait.ge @!p0 [sflag:s6], $0x4000  }
0x5f: {  	[sflag:s6] =	ssyncset.done @!p0 $0x0  }
0x60: {  	s11 =	rddreg [dreg:$0x8];
	[sflag:s6] =	ssyncadd.s32 @!p0 $0xFFFFC000  }
0x61: {  	[tilespmem:s28], [sflag:$0x2] =	stream.indirect.gather [hbm4b:s1+s24], $0x80, s21, s24, $0xb8;
	[tilespmem:$0x1C000] =	vst v63  }
0x62: {  	s15 =	sadd.s32 $0x0, s16;
	s14 =	sadd.s32 $0x0, s11  }
0x63: {  	[tilespmem:s29], [sflag:$0x7] =	stream.linear.gather [hbm4b:s14+s4], $0x80, $0x38;
	[tilespmem:$0x1C000] =	vst v63  }
0x64: {  	s18 =	sadd.s32 $0xA020, s15  }
0x65: {  	[tilespmem:s30], [sflag:$0x7] =	stream.linear.gather [hbm4b:s18+s4], $0x80, $0x38;
	[tilespmem:$0x1C000] =	vst v63  }
0x66: {  	_ =	swait.ge [sflag:s31], $0x4000  }
0x67: {  	[sflag:s31] =	ssyncset.done $0x0  }
0x68: {  	[sflag:s31] =	ssyncadd.s32 $0xFFFFC000  }
0x69: {  	[spmem:s3] =	stream.indirect.scatter.add.f32 [tilespmem:s28], [sflag:$0x4], $0x80, s22, s24, $0xb8;
	[tilespmem:$0x1C000] =	vst v63  }
0x6a: {  	_ =	swait.ge [sflag:s0], $0x80  }
0x6b: {  	[sflag:s0] =	ssyncset.done $0x0  }
0x6c: {  	[sflag:s0] =	ssyncadd.s32 $0xFFFFFF80  }
0x6d: {  	_ =	swait.ge [sflag:s0], $0x80  }
0x6e: {  	[sflag:s0] =	ssyncset.done $0x0  }
0x6f: {  	[sflag:s0] =	ssyncadd.s32 $0xFFFFFF80  }
0x70: {  	_ =	swait.ge [sflag:s2], $0x4000  }
0x71: {  	[sflag:s2] =	ssyncset.done $0x0  }
0x72: {  	s19 =	rddreg [dreg:$0x7];
	[sflag:s2] =	ssyncadd.s32 $0xFFFFC000  }
0x73: {  	[tilespmem:s17], [sflag:$0x1] =	stream.indirect.gather [hbm4b:s1+s24], $0x80, s29, s24, $0xb8;
	[tilespmem:$0x1C000] =	vst v63  }
0x74: {  	s6 =	sadd.s32 $0x0, s19  }
0x75: {  	[tilespmem:s7], [sflag:$0x8] =	stream.linear.gather [hbm4b:s6+s4], $0x80, $0x38;
	[tilespmem:$0x1C000] =	vst v63  }
0x76: {  	s23 =	sadd.s32 $0xA030, s15  }
0x77: {  	[tilespmem:s8], [sflag:$0x8] =	stream.linear.gather [hbm4b:s23+s4], $0x80, $0x38;
	[tilespmem:$0x1C000] =	vst v63  }
0x78: {  	_ =	swait.ge [sflag:s25], $0x4000  }
0x79: {  	[sflag:s25] =	ssyncset.done $0x0  }
0x7a: {  	[sflag:s25] =	ssyncadd.s32 $0xFFFFC000  }
0x7b: {  	[spmem:s3] =	stream.indirect.scatter.add.f32 [tilespmem:s17], [sflag:$0x3], $0x80, s30, s24, $0xb8;
	[tilespmem:$0x1C000] =	vst v63  }
0x7c: {  	_ =	swait.ge [sflag:s9], $0x80  }
0x7d: {  	[sflag:s9] =	ssyncset.done $0x0  }
0x7e: {  	[sflag:s9] =	ssyncadd.s32 $0xFFFFFF80  }
0x7f: {  	_ =	swait.ge [sflag:s9], $0x80  }
0x80: {  	[sflag:s9] =	ssyncset.done $0x0  }
0x81: {  	[sflag:s9] =	ssyncadd.s32 $0xFFFFFF80  }
0x82: {  	_ =	swait.ge [sflag:s10], $0x4000  }
0x83: {  	p0 =	por $0x0, $0x0;
	[sflag:s10] =	ssyncset.done $0x0  }
0x84: {  	s13 =	simm.s32 @!p0 $0x0;
	s6 =	rddreg [dreg:$0x6];
	[sflag:s10] =	ssyncadd.s32 $0xFFFFC000  }
0x85: {  	[tilespmem:s28], [sflag:$0x2] =	stream.indirect.gather [hbm4b:s1+s24], $0x80, s7, s24, $0xb8;
	[tilespmem:$0x1C000] =	vst v63  }
0x86: {  	s14 =	simm.s32 @!p0 $0x1BC00;
	s19 =	sadd.s32 @!p0 $0x0, s16;
	s6 =	sadd.s32 @!p0 $0x0, s6  }
0x87: {  	[tilespmem:s14], [sflag:$0x5] =	stream.linear.gather @!p0 [hbm4b:s6+s13], $0x80, $0x38;
	[tilespmem:$0x1C000] =	vst v63  }
0x88: {  	s6 =	simm.s32 @!p0 $0x1BE00;
	s14 =	sadd.s32 @!p0 $0xA040, s19  }
0x89: {  	[tilespmem:s6], [sflag:$0x5] =	stream.linear.gather @!p0 [hbm4b:s14+s13], $0x80, $0x38;
	[tilespmem:$0x1C000] =	vst v63  }
0x8a: {  	_ =	swait.ge [sflag:s31], $0x4000  }
0x8b: {  	p1 =	por $0x1, $0x1;
	[sflag:s31] =	ssyncset.done $0x0  }
0x8c: {  	s6 =	simm.s32 @p1 $0x5;
	[sflag:s31] =	ssyncadd.s32 $0xFFFFC000  }
0x8d: {  	[spmem:s3] =	stream.indirect.scatter.add.f32 [tilespmem:s28], [sflag:$0x4], $0x80, s8, s24, $0xb8;
	[tilespmem:$0x1C000] =	vst v63  }
0x8e: {  	_ =	swait.ge @p1 [sflag:s6], $0x80  }
0x8f: {  	[sflag:s6] =	ssyncset.done @p1 $0x0  }
0x90: {  	[sflag:s6] =	ssyncadd.s32 @p1 $0xFFFFFF80  }
0x91: {  	_ =	swait.ge @p1 [sflag:s6], $0x80  }
0x92: {  	[sflag:s6] =	ssyncset.done @p1 $0x0  }
0x93: {  	s13 =	simm.s32 @p1 $0x3;
	[sflag:s6] =	ssyncadd.s32 @p1 $0xFFFFFF80  }
0x94: {  	_ =	swait.ge @p1 [sflag:s13], $0x4000  }
0x95: {  	s19 =	simm.s32 @p1 $0x13C00;
	s6 =	simm.s32 @p1 $0x1BC00;
	[sflag:s13] =	ssyncset.done @p1 $0x0  }
0x96: {  	s14 =	rddreg [dreg:$0x5];
	[sflag:s13] =	ssyncadd.s32 @p1 $0xFFFFC000;
	s13 =	simm.s32 @p1 $0x80  }
0x97: {  	[tilespmem:s19], [sflag:$0x1] =	stream.indirect.gather @p1 [hbm4b:s1+s13], $0x80, s6, s13, $0xb8;
	[tilespmem:$0x1C000] =	vst v63  }
0x98: {  	s14 =	sadd.s32 @p1 $0x0, s14;
	s6 =	simm.s32 @p1 $0x0;
	s13 =	simm.s32 @p1 $0x1BC80  }
0x99: {  	[tilespmem:s13], [sflag:$0x6] =	stream.linear.gather @p1 [hbm4b:s14+s6], $0x80, $0x38;
	[tilespmem:$0x1C000] =	vst v63  }
0x9a: {  	s13 =	sadd.s32 @p1 $0x0, s16  }
0x9b: {  	s14 =	simm.s32 @p1 $0x1BE80;
	s13 =	sadd.s32 @p1 $0xA050, s13  }
0x9c: {  	[tilespmem:s14], [sflag:$0x6] =	stream.linear.gather @p1 [hbm4b:s13+s6], $0x80, $0x38;
	[tilespmem:$0x1C000] =	vst v63  }
0x9d: {  	s14 =	simm.s32 @!p1 $0x3  }
0x9e: {  	s13 =	simm.s32 $0x40;
	_ =	swait.ge @!p1 [sflag:s14], $0x4000  }
.LBB2_4:
0x9f: {  	[sflag:s14] =	ssyncset.done @!p1 $0x0  }
0xa0: {  	[sflag:s14] =	ssyncadd.s32 @!p1 $0xFFFFC000  }
0xa1: {  	_ =	swait.ge [sflag:s25], $0x4000  }
0xa2: {  	[sflag:s25] =	ssyncset.done $0x0  }
0xa3: {  	[sflag:s25] =	ssyncadd.s32 $0xFFFFC000  }
0xa4: {  	[spmem:s3] =	stream.indirect.scatter.add.f32 [tilespmem:s17], [sflag:$0x3], $0x80, s20, s24, $0xb8;
	[tilespmem:$0x1C000] =	vst v63  }
0xa5: {  	_ =	swait.ge [sflag:s26], $0x80  }
0xa6: {  	[sflag:s26] =	ssyncset.done $0x0  }
0xa7: {  	[sflag:s26] =	ssyncadd.s32 $0xFFFFFF80  }
0xa8: {  	s6 =	smov.u32 s13;
	_ =	swait.ge [sflag:s26], $0x80  }
0xa9: {  	p1 =	seq.s32 s6, $0x0;
	[sflag:s26] =	ssyncset.done $0x0  }
0xaa: {  	s14 =	simm.s32 @!p1 $0x4;
	[sflag:s26] =	ssyncadd.s32 $0xFFFFFF80  }
0xab: {  	_ =	swait.ge @!p1 [sflag:s14], $0x4000  }
0xac: {  	[sflag:s14] =	ssyncset.done @!p1 $0x0  }
0xad: {  	s19 =	rddreg [dreg:$0x8];
	[sflag:s14] =	ssyncadd.s32 @!p1 $0xFFFFC000  }
0xae: {  	[tilespmem:s28], [sflag:$0x2] =	stream.indirect.gather [hbm4b:s1+s24], $0x80, s21, s24, $0xb8;
	[tilespmem:$0x1C000] =	vst v63  }
0xaf: {  	s11 =	sadd.s32 s6, s16;
	s5 =	sadd.s32 s6, s19  }
0xb0: {  	[tilespmem:s29], [sflag:$0x7] =	stream.linear.gather [hbm4b:s5+s4], $0x80, $0x38;
	[tilespmem:$0x1C000] =	vst v63  }
0xb1: {  	s15 =	sadd.s32 $0xA020, s11  }
0xb2: {  	[tilespmem:s30], [sflag:$0x7] =	stream.linear.gather [hbm4b:s15+s4], $0x80, $0x38;
	[tilespmem:$0x1C000] =	vst v63  }
0xb3: {  	_ =	swait.ge [sflag:s31], $0x4000  }
0xb4: {  	[sflag:s31] =	ssyncset.done $0x0  }
0xb5: {  	[sflag:s31] =	ssyncadd.s32 $0xFFFFC000  }
0xb6: {  	[spmem:s3] =	stream.indirect.scatter.add.f32 [tilespmem:s28], [sflag:$0x4], $0x80, s22, s24, $0xb8;
	[tilespmem:$0x1C000] =	vst v63  }
0xb7: {  	_ =	swait.ge [sflag:s0], $0x80  }
0xb8: {  	[sflag:s0] =	ssyncset.done $0x0  }
0xb9: {  	[sflag:s0] =	ssyncadd.s32 $0xFFFFFF80  }
0xba: {  	_ =	swait.ge [sflag:s0], $0x80  }
0xbb: {  	[sflag:s0] =	ssyncset.done $0x0  }
0xbc: {  	[sflag:s0] =	ssyncadd.s32 $0xFFFFFF80  }
0xbd: {  	_ =	swait.ge [sflag:s2], $0x4000  }
0xbe: {  	[sflag:s2] =	ssyncset.done $0x0  }
0xbf: {  	s18 =	rddreg [dreg:$0x7];
	[sflag:s2] =	ssyncadd.s32 $0xFFFFC000  }
0xc0: {  	[tilespmem:s17], [sflag:$0x1] =	stream.indirect.gather [hbm4b:s1+s24], $0x80, s29, s24, $0xb8;
	[tilespmem:$0x1C000] =	vst v63  }
0xc1: {  	s14 =	sadd.s32 s6, s18  }
0xc2: {  	[tilespmem:s7], [sflag:$0x8] =	stream.linear.gather [hbm4b:s14+s4], $0x80, $0x38;
	[tilespmem:$0x1C000] =	vst v63  }
0xc3: {  	s23 =	sadd.s32 $0xA030, s11  }
0xc4: {  	[tilespmem:s8], [sflag:$0x8] =	stream.linear.gather [hbm4b:s23+s4], $0x80, $0x38;
	[tilespmem:$0x1C000] =	vst v63  }
0xc5: {  	_ =	swait.ge [sflag:s25], $0x4000  }
0xc6: {  	[sflag:s25] =	ssyncset.done $0x0  }
0xc7: {  	[sflag:s25] =	ssyncadd.s32 $0xFFFFC000  }
0xc8: {  	[spmem:s3] =	stream.indirect.scatter.add.f32 [tilespmem:s17], [sflag:$0x3], $0x80, s30, s24, $0xb8;
	[tilespmem:$0x1C000] =	vst v63  }
0xc9: {  	_ =	swait.ge [sflag:s9], $0x80  }
0xca: {  	[sflag:s9] =	ssyncset.done $0x0  }
0xcb: {  	[sflag:s9] =	ssyncadd.s32 $0xFFFFFF80  }
0xcc: {  	_ =	swait.ge [sflag:s9], $0x80  }
0xcd: {  	[sflag:s9] =	ssyncset.done $0x0  }
0xce: {  	[sflag:s9] =	ssyncadd.s32 $0xFFFFFF80  }
0xcf: {  	_ =	swait.ge [sflag:s10], $0x4000  }
0xd0: {  	p1 =	seq.s32 s6, $0x4C0;
	[sflag:s10] =	ssyncset.done $0x0  }
0xd1: {  	s19 =	simm.s32 @!p1 $0x0;
	s14 =	rddreg [dreg:$0x6];
	[sflag:s10] =	ssyncadd.s32 $0xFFFFC000  }
0xd2: {  	[tilespmem:s28], [sflag:$0x2] =	stream.indirect.gather [hbm4b:s1+s24], $0x80, s7, s24, $0xb8;
	[tilespmem:$0x1C000] =	vst v63  }
0xd3: {  	s5 =	sadd.s32 @!p1 s6, s16;
	s15 =	simm.s32 @!p1 $0x1BC00;
	s14 =	sadd.s32 @!p1 s6, s14  }
0xd4: {  	[tilespmem:s15], [sflag:$0x5] =	stream.linear.gather @!p1 [hbm4b:s14+s19], $0x80, $0x38;
	[tilespmem:$0x1C000] =	vst v63  }
0xd5: {  	s5 =	sadd.s32 @!p1 $0xA040, s5;
	s23 =	simm.s32 @!p1 $0x1BE00  }
0xd6: {  	[tilespmem:s23], [sflag:$0x5] =	stream.linear.gather @!p1 [hbm4b:s5+s19], $0x80, $0x38;
	[tilespmem:$0x1C000] =	vst v63  }
0xd7: {  	s12 =	sadd.s32 $0x1, s12;
	_ =	swait.ge [sflag:s31], $0x4000  }
0xd8: {  	p1 =	slt.u32 s12, $0x13;
	[sflag:s31] =	ssyncset.done $0x0  }
0xd9: {  	s5 =	simm.s32 @p1 $0x5;
	[sflag:s31] =	ssyncadd.s32 $0xFFFFC000  }
0xda: {  	[spmem:s3] =	stream.indirect.scatter.add.f32 [tilespmem:s28], [sflag:$0x4], $0x80, s8, s24, $0xb8;
	[tilespmem:$0x1C000] =	vst v63  }
0xdb: {  	_ =	swait.ge @p1 [sflag:s5], $0x80  }
0xdc: {  	[sflag:s5] =	ssyncset.done @p1 $0x0  }
0xdd: {  	[sflag:s5] =	ssyncadd.s32 @p1 $0xFFFFFF80  }
0xde: {  	_ =	swait.ge @p1 [sflag:s5], $0x80  }
0xdf: {  	s13 =	sadd.s32 $0x40, s13;
	s14 =	sadd.s32 @p1 s6, s16;
	[sflag:s5] =	ssyncset.done @p1 $0x0  }
0xe0: {  	s15 =	sadd.s32 @p1 $0xA050, s14;
	s14 =	simm.s32 @p1 $0x3;
	[sflag:s5] =	ssyncadd.s32 @p1 $0xFFFFFF80  }
0xe1: {  	p0 =	sne.s32 s13, $0x500;
	s19 =	simm.s32 @p1 $0x13C00;
	_ =	swait.ge @p1 [sflag:s14], $0x4000  }
0xe2: {  	s23 =	simm.s32 @p1 $0x80;
	s18 =	simm.s32 @p1 $0x0;
	[sflag:s14] =	ssyncset.done @p1 $0x0  }
0xe3: {  	s5 =	simm.s32 @p1 $0x1BC00;
	s11 =	rddreg [dreg:$0x5];
	[sflag:s14] =	ssyncadd.s32 @p1 $0xFFFFC000  }
0xe4: {  	[tilespmem:s19], [sflag:$0x1] =	stream.indirect.gather @p1 [hbm4b:s1+s23], $0x80, s5, s23, $0xb8;
	[tilespmem:$0x1C000] =	vst v63  }
.Ltmp1:
0xe5: {  	s14 =	simm.s32 @p1 $0x1BC80;
	s5 =	sadd.s32 @p1 s6, s11;
	(pc) =	sbr.rel @p0 .LBB2_4-.Ltmp1, $4  }
0xe6: {  	[tilespmem:s14], [sflag:$0x6] =	stream.linear.gather @p1 [hbm4b:s5+s18], $0x80, $0x38;
	[tilespmem:$0x1C000] =	vst v63  }
0xe7: {  	s6 =	simm.s32 @p1 $0x1BE80;
	s14 =	simm.s32 @!p1 $0x3  }
0xe8: {  	[tilespmem:s6], [sflag:$0x6] =	stream.linear.gather @p1 [hbm4b:s15+s18], $0x80, $0x38;
	[tilespmem:$0x1C000] =	vst v63  }
0xe9: {  	_ =	swait.ge @!p1 [sflag:s14], $0x4000  }
0xea: {  	[sflag:s14] =	ssyncset.done @!p1 $0x0  }
0xeb: {  	[sflag:s14] =	ssyncadd.s32 @!p1 $0xFFFFC000  }
0xec: {  	_ =	swait.ge [sflag:s10], $0x4000  }
0xed: {  	[sflag:s10] =	ssyncset.done $0x0  }
0xee: {  	[sflag:s10] =	ssyncadd.s32 $0xFFFFC000  }
0xef: {  	s5 =	stileid.u32;
	[bflag:$0x0] =	sbarrier.arrive $0xFFFF  }
0xf0: {  	s5 =	sshll.u32 s5, $0x6;
	s13 =	rddreg [dreg:$0x9]  }
0xf1: {  	s5 =	sor.u32 $0x1C09, s5;
	s11 =	rddreg [dreg:$0xf];
	s6 =	sshrl.u32 s13, $0x3  }
0xf2: {  	[hbm:s11], [sflag:s5] =	dma.local [spmem:s6], $0x2780  }
0xf3: {  	s11 =	simm.s32 $0x9  }
0xf4: {  	_ =	swait.ge [sflag:s11], $0x2780  }
0xf5: {  	s19 =	rddreg [dreg:$0x14]  }
0xf6: {  	s23 =	rddreg [dreg:$0x10];
	s6 =	sadd.s32 $0x1, s19  }
0xf7: {  	p0 =	sne.s32 s6, s23  }
.Ltmp2:
0xf8: {  	_ = 	snop;
	(pc) =	sbr.rel @p0 .LBB2_1-.Ltmp2, $3  }
0xf9: {  	_ =	sdelay $0x1  }
0xfa: {  	[sflag:s11] =	ssyncset.done $0x0  }
0xfb: {  	[sflag:s11] =	ssyncadd.s32 $0xFFFFD880  }
0xfc: {  	_ =	sfence.sel $0x180000  }
0xfd: {  	[bflag:$0x0] =	sbarrier.arrive $0xFFFF  }
0xfe: {  	_ =	strace $0x9000004D  }
0xff: {  	s0 =	stileid.u32;
	[bflag:$0x2] =	sbarrier.arrive $0xFFFF  }
0x100: {  	p0 =	sne.s32 s0, $0x0;
	s0 =	rddreg [dreg:$0x4]  }
0x101: {  	s0 =	sadd.s32 @!p0 $0x100000, s0  }
0x102: {  	[sflag:s0] =	ssyncadd.tile.s32 @!p0 $0x1;
	_ =	shalt  }
.Lfunc_end2:
_tile_overlayer_lowered:
.L_overlay_start_2:
0x103: {  	(tag) =	ssettag $0x2  }
0x104: {  	s0 =	rddreg [dreg:$0x0];
	s2 =	stileid.u32  }
0x105: {  	s1 =	rddreg [dreg:$0x1];
	p0 =	sne.s32 s2, $0x0  }
0x106: {  	s3 =	rddreg [dreg:$0x2];
	[bflag:$0x3] =	sbarrier.arrive $0xFFFF;
	s2 =	simm.s32 @!p0 $0x1C09  }
0x107: {  	[timem:s3], [sflag:s2] =	dma.local @!p0 [hbm:s0], s1  }
0x108: {  	s0 =	simm.s32 @!p0 $0x9  }
0x109: {  	_ =	swait.ge @!p0 [sflag:s0], s1  }
0x10a: {  	s1 =	ssub.s32 @!p0 $0x0, s1;
	[sflag:s0] =	ssyncset.done @!p0 $0x0  }
0x10b: {  	[sflag:s0] =	ssyncadd.s32 @!p0 s1  }
0x10c: {  	[bflag:$0x3] =	sbarrier.arrive $0xFFFF  }
0x10d: {  	_ =	shalt  }

// kernel: kernel.8.cloned.1.call-start
scs
__scs_entry_jumppad:
0x0: {  	(pc) =	sbr.rel $0x88, $3  }
0x1: {  	(tag) =	ssettag $0x0;
	lr =	simm.s32 $0x1  }
0x2: {  	[smem:$0x3F9B] =	sst lr;
	_ =	strace $0xD0000000  }
0x3: {  	_ = 	snop  }
0x4: {  	_ = 	snop  }
0x5: {  	_ = 	snop  }
0x6: {  	_ = 	snop  }
0x7: {  	_ = 	snop  }
__scs_overlays_trampoline_lowered:
0x8: {  	[smem:$0x3FAA] =	sst s0  }
0x9: {  	[smem:$0x3FAB] =	sst s1  }
0xa: {  	[smem:$0x3FAC] =	sst s2  }
0xb: {  	[smem:$0x3FAD] =	sst s3  }
0xc: {  	[smem:$0x3FAE] =	sst s4  }
0xd: {  	[smem:$0x3FAF] =	sst s5  }
0xe: {  	[smem:$0x3FB0] =	sst s6  }
0xf: {  	[smem:$0x3FB1] =	sst s7  }
0x10: {  	[smem:$0x3FB2] =	sst s8  }
0x11: {  	[smem:$0x3FB3] =	sst s9;
	s0 =	simm.s32 @!p0 $0x0  }
0x12: {  	s1 =	sld [smem:$0x3F99];
	s0 =	simm.s32 @p0 $0x1  }
0x13: {  	[smem:$0x3FB4] =	sst s0;
	s0 =	simm.s32 @!p1 $0x0  }
0x14: {  	s2 =	sld [smem:$0x3F98];
	s0 =	simm.s32 @p1 $0x1  }
0x15: {  	[smem:$0x3FB5] =	sst s0;
	s0 =	simm.s32 @!p2 $0x0  }
0x16: {  	s3 =	sld [smem:$0x3FDB];
	s0 =	simm.s32 @p2 $0x1  }
0x17: {  	s4 =	simm.s32 $0x1BF5;
	[smem:$0x3FB7] =	sst s0  }
0x18: {  	s0 =	sld [smem:$0x3F9A];
	_ =	swait.ge [sflag:s4], $0x0  }
0x19: {  	s7 =	sld [smem:$0x3F9B]  }
0x1a: {  	s8 =	sadd.s32 $0xFFFFE003, lr  }
0x1b: {  	s9 =	sadd.s32 $0xFFFFFEF7, lr;
	s5 =	simm.s32 $0xFFFFFFFF;
	p2 =	slt.u32 s8, $0xFFFFF086  }
0x1c: {  	p1 =	slt.u32 s9, $0xF7A;
	s5 =	simm.s32 @!p2 $0x0  }
0x1d: {  	s5 =	simm.s32 @p1 $0x1;
	p0 =	seq.s32 s7, s2  }
0x1e: {  	s7 =	smul.u32 @!p0 $0xF7A, s2;
	p2 =	seq.s32 @!p0 s5, $0x0  }
0x1f: {  	s9 =	smul.u32 $0xF7A, s1;
	s8 =	simm.s32 @!p0 $0x1BF5;
	p2 =	por !p2, p0  }
0x20: {  	[sflag:s8] =	ssyncset.s32 @!p0 $0xFFFFF086;
	s6 =	sadd.s32 @!p0 s3, s7;
	s7 =	simm.s32 @!p0 $0x108  }
0x21: {  	s3 =	sadd.s32 s3, s9;
	s6 =	sadd.s32 @!p0 $0x88, s6;
	s7 =	simm.s32 @p2 $0x1082  }
0x22: {  	[simem:s7], [sflag:s8] =	dma.local @!p0 [hbm:s6], $0xF7A  }
0x23: {  	s9 =	sor.u32 $0xD0000000, s2;
	s6 =	simm.s32 $0x108;
	_ =	swait.ge @!p0 [sflag:s8], $0x0  }
0x24: {  	s3 =	sadd.s32 $0x88, s3;
	s6 =	simm.s32 @!p1 $0x1082;
	[sflag:s4] =	ssyncset.s32 $0xFFFFF086  }
0x25: {  	[simem:s6], [sflag:s4] =	dma.local [hbm:s3], $0xF7A  }
0x26: {  	[smem:$0x3F9B] =	sst s1;
	(tag) =	ssettag s2;
	_ =	strace s9  }
0x27: {  	s1 =	sld [smem:$0x3FAB]  }
0x28: {  	s2 =	sld [smem:$0x3FAC]  }
0x29: {  	s4 =	sld [smem:$0x3FAE]  }
0x2a: {  	p0 =	seq.s32 s5, $0x0;
	s5 =	sld [smem:$0x3FAF]  }
0x2b: {  	s6 =	sld [smem:$0x3FB0]  }
0x2c: {  	s7 =	sld [smem:$0x3FB1]  }
0x2d: {  	s3 =	simm.s32 $0x108;
	s8 =	sld [smem:$0x3FB2]  }
0x2e: {  	s3 =	simm.s32 @!p0 $0x1082;
	s9 =	sld [smem:$0x3FB3]  }
0x2f: {  	lr =	sadd.s32 s0, s3;
	s0 =	sld [smem:$0x3FAA]  }
0x30: {  	s3 =	sld [smem:$0x3FAD]  }
0x31: {  	[smem:$0x3FB6] =	sst s10  }
0x32: {  	s10 =	sld [smem:$0x3FB4];
	_ =	sdelay $0x3  }
0x33: {  	p0 =	seq.s32 s10, $0x1;
	s10 =	sld [smem:$0x3FB6];
	_ =	sdelay $0x3  }
0x34: {  	[smem:$0x3FB6] =	sst s10  }
0x35: {  	s10 =	sld [smem:$0x3FB5];
	_ =	sdelay $0x3  }
0x36: {  	p1 =	seq.s32 s10, $0x1;
	s10 =	sld [smem:$0x3FB6];
	_ =	sdelay $0x3  }
0x37: {  	[smem:$0x3FB6] =	sst s10  }
0x38: {  	s10 =	sld [smem:$0x3FB7]  }
0x39: {  	_ = 	snop;
	(pc) =	sbr.ind lr, $3  }
0x3a: {  	_ = 	snop  }
0x3b: {  	_ = 	snop  }
0x3c: {  	p2 =	seq.s32 s10, $0x1;
	s10 =	sld [smem:$0x3FB6]  }
0x3d: {  	_ =	shalt  }
0x3e: {  	_ =	shalt  }
0x3f: {  	_ =	shalt  }
0x40: {  	_ =	shalt  }
0x41: {  	_ =	shalt  }
0x42: {  	_ =	shalt  }
0x43: {  	_ =	shalt  }
0x44: {  	_ =	shalt  }
0x45: {  	_ =	shalt  }
0x46: {  	_ =	shalt  }
0x47: {  	_ =	shalt  }
0x48: {  	_ =	shalt  }
0x49: {  	_ =	shalt  }
0x4a: {  	_ =	shalt  }
0x4b: {  	_ =	shalt  }
0x4c: {  	_ =	shalt  }
0x4d: {  	_ =	shalt  }
0x4e: {  	_ =	shalt  }
0x4f: {  	_ =	shalt  }
0x50: {  	_ =	shalt  }
0x51: {  	_ =	shalt  }
0x52: {  	_ =	shalt  }
0x53: {  	_ =	shalt  }
0x54: {  	_ =	shalt  }
0x55: {  	_ =	shalt  }
0x56: {  	_ =	shalt  }
0x57: {  	_ =	shalt  }
0x58: {  	_ =	shalt  }
0x59: {  	_ =	shalt  }
0x5a: {  	_ =	shalt  }
0x5b: {  	_ =	shalt  }
0x5c: {  	_ =	shalt  }
0x5d: {  	_ =	shalt  }
0x5e: {  	_ =	shalt  }
0x5f: {  	_ =	shalt  }
0x60: {  	_ =	shalt  }
0x61: {  	_ =	shalt  }
0x62: {  	_ =	shalt  }
0x63: {  	_ =	shalt  }
0x64: {  	_ =	shalt  }
0x65: {  	_ =	shalt  }
0x66: {  	_ =	shalt  }
0x67: {  	_ =	shalt  }
0x68: {  	_ =	shalt  }
0x69: {  	_ =	shalt  }
0x6a: {  	_ =	shalt  }
0x6b: {  	_ =	shalt  }
0x6c: {  	_ =	shalt  }
0x6d: {  	_ =	shalt  }
0x6e: {  	_ =	shalt  }
0x6f: {  	_ =	shalt  }
0x70: {  	_ =	shalt  }
0x71: {  	_ =	shalt  }
0x72: {  	_ =	shalt  }
0x73: {  	_ =	shalt  }
0x74: {  	_ =	shalt  }
0x75: {  	_ =	shalt  }
0x76: {  	_ =	shalt  }
0x77: {  	_ =	shalt  }
0x78: {  	_ =	shalt  }
0x79: {  	_ =	shalt  }
0x7a: {  	_ =	shalt  }
0x7b: {  	_ =	shalt  }
0x7c: {  	_ =	shalt  }
0x7d: {  	_ =	shalt  }
0x7e: {  	_ =	shalt  }
0x7f: {  	_ =	shalt  }
0x80: {  	_ =	shalt  }
0x81: {  	_ =	shalt  }
0x82: {  	_ =	shalt  }
0x83: {  	_ =	shalt  }
0x84: {  	_ =	shalt  }
0x85: {  	_ =	shalt  }
0x86: {  	_ =	shalt  }
0x87: {  	_ =	shalt  }
.Lfunc_end0:
.L_simem_size_0:
called_computation_lowered:
.L_overlay_start_0:
0x88: {  	s2 =	sld [smem:$0x3FD9]  }
0x89: {  	s3 =	sld [smem:$0x3FFE];
	_ =	sdelay $0x1  }
0x8a: {  	s1 =	srdreg.scid  }
0x8b: {  	s0 =	sand.u32 $0x1, s1  }
0x8c: {  	s14 =	sshll.u32 s0, $0xA;
	s2 =	sadd.s32 s3, s2  }
0x8d: {  	s2 =	sadd.s32 s2, s14  }
0x8e: {  	[smem:$0x3FC2] =	sst s2  }
0x8f: {  	_ = 	snop  }
0x90: {  	s2 =	sld [smem:$0x3FD0];
	_ =	sdelay $0x2  }
0x91: {  	s15 =	simm.s32 $0xA;
	s4 =	simm.s32 $0x10  }
0x92: {  	[smem:s4], [sflag:s15] =	dma.local [hbm:s2], $0x1  }
0x93: {  	_ =	swait.eq [sflag:s15], $0x1  }
0x94: {  	[sflag:s15] =	ssyncset.done $0x0  }
0x95: {  	[sflag:s15] =	ssyncadd.s32 $0xFFFFFFFF  }
0x96: {  	s16 =	sld [smem:$0x11];
	(tm) =	ssettm $0x1  }
0x97: {  	s17 =	sld [smem:$0x3FFB];
	_ =	sdelay $0x3  }
0x98: {  	_ =	strace s17  }
0x99: {  	s3 =	sld [smem:$0x3FFC];
	_ =	sdelay $0x3  }
0x9a: {  	_ =	strace s3  }
0x9b: {  	s3 =	sld [smem:$0x3FFD];
	_ =	sdelay $0x3  }
0x9c: {  	_ =	strace s3  }
0x9d: {  	_ =	strace $0x8FFFFFFF  }
0x9e: {  	s18 =	sld [smem:$0x3FDB];
	_ =	sdelay $0x1  }
0x9f: {  	s19 =	simm.s32 $_scs_section_size  }
0xa0: {  	s5 =	simm.s32 $_size__tile_overlayer_lowered;
	s6 =	simm.s32 $_tile_overlayer_lowered  }
0xa1: {  	s22 =	simm.s32 $0x1BFF;
	s21 =	sshll.u32 s6, $0x1;
	s3 =	sadd.s32 s19, s18  }
0xa2: {  	s7 =	simm.s32 $0x0;
	s20 =	sshll.u32 s5, $0x1;
	s5 =	sadd.s32 s21, s3  }
0xa3: {  	[timem:s7], [sflag:s22] =	dma.local [hbm:s5], s20  }
0xa4: {  	_ =	swait.ge [sflag:s22], s20  }
0xa5: {  	s4 =	ssub.s32 $0x0, s20;
	[sflag:s22] =	ssyncset.done $0x0  }
0xa6: {  	[sflag:s22] =	ssyncadd.s32 s4;
	_ =	sdelay $0x1  }
0xa7: {  	s23 =	simm.s32 $0x1B8B  }
0xa8: {  	_ =	swait.ge [sflag:s23], $0x1  }
0xa9: {  	[sflag:s23] =	ssyncset.done $0x0  }
0xaa: {  	s25 =	simm.s32 $0x1B8E;
	s24 =	sld [smem:$0x3FFE];
	[sflag:s23] =	ssyncadd.s32 $0xFFFFFFFF  }
0xab: {  	s26 =	simm.s32 $execute0_lowered;
	[smem:$0x3FD2] =	sst s25  }
0xac: {  	s5 =	sshll.u32 s26, $0x1;
	_ =	strace $0x80000046;
	[dreg:$0x1] =	wrdreg $0xFFFFFFFF  }
0xad: {  	s28 =	simm.s32 $_size_execute0_lowered;
	s3 =	sadd.s32 s3, s5;
	[dreg:$0x0] =	wrdreg $0x0  }
0xae: {  	s5 =	sshll.u32 s28, $0x1;
	[dreg:$0x2] =	wrdreg s3  }
0xaf: {  	[dreg:$0x3] =	wrdreg s5  }
0xb0: {  	[dreg:$0x4] =	wrdreg $0xC0  }
0xb1: {  	_ =	task [dreg:s7], $0x5FFFF  }
0xb2: {  	[dreg:$0x1] =	wrdreg $0xFFFFFFFF  }
0xb3: {  	[dreg:$0x0] =	wrdreg $0x60  }
0xb4: {  	[dreg:$0x2] =	wrdreg s16  }
0xb5: {  	[dreg:$0x3] =	wrdreg s24  }
0xb6: {  	[dreg:$0x4] =	wrdreg $0x0  }
0xb7: {  	[dreg:$0x5] =	wrdreg $0x9  }
0xb8: {  	_ =	task.clear_ibuf [dreg:s7], $0x6FFFF;
	_ =	strace $0x90000046  }
0xb9: {  	s29 =	simm.s32 $0x9;
	_ =	strace $0x80000048  }
0xba: {  	_ =	swait.ge [sflag:s29], $0x1  }
0xbb: {  	[sflag:s29] =	ssyncadd.s32 $0xFFFFFFFF  }
0xbc: {  	_ =	strace $0x90000048  }
0xbd: {  	_ =	sfence  }
0xbe: {  	s30 =	sld [smem:$0x0];
	_ =	sdelay $0x2  }
0xbf: {  	s31 =	sshll.u32 s1, $0xD;
	s1 =	sshrl.u32 s1, $0x2  }
0xc0: {  	s3 =	sand.u32 $0x4000, s31;
	s1 =	sadd.s32 s1, s30  }
0xc1: {  	s0 =	sor.u32 s3, s0;
	s1 =	sshll.u32 s1, $0x11  }
0xc2: {  	s0 =	sor.u32 s1, s0  }
0xc3: {  	s0 =	sadd.s32 $0x8F2B, s0  }
0xc4: {  	[sflag:s0] =	ssyncadd.remote.s32 $0x1  }
0xc5: {  	_ =	sfence.sel $0xFFFF  }
0xc6: {  	[dreg:$0x0] =	wrdreg $0xFFFFFFFF;
	(pc) =	sbr.abs _section_cstart, $3  }
0xc7: {  	[dreg:$0x1] =	wrdreg $0xFFFFFFFF  }
0xc8: {  	_ =	task.clear_ibuf [dreg:s7], $0x2FFFF;
	_ =	strace $0x9FFFFFFF  }
0xc9: {  	(tm) =	ssettm $0x7FFFFFFF  }
tec
execute0_lowered:
.L_overlay_start_1:
0x0: {  	(tag) =	ssettag $0x1  }
0x1: {  	s14 =	rddreg [dreg:$0x0]  }
0x2: {  	s4 =	rddreg [dreg:$0x1]  }
0x3: {  	s0 =	srdreg.scid;
	s22 =	stileid.u32  }
0x4: {  	s2 =	rddreg [dreg:$0x2];
	s7 =	smul.u32 $0x2800, s22  }
0x5: {  	s3 =	simm.s32 $0x0;
	s18 =	simm.s32 $0x18100;
	s9 =	smul.u32 $0x28, s22  }
0x6: {  	s19 =	simm.s32 $0x80;
	s20 =	simm.s32 $0x18180;
	s10 =	smul.u32 $0x50000, s22  }
0x7: {  	s21 =	simm.s32 $0x2;
	s5 =	sand.u32 $0x1, s0;
	s13 =	smul.u32 $0x1400, s22  }
0x8: {  	[smem:$0x7FF] =	sst s3;
	s22 =	simm.s32 $0x5;
	s6 =	smul.u32 $0x28000, s5  }
0x9: {  	s8 =	smul.u32 $0x280, s5;
	_ =	strace $0x80000047;
	s23 =	ssub.s32 $0x2, s5  }
0xa: {  	s12 =	smul.u32 $0x14000, s5;
	[dreg:$0x5] =	wrdreg s18;
	s18 =	simm.s32 $0x1  }
0xb: {  	s24 =	sshrl.u32 s23, $0x1;
	s28 =	sshrl.u32 s10, $0x2;
	s6 =	sadd.s32 s7, s6  }
0xc: {  	s25 =	sadd.s32 s9, s8;
	s26 =	ssub.s32 s23, s24;
	s13 =	sadd.s32 s13, s12  }
0xd: {  	s23 =	simm.s32 $0x4;
	s24 =	simm.s32 $0x6;
	s11 =	sadd.s32 s6, s4  }
0xe: {  	s6 =	sshll.u32 s25, $0x4;
	s4 =	sadd.s32 s28, s2;
	s8 =	smax.u32 s26, $0x1  }
0xf: {  	s15 =	sadd.s32 $0x50280, s13;
	s16 =	sadd.s32 $0x50200, s13;
	s17 =	sadd.s32 $0x50180, s13  }
0x10: {  	s13 =	sadd.s32 $0x50100, s13;
	s25 =	simm.s32 $0x0;
	s6 =	sadd.s32 s14, s6  }
0x11: {  	s7 =	sadd.s32 $0x2200, s11;
	s9 =	sadd.s32 $0x4000, s4;
	s10 =	sadd.s32 $0x8000, s4  }
0x12: {  	s11 =	sadd.s32 $0xC000, s4;
	s12 =	sadd.s32 $0x10000, s4;
	s15 =	sshrl.u32 s15, $0x3  }
0x13: {  	s16 =	sshrl.u32 s16, $0x3;
	s17 =	sshrl.u32 s17, $0x3;
	s1 =	sadd.s32 $0xA000, s6  }
0x14: {  	s31 =	sshrl.u32 s13, $0x3;
	s29 =	sadd.s32 $0xA010, s6;
	[dreg:$0x8] =	wrdreg s1  }
0x15: {  	s16 =	sadd.s32 s16, s14;
	s30 =	sadd.s32 s17, s14;
	[dreg:$0x9] =	wrdreg s29  }
0x16: {  	s13 =	sadd.s32 s15, s14;
	s14 =	sadd.s32 s31, s14;
	[dreg:$0x7] =	wrdreg s16  }
0x17: {  	s15 =	simm.s32 $0x7;
	s17 =	simm.s32 $0x18080;
	[dreg:$0x6] =	wrdreg s30  }
0x18: {  	v0 =	vimm.f32 $0.0e+00;
	v1 =	vimm.f32 $1.000000000e+00;
	[dreg:$0x4] =	wrdreg s14;
	s14 =	simm.s32 $0x14000;
	s16 =	simm.s32 $0x18000  }
.LBB2_1:
0x19: {  	s26 =	simm.s32 $0x0;
	s28 =	simm.s32 $0x200  }
.LBB2_2:
0x1a: {  	p0 =	sne.s32 s28, $0xFE00;
	[tilespmem:s26+$0x14070] =	vst v0  }
0x1b: {  	[tilespmem:s26+$0x14000] =	vst v0  }
0x1c: {  	[tilespmem:s26+$0x14010] =	vst v0  }
.Ltmp0:
0x1d: {  	[tilespmem:s26+$0x14020] =	vst v0;
	(pc) =	sbr.rel @p0 .LBB2_2-.Ltmp0, $4  }
0x1e: {  	[tilespmem:s26+$0x14030] =	vst v0  }
0x1f: {  	[tilespmem:s26+$0x14040] =	vst v0  }
0x20: {  	[tilespmem:s26+$0x14050] =	vst v0  }
0x21: {  	[tilespmem:s26+$0x14060] =	vst v0;
	s26 =	sshra.s32 s28, $0x2;
	s28 =	sadd.s32 $0x200, s28  }
0x22: {  	[tilespmem:s26+$0x14070] =	vst v0  }
0x23: {  	[tilespmem:s26+$0x14000] =	vst v0  }
0x24: {  	[tilespmem:s26+$0x14010] =	vst v0  }
0x25: {  	[tilespmem:s26+$0x14020] =	vst v0  }
0x26: {  	[tilespmem:s26+$0x14030] =	vst v0  }
0x27: {  	[tilespmem:s26+$0x14040] =	vst v0  }
0x28: {  	[tilespmem:s26+$0x14050] =	vst v0  }
0x29: {  	[tilespmem:s26+$0x14060] =	vst v0  }
0x2a: {  	[spmem:s4] =	stream.linear.scatter [tilespmem:s14], [sflag:$0x7], $0x4000, $0x38;
	[tilespmem:$0x18200] =	vst v63  }
0x2b: {  	_ =	swait.ge [sflag:s15], $0x4000  }
0x2c: {  	[sflag:s15] =	ssyncset.done $0x0  }
0x2d: {  	[sflag:s15] =	ssyncadd.s32 $0xFFFFC000  }
0x2e: {  	[spmem:s9] =	stream.linear.scatter [tilespmem:s14], [sflag:$0x7], $0x4000, $0x38;
	[tilespmem:$0x18200] =	vst v63  }
0x2f: {  	_ =	swait.ge [sflag:s15], $0x4000  }
0x30: {  	[sflag:s15] =	ssyncset.done $0x0  }
0x31: {  	[sflag:s15] =	ssyncadd.s32 $0xFFFFC000  }
0x32: {  	[spmem:s10] =	stream.linear.scatter [tilespmem:s14], [sflag:$0x7], $0x4000, $0x38;
	[tilespmem:$0x18200] =	vst v63  }
0x33: {  	_ =	swait.ge [sflag:s15], $0x4000  }
0x34: {  	[sflag:s15] =	ssyncset.done $0x0  }
0x35: {  	[sflag:s15] =	ssyncadd.s32 $0xFFFFC000  }
0x36: {  	[spmem:s11] =	stream.linear.scatter [tilespmem:s14], [sflag:$0x7], $0x4000, $0x38;
	[tilespmem:$0x18200] =	vst v63  }
0x37: {  	_ =	swait.ge [sflag:s15], $0x4000  }
0x38: {  	[sflag:s15] =	ssyncset.done $0x0  }
0x39: {  	[sflag:s15] =	ssyncadd.s32 $0xFFFFC000  }
0x3a: {  	[spmem:s12] =	stream.linear.scatter [tilespmem:s14], [sflag:$0x7], $0x4000, $0x38;
	[tilespmem:$0x18200] =	vst v63  }
0x3b: {  	_ =	swait.ge [sflag:s15], $0x4000  }
0x3c: {  	[sflag:s15] =	ssyncset.done $0x0  }
0x3d: {  	s26 =	simm.s32 $0x0;
	s28 =	simm.s32 $0x200;
	[sflag:s15] =	ssyncadd.s32 $0xFFFFC000  }
.LBB2_4:
0x3e: {  	p0 =	sne.s32 s28, $0xFE00;
	[tilespmem:s26+$0x14070] =	vst v1  }
0x3f: {  	[tilespmem:s26+$0x14000] =	vst v1  }
0x40: {  	[tilespmem:s26+$0x14010] =	vst v1  }
.Ltmp1:
0x41: {  	[tilespmem:s26+$0x14020] =	vst v1;
	(pc) =	sbr.rel @p0 .LBB2_4-.Ltmp1, $4  }
0x42: {  	[tilespmem:s26+$0x14030] =	vst v1  }
0x43: {  	[tilespmem:s26+$0x14040] =	vst v1  }
0x44: {  	[tilespmem:s26+$0x14050] =	vst v1  }
0x45: {  	[tilespmem:s26+$0x14060] =	vst v1;
	s26 =	sshra.s32 s28, $0x2;
	s28 =	sadd.s32 $0x200, s28  }
0x46: {  	[tilespmem:s26+$0x14070] =	vst v1  }
0x47: {  	[tilespmem:s26+$0x14000] =	vst v1  }
0x48: {  	[tilespmem:s26+$0x14010] =	vst v1  }
0x49: {  	[tilespmem:s26+$0x14020] =	vst v1  }
0x4a: {  	[tilespmem:s26+$0x14030] =	vst v1  }
0x4b: {  	[tilespmem:s26+$0x14040] =	vst v1  }
0x4c: {  	[tilespmem:s26+$0x14050] =	vst v1  }
0x4d: {  	[tilespmem:s26+$0x14060] =	vst v1;
	s5 =	simm.s32 $0x0;
	s0 =	rddreg [dreg:$0x8]  }
0x4e: {  	[tilespmem:s16], [sflag:$0x1] =	stream.linear.gather [hbm4b:s0+s5], $0x80, $0x38;
	[tilespmem:$0x18200] =	vst v63  }
0x4f: {  	s6 =	rddreg [dreg:$0x9];
	p0 =	por $0x1, $0x1  }
0x50: {  	[tilespmem:s17], [sflag:$0x2] =	stream.linear.gather [hbm4b:s6+s5], $0x80, $0x38;
	[tilespmem:$0x18200] =	vst v63  }
0x51: {  	s26 =	simm.s32 @!p0 $0x5;
	[bflag:$0x0] =	sbarrier.arrive $0xFFFF  }
0x52: {  	_ =	swait.ge @!p0 [sflag:s26], $0x4000  }
0x53: {  	s28 =	rddreg [dreg:$0x4];
	[sflag:s26] =	ssyncset.done @!p0 $0x0  }
0x54: {  	s29 =	rddreg [dreg:$0x5];
	[sflag:s26] =	ssyncadd.s32 @!p0 $0xFFFFC000;
	s30 =	sadd.s32 $0x0, s28  }
0x55: {  	[tilespmem:s29], [sflag:$0x3] =	stream.linear.gather [hbm4b:s30+s3], $0x80, $0x38;
	[tilespmem:$0x18200] =	vst v63  }
0x56: {  	_ =	swait.ge [sflag:s18], $0x80  }
0x57: {  	[sflag:s18] =	ssyncset.done $0x0  }
0x58: {  	s26 =	simm.s32 @!p0 $0x6;
	[sflag:s18] =	ssyncadd.s32 $0xFFFFFF80  }
0x59: {  	[spmem:s2] =	stream.indirect.scatter.add.f32 [tilespmem:s14], [sflag:$0x5], $0x80, s16, s19, $0xb8;
	[tilespmem:$0x18200] =	vst v63  }
0x5a: {  	_ =	swait.ge @!p0 [sflag:s26], $0x4000  }
0x5b: {  	s28 =	rddreg [dreg:$0x6];
	[sflag:s26] =	ssyncset.done @!p0 $0x0  }
0x5c: {  	[sflag:s26] =	ssyncadd.s32 @!p0 $0xFFFFC000;
	s31 =	sadd.s32 $0x0, s28  }
0x5d: {  	[tilespmem:s20], [sflag:$0x4] =	stream.linear.gather [hbm4b:s31+s3], $0x80, $0x38;
	[tilespmem:$0x18200] =	vst v63  }
0x5e: {  	_ =	swait.ge [sflag:s21], $0x80  }
0x5f: {  	[sflag:s21] =	ssyncset.done $0x0  }
0x60: {  	[sflag:s21] =	ssyncadd.s32 $0xFFFFFF80  }
0x61: {  	[spmem:s2] =	stream.indirect.scatter.add.f32 [tilespmem:s14], [sflag:$0x6], $0x80, s17, s19, $0xb8;
	[tilespmem:$0x18200] =	vst v63  }
0x62: {  	_ =	swait.ge [sflag:s22], $0x4000  }
0x63: {  	p0 =	por $0x0, $0x0;
	[sflag:s22] =	ssyncset.done $0x0  }
0x64: {  	s26 =	simm.s32 @p0 $0x3;
	[sflag:s22] =	ssyncadd.s32 $0xFFFFC000  }
0x65: {  	_ =	swait.ge @p0 [sflag:s26], $0x80  }
0x66: {  	s28 =	simm.s32 @p0 $0x14000;
	s29 =	simm.s32 @p0 $0x6;
	[sflag:s26] =	ssyncset.done @p0 $0x0  }
0x67: {  	s30 =	simm.s32 @p0 $0x18100;
	[sflag:s26] =	ssyncadd.s32 @p0 $0xFFFFFF80;
	s26 =	simm.s32 @p0 $0x80  }
0x68: {  	[spmem:s2] =	stream.indirect.scatter.add.f32 @p0 [tilespmem:s28], [sflag:$0x5], $0x80, s30, s26, $0xb8;
	[tilespmem:$0x18200] =	vst v63  }
0x69: {  	s28 =	simm.s32 @!p0 $0x18000;
	_ =	swait.ge @p0 [sflag:s29], $0x4000  }
0x6a: {  	s30 =	simm.s32 @!p0 $0x3;
	s26 =	rddreg [dreg:$0x7];
	[sflag:s29] =	ssyncset.done @p0 $0x0  }
0x6b: {  	[sflag:s29] =	ssyncadd.s32 @p0 $0xFFFFC000;
	s26 =	sadd.s32 @!p0 $0x0, s26;
	s29 =	simm.s32 @!p0 $0x0  }
0x6c: {  	[tilespmem:s28], [sflag:$0x1] =	stream.linear.gather @!p0 [hbm4b:s26+s29], $0x80, $0x38;
	[tilespmem:$0x18200] =	vst v63  }
0x6d: {  	_ =	swait.ge @!p0 [sflag:s30], $0x80  }
0x6e: {  	s31 =	simm.s32 @!p0 $0x18100;
	s26 =	simm.s32 @!p0 $0x14000;
	[sflag:s30] =	ssyncset.done @!p0 $0x0  }
0x6f: {  	s28 =	simm.s32 @!p0 $0x6;
	[sflag:s30] =	ssyncadd.s32 @!p0 $0xFFFFFF80;
	s30 =	simm.s32 @!p0 $0x80  }
0x70: {  	[spmem:s2] =	stream.indirect.scatter.add.f32 @!p0 [tilespmem:s26], [sflag:$0x5], $0x80, s31, s30, $0xb8;
	[tilespmem:$0x18200] =	vst v63  }
0x71: {  	_ =	swait.ge @!p0 [sflag:s28], $0x4000  }
0x72: {  	[sflag:s28] =	ssyncset.done @!p0 $0x0  }
0x73: {  	s26 =	sadd.s32 @!p0 $0x0, s13;
	[sflag:s28] =	ssyncadd.s32 @!p0 $0xFFFFC000;
	s28 =	simm.s32 @!p0 $0x18080  }
0x74: {  	[tilespmem:s28], [sflag:$0x2] =	stream.linear.gather @!p0 [hbm4b:s26+s29], $0x80, $0x38;
	[tilespmem:$0x18200] =	vst v63  }
0x75: {  	p1 =	por $0x0, $0x0;
	s26 =	simm.s32 $0x40;
	_ =	swait.ge [sflag:s23], $0x80  }
0x76: {  	s29 =	simm.s32 $0x80;
	s28 =	simm.s32 $0x1;
	[sflag:s23] =	ssyncset.done $0x0  }
.LBB2_6:
0x77: {  	s31 =	simm.s32 @!p1 $0x5;
	[sflag:s23] =	ssyncadd.s32 $0xFFFFFF80  }
0x78: {  	[spmem:s2] =	stream.indirect.scatter.add.f32 [tilespmem:s14], [sflag:$0x6], $0x80, s20, s19, $0xb8;
	[tilespmem:$0x18200] =	vst v63  }
0x79: {  	_ =	swait.ge @!p1 [sflag:s31], $0x4000  }
0x7a: {  	[sflag:s31] =	ssyncset.done @!p1 $0x0;
	s0 =	rddreg [dreg:$0x4]  }
0x7b: {  	s5 =	rddreg [dreg:$0x5];
	[sflag:s31] =	ssyncadd.s32 @!p1 $0xFFFFC000;
	s0 =	sadd.s32 s26, s0  }
0x7c: {  	[tilespmem:s5], [sflag:$0x3] =	stream.linear.gather [hbm4b:s0+s3], $0x80, $0x38;
	[tilespmem:$0x18200] =	vst v63  }
0x7d: {  	_ =	swait.ge [sflag:s18], $0x80  }
0x7e: {  	[sflag:s18] =	ssyncset.done $0x0  }
0x7f: {  	s0 =	simm.s32 @!p1 $0x6;
	[sflag:s18] =	ssyncadd.s32 $0xFFFFFF80  }
0x80: {  	[spmem:s2] =	stream.indirect.scatter.add.f32 [tilespmem:s14], [sflag:$0x5], $0x80, s16, s19, $0xb8;
	[tilespmem:$0x18200] =	vst v63  }
0x81: {  	_ =	swait.ge @!p1 [sflag:s0], $0x4000  }
0x82: {  	[sflag:s0] =	ssyncset.done @!p1 $0x0;
	s6 =	rddreg [dreg:$0x6]  }
0x83: {  	[sflag:s0] =	ssyncadd.s32 @!p1 $0xFFFFC000;
	s31 =	sadd.s32 s26, s6  }
0x84: {  	[tilespmem:s20], [sflag:$0x4] =	stream.linear.gather [hbm4b:s31+s3], $0x80, $0x38;
	[tilespmem:$0x18200] =	vst v63  }
0x85: {  	_ =	swait.ge [sflag:s21], $0x80  }
0x86: {  	[sflag:s21] =	ssyncset.done $0x0  }
0x87: {  	[sflag:s21] =	ssyncadd.s32 $0xFFFFFF80  }
0x88: {  	[spmem:s2] =	stream.indirect.scatter.add.f32 [tilespmem:s14], [sflag:$0x6], $0x80, s17, s19, $0xb8;
	[tilespmem:$0x18200] =	vst v63  }
0x89: {  	_ =	swait.ge [sflag:s22], $0x4000  }
0x8a: {  	p1 =	sgt.u32 s28, $0x8;
	[sflag:s22] =	ssyncset.done $0x0  }
0x8b: {  	s0 =	simm.s32 @p1 $0x3;
	[sflag:s22] =	ssyncadd.s32 $0xFFFFC000  }
0x8c: {  	_ =	swait.ge @p1 [sflag:s0], $0x80  }
0x8d: {  	s31 =	simm.s32 @p1 $0x14000;
	s1 =	simm.s32 @p1 $0x6;
	[sflag:s0] =	ssyncset.done @p1 $0x0  }
0x8e: {  	s5 =	simm.s32 @p1 $0x18100;
	[sflag:s0] =	ssyncadd.s32 @p1 $0xFFFFFF80;
	s0 =	simm.s32 @p1 $0x80  }
0x8f: {  	[spmem:s2] =	stream.indirect.scatter.add.f32 @p1 [tilespmem:s31], [sflag:$0x5], $0x80, s5, s0, $0xb8;
	[tilespmem:$0x18200] =	vst v63  }
0x90: {  	s5 =	simm.s32 @!p1 $0x18000;
	_ =	swait.ge @p1 [sflag:s1], $0x4000  }
0x91: {  	s31 =	simm.s32 @!p1 $0x3;
	s0 =	rddreg [dreg:$0x7];
	[sflag:s1] =	ssyncset.done @p1 $0x0  }
0x92: {  	[sflag:s1] =	ssyncadd.s32 @p1 $0xFFFFC000;
	s0 =	sadd.s32 @!p1 s26, s0;
	s1 =	simm.s32 @!p1 $0x0  }
0x93: {  	[tilespmem:s5], [sflag:$0x1] =	stream.linear.gather @!p1 [hbm4b:s0+s1], $0x80, $0x38;
	[tilespmem:$0x18200] =	vst v63  }
0x94: {  	s30 =	smov.u32 s29;
	s29 =	sadd.s32 $0x40, s29;
	_ =	swait.ge @!p1 [sflag:s31], $0x80  }
0x95: {  	s6 =	simm.s32 @!p1 $0x18100;
	s0 =	simm.s32 @!p1 $0x14000;
	[sflag:s31] =	ssyncset.done @!p1 $0x0  }
0x96: {  	s5 =	simm.s32 @!p1 $0x6;
	[sflag:s31] =	ssyncadd.s32 @!p1 $0xFFFFFF80;
	s31 =	simm.s32 @!p1 $0x80  }
0x97: {  	[spmem:s2] =	stream.indirect.scatter.add.f32 @!p1 [tilespmem:s0], [sflag:$0x5], $0x80, s6, s31, $0xb8;
	[tilespmem:$0x18200] =	vst v63  }
0x98: {  	p0 =	sne.s32 s29, $0x280;
	_ =	swait.ge @!p1 [sflag:s5], $0x4000  }
.Ltmp2:
0x99: {  	[sflag:s5] =	ssyncset.done @!p1 $0x0;
	(pc) =	sbr.rel @p0 .LBB2_6-.Ltmp2, $4  }
0x9a: {  	s0 =	sadd.s32 @!p1 s26, s13;
	[sflag:s5] =	ssyncadd.s32 @!p1 $0xFFFFC000;
	s5 =	simm.s32 @!p1 $0x18080  }
0x9b: {  	[tilespmem:s5], [sflag:$0x2] =	stream.linear.gather @!p1 [hbm4b:s0+s1], $0x80, $0x38;
	[tilespmem:$0x18200] =	vst v63  }
0x9c: {  	s26 =	smov.u32 s30;
	_ =	swait.ge [sflag:s23], $0x80  }
0x9d: {  	s28 =	sadd.s32 $0x1, s28;
	p1 =	seq.s32 s26, $0x0;
	[sflag:s23] =	ssyncset.done $0x0  }
0x9e: {  	s0 =	simm.s32 @!p1 $0x5;
	[sflag:s23] =	ssyncadd.s32 $0xFFFFFF80  }
0x9f: {  	[spmem:s2] =	stream.indirect.scatter.add.f32 [tilespmem:s14], [sflag:$0x6], $0x80, s20, s19, $0xb8;
	[tilespmem:$0x18200] =	vst v63  }
0xa0: {  	_ =	swait.ge @!p1 [sflag:s0], $0x4000  }
0xa1: {  	s1 =	rddreg [dreg:$0x4];
	[sflag:s0] =	ssyncset.done @!p1 $0x0  }
0xa2: {  	s5 =	rddreg [dreg:$0x5];
	[sflag:s0] =	ssyncadd.s32 @!p1 $0xFFFFC000;
	s1 =	sadd.s32 s26, s1  }
0xa3: {  	[tilespmem:s5], [sflag:$0x3] =	stream.linear.gather [hbm4b:s1+s3], $0x80, $0x38;
	[tilespmem:$0x18200] =	vst v63  }
0xa4: {  	_ =	swait.ge [sflag:s18], $0x80  }
0xa5: {  	[sflag:s18] =	ssyncset.done $0x0  }
0xa6: {  	s0 =	simm.s32 @!p1 $0x6;
	[sflag:s18] =	ssyncadd.s32 $0xFFFFFF80  }
0xa7: {  	[spmem:s2] =	stream.indirect.scatter.add.f32 [tilespmem:s14], [sflag:$0x5], $0x80, s16, s19, $0xb8;
	[tilespmem:$0x18200] =	vst v63  }
0xa8: {  	_ =	swait.ge @!p1 [sflag:s0], $0x4000  }
0xa9: {  	s6 =	rddreg [dreg:$0x6];
	[sflag:s0] =	ssyncset.done @!p1 $0x0  }
0xaa: {  	[sflag:s0] =	ssyncadd.s32 @!p1 $0xFFFFC000;
	s29 =	sadd.s32 s26, s6  }
0xab: {  	[tilespmem:s20], [sflag:$0x4] =	stream.linear.gather [hbm4b:s29+s3], $0x80, $0x38;
	[tilespmem:$0x18200] =	vst v63  }
0xac: {  	_ =	swait.ge [sflag:s21], $0x80  }
0xad: {  	[sflag:s21] =	ssyncset.done $0x0  }
0xae: {  	[sflag:s21] =	ssyncadd.s32 $0xFFFFFF80  }
0xaf: {  	[spmem:s2] =	stream.indirect.scatter.add.f32 [tilespmem:s14], [sflag:$0x6], $0x80, s17, s19, $0xb8;
	[tilespmem:$0x18200] =	vst v63  }
0xb0: {  	_ =	swait.ge [sflag:s22], $0x4000  }
0xb1: {  	p0 =	sgt.u32 s28, $0x8;
	[sflag:s22] =	ssyncset.done $0x0  }
0xb2: {  	s0 =	simm.s32 @p0 $0x3;
	[sflag:s22] =	ssyncadd.s32 $0xFFFFC000  }
0xb3: {  	_ =	swait.ge @p0 [sflag:s0], $0x80  }
0xb4: {  	s1 =	simm.s32 @p0 $0x14000;
	s5 =	simm.s32 @p0 $0x6;
	[sflag:s0] =	ssyncset.done @p0 $0x0  }
0xb5: {  	s6 =	simm.s32 @p0 $0x18100;
	[sflag:s0] =	ssyncadd.s32 @p0 $0xFFFFFF80;
	s0 =	simm.s32 @p0 $0x80  }
0xb6: {  	[spmem:s2] =	stream.indirect.scatter.add.f32 @p0 [tilespmem:s1], [sflag:$0x5], $0x80, s6, s0, $0xb8;
	[tilespmem:$0x18200] =	vst v63  }
0xb7: {  	s1 =	simm.s32 @!p0 $0x18000;
	_ =	swait.ge @p0 [sflag:s5], $0x4000  }
0xb8: {  	s6 =	simm.s32 @!p0 $0x3;
	s0 =	rddreg [dreg:$0x7];
	[sflag:s5] =	ssyncset.done @p0 $0x0  }
0xb9: {  	[sflag:s5] =	ssyncadd.s32 @p0 $0xFFFFC000;
	s0 =	sadd.s32 @!p0 s26, s0;
	s5 =	simm.s32 @!p0 $0x0  }
0xba: {  	[tilespmem:s1], [sflag:$0x1] =	stream.linear.gather @!p0 [hbm4b:s0+s5], $0x80, $0x38;
	[tilespmem:$0x18200] =	vst v63  }
0xbb: {  	_ =	swait.ge @!p0 [sflag:s6], $0x80  }
0xbc: {  	s28 =	simm.s32 @!p0 $0x18100;
	s0 =	simm.s32 @!p0 $0x14000;
	[sflag:s6] =	ssyncset.done @!p0 $0x0  }
0xbd: {  	s1 =	simm.s32 @!p0 $0x6;
	[sflag:s6] =	ssyncadd.s32 @!p0 $0xFFFFFF80;
	s6 =	simm.s32 @!p0 $0x80  }
0xbe: {  	[spmem:s2] =	stream.indirect.scatter.add.f32 @!p0 [tilespmem:s0], [sflag:$0x5], $0x80, s28, s6, $0xb8;
	[tilespmem:$0x18200] =	vst v63  }
0xbf: {  	_ =	swait.ge @!p0 [sflag:s1], $0x4000  }
0xc0: {  	[sflag:s1] =	ssyncset.done @!p0 $0x0  }
0xc1: {  	s0 =	sadd.s32 @!p0 s26, s13;
	[sflag:s1] =	ssyncadd.s32 @!p0 $0xFFFFC000;
	s1 =	simm.s32 @!p0 $0x18080  }
0xc2: {  	[tilespmem:s1], [sflag:$0x2] =	stream.linear.gather @!p0 [hbm4b:s0+s5], $0x80, $0x38;
	[tilespmem:$0x18200] =	vst v63  }
0xc3: {  	_ =	swait.ge [sflag:s23], $0x80  }
0xc4: {  	[sflag:s23] =	ssyncset.done $0x0  }
0xc5: {  	[sflag:s23] =	ssyncadd.s32 $0xFFFFFF80  }
0xc6: {  	[spmem:s2] =	stream.indirect.scatter.add.f32 [tilespmem:s14], [sflag:$0x6], $0x80, s20, s19, $0xb8;
	[tilespmem:$0x18200] =	vst v63  }
0xc7: {  	_ =	swait.ge [sflag:s22], $0x4000  }
0xc8: {  	[sflag:s22] =	ssyncset.done $0x0  }
0xc9: {  	[sflag:s22] =	ssyncadd.s32 $0xFFFFC000  }
0xca: {  	s30 =	stileid.u32;
	_ =	swait.ge [sflag:s24], $0x4000  }
0xcb: {  	s31 =	sshrl.u32 s4, $0x3;
	s25 =	sadd.s32 $0x1, s25;
	[sflag:s24] =	ssyncset.done $0x0  }
0xcc: {  	s0 =	sshll.u32 s30, $0x6;
	p0 =	sne.s32 s25, s8;
	[sflag:s24] =	ssyncadd.s32 $0xFFFFC000  }
.Ltmp3:
0xcd: {  	s0 =	sor.u32 $0x1C07, s0;
	[bflag:$0x0] =	sbarrier.arrive $0xFFFF;
	(pc) =	sbr.rel @p0 .LBB2_1-.Ltmp3, $4  }
0xce: {  	[hbm:s7], [sflag:s0] =	dma.local [spmem:s31], $0x2800  }
0xcf: {  	_ =	swait.ge [sflag:s15], $0x2800  }
0xd0: {  	[sflag:s15] =	ssyncset.done $0x0  }
0xd1: {  	[sflag:s15] =	ssyncadd.s32 $0xFFFFD800  }
0xd2: {  	_ =	sfence.sel $0x180000  }
0xd3: {  	[bflag:$0x0] =	sbarrier.arrive $0xFFFF  }
0xd4: {  	_ =	strace $0x90000047  }
0xd5: {  	s0 =	stileid.u32;
	[bflag:$0x2] =	sbarrier.arrive $0xFFFF  }
0xd6: {  	p0 =	sne.s32 s0, $0x0;
	s0 =	rddreg [dreg:$0x3]  }
0xd7: {  	s0 =	sadd.s32 @!p0 $0x100000, s0  }
0xd8: {  	[sflag:s0] =	ssyncadd.tile.s32 @!p0 $0x1;
	_ =	shalt  }
.Lfunc_end2:
_tile_overlayer_lowered:
.L_overlay_start_2:
0xd9: {  	(tag) =	ssettag $0x2  }
0xda: {  	s0 =	rddreg [dreg:$0x0];
	s2 =	stileid.u32  }
0xdb: {  	s1 =	rddreg [dreg:$0x1];
	p0 =	sne.s32 s2, $0x0  }
0xdc: {  	s3 =	rddreg [dreg:$0x2];
	[bflag:$0x3] =	sbarrier.arrive $0xFFFF;
	s2 =	simm.s32 @!p0 $0x1C07  }
0xdd: {  	[timem:s3], [sflag:s2] =	dma.local @!p0 [hbm:s0], s1  }
0xde: {  	s0 =	simm.s32 @!p0 $0x7  }
0xdf: {  	_ =	swait.ge @!p0 [sflag:s0], s1  }
0xe0: {  	s1 =	ssub.s32 @!p0 $0x0, s1;
	[sflag:s0] =	ssyncset.done @!p0 $0x0  }
0xe1: {  	[sflag:s0] =	ssyncadd.s32 @!p0 s1  }
0xe2: {  	[bflag:$0x3] =	sbarrier.arrive $0xFFFF  }
0xe3: {  	_ =	shalt  }

</sc_bundles>
